<compile_context>
chip_gen: v7x
topology: tpu7x:2x2x1
jax: 0.10.2.dev20260603
libtpu: 0.0.44.dev20260713+nightly
codegen_flags: <defaults>
</compile_context>

<pallas_src>
import functools

import jax
import jax.numpy as jnp
from jax import lax
from jax.experimental import pallas as pl
from jax.experimental.pallas import tpu as pltpu
from jax.experimental.pallas import tpu_sc as plsc

F32 = jnp.float32
I32 = jnp.int32
HI = jax.lax.Precision.HIGHEST

_N = 50000
_E = 1600000
_EL = 400000
_H = 20

_NC, _NS = 2, 16
_NW = _NC * _NS

_EPAD = 1638400
_ROWS_W = _EPAD // 128 // _NW
_CH_ROWS = 4
_NCHUNK = _ROWS_W // _CH_ROWS
_NACC = 50176
_NZR = _NACC // _NS

_ELPAD = 409600
_GW = _ELPAD // 128 // _NW


def _node_body(x_ref, nt_ref, w_ref, nb_ref, a_ref, hp_ref, wi_ref, wj_ref):
    xb = x_ref[...]
    nt = nt_ref[...]
    h = jnp.zeros((xb.shape[0], 32), F32)
    for t in range(3):
        wt = w_ref[t * 32:t * 32 + 20, :]
        m = (nt == t).astype(F32)
        h = h + m * (jax.lax.dot(xb, wt, precision=HI) + nb_ref[t:t + 1, :])
    wiwj = jax.lax.dot(h, a_ref[...], precision=HI)
    col = lax.broadcasted_iota(I32, (1, 32), 1)
    hp_ref[...] = h + (col == 20).astype(F32)
    wi_ref[...] = wiwj[:, 0:1]
    wj_ref[...] = wiwj[:, 1:2]


def _node_pass(x, nt2, wn, nbp, att_a):
    bn = 1000
    return pl.pallas_call(
        _node_body,
        grid=(_N // bn,),
        in_specs=[
            pl.BlockSpec((bn, 20), lambda i: (i, 0)),
            pl.BlockSpec((bn, 1), lambda i: (i, 0)),
            pl.BlockSpec((96, 32), lambda i: (0, 0)),
            pl.BlockSpec((8, 32), lambda i: (0, 0)),
            pl.BlockSpec((32, 8), lambda i: (0, 0)),
        ],
        out_specs=[
            pl.BlockSpec((bn, 32), lambda i: (i, 0)),
            pl.BlockSpec((bn, 1), lambda i: (i, 0)),
            pl.BlockSpec((bn, 1), lambda i: (i, 0)),
        ],
        out_shape=[
            jax.ShapeDtypeStruct((_N, 32), F32),
            jax.ShapeDtypeStruct((_N, 1), F32),
            jax.ShapeDtypeStruct((_N, 1), F32),
        ],
    )(x, nt2, wn, nbp, att_a)


def _we_body(ea_ref, et_ref, v_ref, we_ref):
    ea = ea_ref[...]
    et = et_ref[0]
    eaT = lax.transpose(ea, (1, 0))
    tvec = lax.broadcasted_iota(I32, (8, 1), 0)
    oh = (et == tvec).astype(F32)
    vsel = jax.lax.dot(v_ref[...], oh, precision=HI)
    m = eaT * vsel[:20, :]
    weT = jax.lax.dot(jnp.ones((1, 20), F32), m, precision=HI)
    we_ref[0] = weT + vsel[31:32, :]


def _we_pass(edge_attr, et3, vtp):
    be = 2000
    return pl.pallas_call(
        _we_body,
        grid=(_E // be,),
        in_specs=[
            pl.BlockSpec((be, 20), lambda i: (i, 0)),
            pl.BlockSpec((1, 1, be), lambda i: (i, 0, 0)),
            pl.BlockSpec((32, 8), lambda i: (0, 0)),
        ],
        out_specs=pl.BlockSpec((1, 1, be), lambda i: (i, 0, 0)),
        out_shape=jax.ShapeDtypeStruct((_E // be, 1, be), F32),
    )(edge_attr, et3, vtp)


def _edge_body(srcm, dstm, wem, wim, wjm, hpm, outm,
               accm, idx_s, idx_d, we_v, wig, wjg, hrows, zblk, sem):
    cid = lax.axis_index("c")
    sid = lax.axis_index("s")
    wid = cid * _NS + sid

    @pl.loop(0, 56)
    def _zfill(i):
        zblk[i, 0:16] = jnp.zeros((16,), F32)
        zblk[i, 16:32] = jnp.zeros((16,), F32)

    @pl.loop(0, _NZR // 56)
    def _zcopy(j):
        pltpu.sync_copy(zblk, accm.at[pl.ds(sid * _NZR + j * 56, 56)])

    plsc.subcore_barrier()

    @pl.loop(0, _NCHUNK)
    def _chunk(k):
        base = wid * _ROWS_W + k * _CH_ROWS
        pltpu.sync_copy(srcm.at[pl.ds(base, _CH_ROWS)], idx_s)
        pltpu.sync_copy(dstm.at[pl.ds(base, _CH_ROWS)], idx_d)
        pltpu.sync_copy(wem.at[pl.ds(base, _CH_ROWS)], we_v)
        cps = []
        for j in range(_CH_ROWS):
            cps.append(pltpu.async_copy(wim.at[idx_d.at[j]], wig.at[j], sem))
            cps.append(pltpu.async_copy(wjm.at[idx_s.at[j]], wjg.at[j], sem))
            cps.append(pltpu.async_copy(
                hpm.at[idx_s.at[j]], hrows.at[pl.ds(j * 128, 128)], sem))
        for c in cps:
            c.wait()

        @pl.loop(0, _CH_ROWS * 8)
        def _escale(i):
            j = i // 8
            off = (i % 8) * 16
            al = (we_v[j, pl.ds(off, 16)] + wig[j, pl.ds(off, 16)]
                  + wjg[j, pl.ds(off, 16)])
            al = jnp.maximum(al, 0.2 * al)
            e16 = jnp.exp(al)
            for t in range(16):
                r = i * 16 + t
                ev = jnp.full((16,), e16[t])
                hrows[r, 0:16] = hrows[r, 0:16] * ev
                hrows[r, 16:32] = hrows[r, 16:32] * ev

        for j in range(_CH_ROWS):
            pltpu.sync_copy(hrows.at[pl.ds(j * 128, 128)],
                            accm.at[idx_d.at[j]], add=True)

    plsc.subcore_barrier()
    pltpu.sync_copy(accm.at[pl.ds(sid * _NZR, _NZR)],
                    outm.at[cid].at[pl.ds(sid * _NZR, _NZR)])


def _edge_pass(srcp, dstp, wep, wi, wj, hp):
    f = functools.partial(
        pl.kernel,
        out_type=jax.ShapeDtypeStruct((_NC, _NACC, 32), F32),
        mesh=plsc.VectorSubcoreMesh(core_axis_name="c", subcore_axis_name="s"),
        compiler_params=pltpu.CompilerParams(use_tc_tiling_on_sc=False),
        scratch_types=[
            pltpu.VMEM_SHARED((_NACC, 32), F32),
            pltpu.VMEM((_CH_ROWS, 128), I32),
            pltpu.VMEM((_CH_ROWS, 128), I32),
            pltpu.VMEM((_CH_ROWS, 128), F32),
            pltpu.VMEM((_CH_ROWS, 128), F32),
            pltpu.VMEM((_CH_ROWS, 128), F32),
            pltpu.VMEM((_CH_ROWS * 128, 32), F32),
            pltpu.VMEM((56, 32), F32),
            pltpu.SemaphoreType.DMA,
        ],
    )(_edge_body)
    return f(srcp, dstp, wep, wi, wj, hp)


def _norm_body(a_ref, m_ref, z_ref):
    a = a_ref[0] + a_ref[1]
    sbro = jax.lax.dot(a, m_ref[...], precision=HI)
    z_ref[...] = a / (sbro + 1e-16)


def _norm_pass(accq, selm):
    bq = 896
    nq = _NACC * 32 // 128
    return pl.pallas_call(
        _norm_body,
        grid=(nq // bq,),
        in_specs=[
            pl.BlockSpec((_NC, bq, 128), lambda i: (0, i, 0)),
            pl.BlockSpec((128, 128), lambda i: (0, 0)),
        ],
        out_specs=pl.BlockSpec((bq, 128), lambda i: (i, 0)),
        out_shape=jax.ShapeDtypeStruct((nq, 128), F32),
    )(accq, selm)


def _dgather_body(rowm, colm, zm, outm, ridx, cidx, g0a, g1a, g0b, g1b,
                  sem_a, sem_b):
    cid = lax.axis_index("c")
    sid = lax.axis_index("s")
    wid = cid * _NS + sid
    base = wid * _GW
    pltpu.sync_copy(rowm.at[pl.ds(base, _GW)], ridx)
    pltpu.sync_copy(colm.at[pl.ds(base, _GW)], cidx)
    pltpu.async_copy(zm.at[ridx.at[0]], g0a, sem_a)
    pltpu.async_copy(zm.at[cidx.at[0]], g1a, sem_a)

    @pl.loop(0, _GW // 2)
    def _k(g):
        ka = 2 * g
        kb = 2 * g + 1
        pltpu.async_copy(zm.at[ridx.at[kb]], g0b, sem_b)
        pltpu.async_copy(zm.at[cidx.at[kb]], g1b, sem_b)
        pltpu.make_async_copy(zm.at[ridx.at[ka]], g0a, sem_a).wait()
        pltpu.make_async_copy(zm.at[cidx.at[ka]], g1a, sem_a).wait()
        ra = (base + ka) * 128
        pltpu.sync_copy(g0a, outm.at[0].at[pl.ds(ra, 128)])
        pltpu.sync_copy(g1a, outm.at[1].at[pl.ds(ra, 128)])

        @pl.when(g < _GW // 2 - 1)
        def _next():
            pltpu.async_copy(zm.at[ridx.at[ka + 2]], g0a, sem_a)
            pltpu.async_copy(zm.at[cidx.at[ka + 2]], g1a, sem_a)

        pltpu.make_async_copy(zm.at[ridx.at[kb]], g0b, sem_b).wait()
        pltpu.make_async_copy(zm.at[cidx.at[kb]], g1b, sem_b).wait()
        rb2 = (base + kb) * 128
        pltpu.sync_copy(g0b, outm.at[0].at[pl.ds(rb2, 128)])
        pltpu.sync_copy(g1b, outm.at[1].at[pl.ds(rb2, 128)])


def _dgather_pass(rowp, colp, z32):
    f = functools.partial(
        pl.kernel,
        out_type=jax.ShapeDtypeStruct((2, _ELPAD, 32), F32),
        mesh=plsc.VectorSubcoreMesh(core_axis_name="c", subcore_axis_name="s"),
        compiler_params=pltpu.CompilerParams(use_tc_tiling_on_sc=False),
        scratch_types=[
            pltpu.VMEM((_GW, 128), I32),
            pltpu.VMEM((_GW, 128), I32),
            pltpu.VMEM((128, 32), F32),
            pltpu.VMEM((128, 32), F32),
            pltpu.VMEM((128, 32), F32),
            pltpu.VMEM((128, 32), F32),
            pltpu.SemaphoreType.DMA,
            pltpu.SemaphoreType.DMA,
        ],
    )(_dgather_body)
    return f(rowp, colp, z32)


def _dec_body(g_ref, w1_ref, b1_ref, w2_ref, o_ref):
    g0 = g_ref[0]
    g1 = g_ref[1]
    bq = g0.shape[0]
    zs = [jnp.concatenate([g0[:, k * 32:(k + 1) * 32],
                           g1[:, k * 32:(k + 1) * 32]], axis=1)
          for k in range(4)]
    zmat = jnp.concatenate(zs, axis=0)
    zz = jnp.maximum(
        jax.lax.dot(zmat, w1_ref[...], precision=HI) + b1_ref[0:1, :], 0.0)
    p = jax.lax.dot(zz, w2_ref[...], precision=HI)
    o_ref[...] = jnp.concatenate(
        [p[k * bq:(k + 1) * bq] for k in range(4)], axis=1)


def _dec_pass(gq, w1ab, b1p, w2b):
    bq = 3200
    nq = _ELPAD // 4
    return pl.pallas_call(
        _dec_body,
        grid=(nq // bq,),
        in_specs=[
            pl.BlockSpec((2, bq, 128), lambda i: (0, i, 0)),
            pl.BlockSpec((64, 32), lambda i: (0, 0)),
            pl.BlockSpec((8, 32), lambda i: (0, 0)),
            pl.BlockSpec((32, 32), lambda i: (0, 0)),
        ],
        out_specs=pl.BlockSpec((bq, 128), lambda i: (i, 0)),
        out_shape=jax.ShapeDtypeStruct((nq, 128), F32),
    )(gq, w1ab, b1p, w2b)


def kernel(x, edge_index, node_type, edge_attr, edge_type, edge_label_index,
           node_W, node_b, edge_W, edge_b, att_W, att_b,
           dec1_W, dec1_b, dec2_W, dec2_b):
    h = _H
    a1 = att_W[:h, 0]
    a2 = att_W[h:2 * h, 0]
    a3 = att_W[2 * h:, 0]
    att_a = jnp.zeros((32, 8), F32).at[:h, 0].set(a1).at[:h, 1].set(a2)
    wn = jnp.zeros((3, 32, 32), F32).at[:, :h, :h].set(node_W).reshape(96, 32)
    nbp = jnp.zeros((8, 32), F32).at[:3, :h].set(node_b)
    v = jnp.einsum('tdh,h->td', edge_W, a3)
    c = edge_b @ a3 + att_b[0]
    vtp = (jnp.zeros((32, 8), F32).at[:h, :5].set(v.T).at[31, :5].set(c))

    nt2 = node_type.reshape(_N, 1).astype(I32)
    et3 = edge_type.reshape(-1, 1, 2000).astype(I32)

    hp, wi2, wj2 = _node_pass(x, nt2, wn, nbp, att_a)
    wi = wi2.reshape(_N)
    wj = wj2.reshape(_N)
    we = _we_pass(edge_attr, et3, vtp)

    pad = _EPAD - _E
    spread = (jnp.arange(pad, dtype=I32) * 37) % _N
    srcp = jnp.concatenate(
        [edge_index[0].astype(I32), spread]).reshape(-1, 128)
    dstp = jnp.concatenate(
        [edge_index[1].astype(I32), spread]).reshape(-1, 128)
    wep = jnp.concatenate(
        [we.reshape(_E), jnp.full((pad,), -1e30, F32)]).reshape(-1, 128)

    acc = _edge_pass(srcp, dstp, wep, wi, wj, hp)
    accq = acc.reshape(_NC, _NACC * 32 // 128, 128)
    rowi = lax.broadcasted_iota(I32, (128, 128), 0)
    coli = lax.broadcasted_iota(I32, (128, 128), 1)
    selm = (rowi == 20 + 32 * (coli // 32)).astype(F32)
    z32q = _norm_pass(accq, selm)
    z32 = z32q.reshape(_NACC, 32)

    lpad = _ELPAD - _EL
    rowp = jnp.concatenate(
        [edge_label_index[0].astype(I32), jnp.zeros((lpad,), I32)]
    ).reshape(-1, 128)
    colp = jnp.concatenate(
        [edge_label_index[1].astype(I32), jnp.zeros((lpad,), I32)]
    ).reshape(-1, 128)
    g = _dgather_pass(rowp, colp, z32)

    gq = g.reshape(2, _ELPAD // 4, 128)
    w1ab = (jnp.zeros((64, 32), F32)
            .at[0:h, 0:h].set(dec1_W[:h])
            .at[32:32 + h, 0:h].set(dec1_W[h:]))
    b1p = jnp.zeros((8, 32), F32).at[0, :h].set(dec1_b).at[0, 31].set(1.0)
    w2b = (jnp.zeros((32, 32), F32)
           .at[:h, :].set(jnp.broadcast_to(dec2_W[:, 0:1], (h, 32)))
           .at[31, :].set(dec2_b[0]))
    predq = _dec_pass(gq, w1ab, b1p, w2b)

    pred = lax.slice(predq, (0, 0), (_ELPAD // 4, 128), (1, 32))
    pred = pred.reshape(_ELPAD)[:_EL]
    z = z32[:_N, :h]
    return (pred, z)

# --- scband reference (transcript-rebuilt; emitter-appended) ---
"""Pipeline reference for scband-test-model-31104153158311 (READ-ONLY COPY).

The authoritative reference and input builder live on the scoring server;
editing this copy changes nothing except your own understanding.
"""

import jax, jax.numpy as jnp
import numpy as np

N = 50000
E = 1600000
EL = 400000
H = 20
ED = 20
NT = 3
ET = 5


def segment_softmax(alpha, index, num_segments):
    amax = jax.ops.segment_max(alpha, index, num_segments=num_segments)
    amax = jnp.where(jnp.isfinite(amax), amax, 0.0)
    e = jnp.exp(alpha - amax[index])
    s = jax.ops.segment_sum(e, index, num_segments=num_segments)
    return e / (s[index] + 1e-16)


def setup_inputs(seed: int = 0) -> dict:
    key = jax.random.key(seed)
    ks = jax.random.split(key, 16)
    inp = {}
    inp["x"] = jax.random.normal(ks[0], (N, H), dtype=jnp.float32)
    inp["edge_index"] = jax.random.randint(ks[1], (2, E), 0, N)
    inp["node_type"] = jax.random.randint(ks[2], (N,), 0, NT)
    inp["edge_attr"] = jax.random.normal(ks[3], (E, ED), dtype=jnp.float32)
    inp["edge_type"] = jax.random.randint(ks[4], (E,), 0, ET)
    inp["edge_label_index"] = jax.random.randint(ks[5], (2, EL), 0, N)
    sc = 1.0 / np.sqrt(H)
    inp["node_W"] = jax.random.normal(ks[6], (NT, H, H), dtype=jnp.float32) * sc
    inp["node_b"] = jnp.zeros((NT, H), dtype=jnp.float32)
    inp["edge_W"] = jax.random.normal(ks[7], (ET, ED, H), dtype=jnp.float32) * sc
    inp["edge_b"] = jnp.zeros((ET, H), dtype=jnp.float32)
    inp["att_W"] = jax.random.normal(ks[8], (3 * H, 1), dtype=jnp.float32) * (1.0 / np.sqrt(3 * H))
    inp["att_b"] = jnp.zeros((1,), dtype=jnp.float32)
    inp["dec1_W"] = jax.random.normal(ks[9], (2 * H, H), dtype=jnp.float32) * (1.0 / np.sqrt(2 * H))
    inp["dec1_b"] = jnp.zeros((H,), dtype=jnp.float32)
    inp["dec2_W"] = jax.random.normal(ks[10], (H, 1), dtype=jnp.float32) * sc
    inp["dec2_b"] = jnp.zeros((1,), dtype=jnp.float32)
    return inp


def reference(x, edge_index, node_type, edge_attr, edge_type, edge_label_index,
              node_W, node_b, edge_W, edge_b, att_W, att_b,
              dec1_W, dec1_b, dec2_W, dec2_b):
    # --- SIUGATConv encoder ---
    # HeteroLinear on nodes: per-type weight gather + matmul
    h = jnp.einsum('ni,nio->no', x, node_W[node_type]) + node_b[node_type]
    # HeteroLinear on edges
    ee = jnp.einsum('ei,eio->eo', edge_attr, edge_W[edge_type]) + edge_b[edge_type]
    src = edge_index[0]
    dst = edge_index[1]
    x_j = h[src]  # source / neighbor features
    x_i = h[dst]  # target features
    e_ij = jnp.concatenate([x_i, x_j, ee], axis=1)  # [E, 3H] = [E, 2*in + edge_dim]
    # single attention head (num_heads=1)
    alpha = e_ij @ att_W + att_b  # [E, 1]
    alpha = jax.nn.leaky_relu(alpha, negative_slope=0.2)
    alpha = segment_softmax(alpha, dst, N)  # softmax over incoming edges per dst
    msg = x_j * alpha  # [E, H]
    out = jax.ops.segment_sum(msg, dst, num_segments=N)  # aggr='add' -> [N, H]
    # concat=True with num_heads=1: view(-1, num_heads*out_channels) is identity
    z = out
    # --- testEdgeDecoder ---
    row = edge_label_index[0]
    col = edge_label_index[1]
    zz = jnp.concatenate([z[row], z[col]], axis=-1)  # [EL, 2H]
    zz = jax.nn.relu(zz @ dec1_W + dec1_b)
    pred = (zz @ dec2_W + dec2_b).reshape(-1)  # [EL]
    return (pred, z)

if __name__ == "__main__":
    import jax
    _d = setup_inputs()
    print(jax.jit(kernel)(*tuple(_d.values())))

</pallas_src>

<mosaic_0001>
#map = affine_map<(d0, d1) -> (0, 0)>
#map1 = affine_map<(d0, d1) -> (0)>
#map2 = affine_map<(d0, d1) -> (0, 0, 0)>
module attributes {stable_mosaic.version = 14 : i64} {
  func.func @_edge_body(%arg0: i32, %arg1: i32, %arg2: memref<12800x128xi32, #tpu.memory_space<hbm>>, %arg3: memref<12800x128xi32, #tpu.memory_space<hbm>>, %arg4: memref<12800x128xf32, #tpu.memory_space<hbm>>, %arg5: memref<50000xf32, #tpu.memory_space<hbm>>, %arg6: memref<50000xf32, #tpu.memory_space<hbm>>, %arg7: memref<50000x32xf32, #tpu.memory_space<hbm>>, %arg8: memref<2x50176x32xf32, #tpu.memory_space<hbm>>, %arg9: memref<50176x32xf32, #tpu.memory_space<vmem_shared>>, %arg10: memref<4x128xi32, #tpu.memory_space<vmem>>, %arg11: memref<4x128xi32, #tpu.memory_space<vmem>>, %arg12: memref<4x128xf32, #tpu.memory_space<vmem>>, %arg13: memref<4x128xf32, #tpu.memory_space<vmem>>, %arg14: memref<4x128xf32, #tpu.memory_space<vmem>>, %arg15: memref<512x32xf32, #tpu.memory_space<vmem>>, %arg16: memref<56x32xf32, #tpu.memory_space<vmem>>, %arg17: memref<!tpu.dma_semaphore, #tpu.memory_space<semaphore_mem>>) attributes {dimension_semantics = [#tpu.dimension_semantics<core_parallel>, #tpu.dimension_semantics<subcore_parallel>], iteration_bounds = array<i64: 2, 16>, scalar_prefetch = 0 : i64, scratch_operands = 9 : i64, tpu.core_type = #tpu.core_type<sc_vector_subcore>, window_params = [{transform_indices = #map}, {transform_indices = #map}, {transform_indices = #map}, {transform_indices = #map1}, {transform_indices = #map1}, {transform_indices = #map}, {transform_indices = #map2}]} {
    %mul3A = arith.constant 16 : i32
    %mul3A_0 = arith.muli %arg0, %mul3A : i32
    %add3A = arith.addi %mul3A_0, %arg1 : i32
    %scan3A = arith.constant 0 : i32
    %scan3A_1 = arith.constant 56 : i32
    %scan3A_2 = arith.addi %scan3A, %scan3A_1 : i32
    %scan3A_3 = arith.constant 1 : i32
    scf.for %scan3A_20 = %scan3A to %scan3A_2 step %scan3A_3  : i32 {
      %mul3A_21 = arith.constant 1 : i32
      %mul3A_22 = arith.muli %scan3A_20, %mul3A_21 : i32
      %add3A_23 = arith.constant 0 : i32
      %add3A_24 = arith.addi %add3A_23, %mul3A_22 : i32
      %broadcast_in_dim3A = arith.constant 0.000000e+00 : f32
      %broadcast_in_dim3A_25 = vector.broadcast %broadcast_in_dim3A : f32 to vector<16xf32>
      %swap3A = arith.index_cast %add3A_24 : i32 to index
      %swap3A_26 = arith.constant 0 : index
      %swap3A_27 = tpu.vector_load %arg16[%swap3A, %swap3A_26] {strides = array<i32>} : memref<56x32xf32, #tpu.memory_space<vmem>>, vector<1x16xf32>,
      %swap3A_28 = vector.shape_cast %swap3A_27 : vector<1x16xf32> to vector<16xf32>
      %swap3A_29 = vector.shape_cast %broadcast_in_dim3A_25 : vector<16xf32> to vector<1x16xf32>
      tpu.vector_store %arg16[%swap3A, %swap3A_26], %swap3A_29 {strides = array<i32>} : memref<56x32xf32, #tpu.memory_space<vmem>>, vector<1x16xf32>,
      %broadcast_in_dim3A_30 = arith.constant 0.000000e+00 : f32
      %broadcast_in_dim3A_31 = vector.broadcast %broadcast_in_dim3A_30 : f32 to vector<16xf32>
      %swap3A_32 = arith.index_cast %add3A_24 : i32 to index
      %swap3A_33 = arith.constant 16 : index
      %swap3A_34 = tpu.vector_load %arg16[%swap3A_32, %swap3A_33] {strides = array<i32>} : memref<56x32xf32, #tpu.memory_space<vmem>>, vector<1x16xf32>,
      %swap3A_35 = vector.shape_cast %swap3A_34 : vector<1x16xf32> to vector<16xf32>
      %swap3A_36 = vector.shape_cast %broadcast_in_dim3A_31 : vector<16xf32> to vector<1x16xf32>
      tpu.vector_store %arg16[%swap3A_32, %swap3A_33], %swap3A_36 {strides = array<i32>} : memref<56x32xf32, #tpu.memory_space<vmem>>, vector<1x16xf32>,
    }
    %scan3A_4 = arith.constant 56 : i32
    %scan3A_5 = arith.constant 0 : i32
    %scan3A_6 = arith.constant 56 : i32
    %scan3A_7 = arith.addi %scan3A_5, %scan3A_6 : i32
    %scan3A_8 = arith.constant 1 : i32
    scf.for %scan3A_20 = %scan3A_5 to %scan3A_7 step %scan3A_8  : i32 {
      %mul3A_21 = arith.constant 1 : i32
      %mul3A_22 = arith.muli %scan3A_20, %mul3A_21 : i32
      %add3A_23 = arith.constant 0 : i32
      %add3A_24 = arith.addi %add3A_23, %mul3A_22 : i32
      %mul3A_25 = arith.constant 3136 : i32
      %mul3A_26 = arith.muli %arg1, %mul3A_25 : i32
      %mul3A_27 = arith.constant 56 : i32
      %mul3A_28 = arith.muli %add3A_24, %mul3A_27 : i32
      %add3A_29 = arith.addi %mul3A_26, %mul3A_28 : i32
      "tpu.region"() ({
        %run_scoped3A = tpu.sem_alloc : memref<!tpu.dma_semaphore, #tpu.memory_space<semaphore_mem>>
        %dma_start3A = arith.constant 0 : i32
        %dma_start3A_30 = tpu.memref_slice %arg9[%add3A_29, %dma_start3A] : memref<50176x32xf32, #tpu.memory_space<vmem_shared>> -> memref<56x32xf32, #tpu.memory_space<vmem_shared>>
        %dma_start3A_31 = arith.constant 0 : i32
        %dma_start3A_32 = tpu.memref_slice %arg9[%add3A_29, %dma_start3A_31] : memref<50176x32xf32, #tpu.memory_space<vmem_shared>> -> memref<56x32xf32, #tpu.memory_space<vmem_shared>>
        tpu.enqueue_dma source(%arg16 : memref<56x32xf32, #tpu.memory_space<vmem>>) target(%dma_start3A_32 : memref<56x32xf32, #tpu.memory_space<vmem_shared>>) target_semaphore(%run_scoped3A : memref<!tpu.dma_semaphore, #tpu.memory_space<semaphore_mem>>)
        %dma_wait3A = arith.constant 0 : i32
        %dma_wait3A_33 = tpu.memref_slice %arg9[%add3A_29, %dma_wait3A] : memref<50176x32xf32, #tpu.memory_space<vmem_shared>> -> memref<56x32xf32, #tpu.memory_space<vmem_shared>>
        %dma_wait3A_34 = arith.constant 0 : i32
        %dma_wait3A_35 = tpu.memref_slice %arg9[%add3A_29, %dma_wait3A_34] : memref<50176x32xf32, #tpu.memory_space<vmem_shared>> -> memref<56x32xf32, #tpu.memory_space<vmem_shared>>
        tpu.wait_dma2 semaphore(%run_scoped3A : memref<!tpu.dma_semaphore, #tpu.memory_space<semaphore_mem>>) src(%arg16 : memref<56x32xf32, #tpu.memory_space<vmem>>) dst(%dma_wait3A_35 : memref<56x32xf32, #tpu.memory_space<vmem_shared>>)
        tpu.yield
      }) : () -> ()
    }
    %scan3A_9 = arith.constant 56 : i32
    %barrier3A = arith.constant 0 : index
    tpu.barrier barrier_id(%barrier3A)
    %scan3A_10 = arith.constant 0 : i32
    %scan3A_11 = arith.constant 100 : i32
    %scan3A_12 = arith.addi %scan3A_10, %scan3A_11 : i32
    %scan3A_13 = arith.constant 1 : i32
    scf.for %scan3A_20 = %scan3A_10 to %scan3A_12 step %scan3A_13  : i32 {
      %mul3A_21 = arith.constant 1 : i32
      %mul3A_22 = arith.muli %scan3A_20, %mul3A_21 : i32
      %add3A_23 = arith.constant 0 : i32
      %add3A_24 = arith.addi %add3A_23, %mul3A_22 : i32
      %mul3A_25 = arith.constant 400 : i32
      %mul3A_26 = arith.muli %add3A, %mul3A_25 : i32
      %mul3A_27 = arith.constant 4 : i32
      %mul3A_28 = arith.muli %add3A_24, %mul3A_27 : i32
      %add3A_29 = arith.addi %mul3A_26, %mul3A_28 : i32
      "tpu.region"() ({
        %run_scoped3A_276 = tpu.sem_alloc : memref<!tpu.dma_semaphore, #tpu.memory_space<semaphore_mem>>
        %dma_start3A_277 = arith.constant 0 : i32
        %dma_start3A_278 = tpu.memref_slice %arg2[%add3A_29, %dma_start3A_277] : memref<12800x128xi32, #tpu.memory_space<hbm>> -> memref<4x128xi32, #tpu.memory_space<hbm>>
        %dma_start3A_279 = arith.constant 0 : i32
        %dma_start3A_280 = tpu.memref_slice %arg2[%add3A_29, %dma_start3A_279] : memref<12800x128xi32, #tpu.memory_space<hbm>> -> memref<4x128xi32, #tpu.memory_space<hbm>>
        tpu.enqueue_dma source(%dma_start3A_280 : memref<4x128xi32, #tpu.memory_space<hbm>>) target(%arg10 : memref<4x128xi32, #tpu.memory_space<vmem>>) target_semaphore(%run_scoped3A_276 : memref<!tpu.dma_semaphore, #tpu.memory_space<semaphore_mem>>)
        %dma_wait3A_281 = arith.constant 0 : i32
        %dma_wait3A_282 = tpu.memref_slice %arg2[%add3A_29, %dma_wait3A_281] : memref<12800x128xi32, #tpu.memory_space<hbm>> -> memref<4x128xi32, #tpu.memory_space<hbm>>
        %dma_wait3A_283 = arith.constant 0 : i32
        %dma_wait3A_284 = tpu.memref_slice %arg2[%add3A_29, %dma_wait3A_283] : memref<12800x128xi32, #tpu.memory_space<hbm>> -> memref<4x128xi32, #tpu.memory_space<hbm>>
        tpu.wait_dma2 semaphore(%run_scoped3A_276 : memref<!tpu.dma_semaphore, #tpu.memory_space<semaphore_mem>>) src(%dma_wait3A_284 : memref<4x128xi32, #tpu.memory_space<hbm>>) dst(%arg10 : memref<4x128xi32, #tpu.memory_space<vmem>>)
        tpu.yield
      }) : () -> ()
      "tpu.region"() ({
        %run_scoped3A_276 = tpu.sem_alloc : memref<!tpu.dma_semaphore, #tpu.memory_space<semaphore_mem>>
        %dma_start3A_277 = arith.constant 0 : i32
        %dma_start3A_278 = tpu.memref_slice %arg3[%add3A_29, %dma_start3A_277] : memref<12800x128xi32, #tpu.memory_space<hbm>> -> memref<4x128xi32, #tpu.memory_space<hbm>>
        %dma_start3A_279 = arith.constant 0 : i32
        %dma_start3A_280 = tpu.memref_slice %arg3[%add3A_29, %dma_start3A_279] : memref<12800x128xi32, #tpu.memory_space<hbm>> -> memref<4x128xi32, #tpu.memory_space<hbm>>
        tpu.enqueue_dma source(%dma_start3A_280 : memref<4x128xi32, #tpu.memory_space<hbm>>) target(%arg11 : memref<4x128xi32, #tpu.memory_space<vmem>>) target_semaphore(%run_scoped3A_276 : memref<!tpu.dma_semaphore, #tpu.memory_space<semaphore_mem>>)
        %dma_wait3A_281 = arith.constant 0 : i32
        %dma_wait3A_282 = tpu.memref_slice %arg3[%add3A_29, %dma_wait3A_281] : memref<12800x128xi32, #tpu.memory_space<hbm>> -> memref<4x128xi32, #tpu.memory_space<hbm>>
        %dma_wait3A_283 = arith.constant 0 : i32
        %dma_wait3A_284 = tpu.memref_slice %arg3[%add3A_29, %dma_wait3A_283] : memref<12800x128xi32, #tpu.memory_space<hbm>> -> memref<4x128xi32, #tpu.memory_space<hbm>>
        tpu.wait_dma2 semaphore(%run_scoped3A_276 : memref<!tpu.dma_semaphore, #tpu.memory_space<semaphore_mem>>) src(%dma_wait3A_284 : memref<4x128xi32, #tpu.memory_space<hbm>>) dst(%arg11 : memref<4x128xi32, #tpu.memory_space<vmem>>)
        tpu.yield
      }) : () -> ()
      "tpu.region"() ({
        %run_scoped3A_276 = tpu.sem_alloc : memref<!tpu.dma_semaphore, #tpu.memory_space<semaphore_mem>>
        %dma_start3A_277 = arith.constant 0 : i32
        %dma_start3A_278 = tpu.memref_slice %arg4[%add3A_29, %dma_start3A_277] : memref<12800x128xf32, #tpu.memory_space<hbm>> -> memref<4x128xf32, #tpu.memory_space<hbm>>
        %dma_start3A_279 = arith.constant 0 : i32
        %dma_start3A_280 = tpu.memref_slice %arg4[%add3A_29, %dma_start3A_279] : memref<12800x128xf32, #tpu.memory_space<hbm>> -> memref<4x128xf32, #tpu.memory_space<hbm>>
        tpu.enqueue_dma source(%dma_start3A_280 : memref<4x128xf32, #tpu.memory_space<hbm>>) target(%arg12 : memref<4x128xf32, #tpu.memory_space<vmem>>) target_semaphore(%run_scoped3A_276 : memref<!tpu.dma_semaphore, #tpu.memory_space<semaphore_mem>>)
        %dma_wait3A_281 = arith.constant 0 : i32
        %dma_wait3A_282 = tpu.memref_slice %arg4[%add3A_29, %dma_wait3A_281] : memref<12800x128xf32, #tpu.memory_space<hbm>> -> memref<4x128xf32, #tpu.memory_space<hbm>>
        %dma_wait3A_283 = arith.constant 0 : i32
        %dma_wait3A_284 = tpu.memref_slice %arg4[%add3A_29, %dma_wait3A_283] : memref<12800x128xf32, #tpu.memory_space<hbm>> -> memref<4x128xf32, #tpu.memory_space<hbm>>
        tpu.wait_dma2 semaphore(%run_scoped3A_276 : memref<!tpu.dma_semaphore, #tpu.memory_space<semaphore_mem>>) src(%dma_wait3A_284 : memref<4x128xf32, #tpu.memory_space<hbm>>) dst(%arg12 : memref<4x128xf32, #tpu.memory_space<vmem>>)
        tpu.yield
      }) : () -> ()
      %dma_start3A = arith.constant 0 : i32
      %dma_start3A_30 = arith.constant 0 : i32
      %dma_start3A_31 = arith.constant 0 : i32
      %dma_start3A_32 = tpu.memref_slice %arg13[%dma_start3A_30, %dma_start3A_31] : memref<4x128xf32, #tpu.memory_space<vmem>> -> memref<1x128xf32, #tpu.memory_space<vmem>>
      %dma_start3A_33 = tpu.memref_squeeze %dma_start3A_32 : memref<1x128xf32, #tpu.memory_space<vmem>> -> memref<128xf32, #tpu.memory_space<vmem>>
      %dma_start3A_34 = arith.constant 0 : i32
      %dma_start3A_35 = tpu.memref_slice %arg11[%dma_start3A, %dma_start3A_34] : memref<4x128xi32, #tpu.memory_space<vmem>> -> memref<1x128xi32, #tpu.memory_space<vmem>>
      %dma_start3A_36 = tpu.memref_squeeze %dma_start3A_35 : memref<1x128xi32, #tpu.memory_space<vmem>> -> memref<128xi32, #tpu.memory_space<vmem>>
      %dma_start3A_37 = arith.constant 0 : i32
      %dma_start3A_38 = tpu.memref_slice %arg5[%dma_start3A_37] : memref<50000xf32, #tpu.memory_space<hbm>> -> memref<50000xf32, #tpu.memory_space<hbm>>
      tpu.enqueue_indirect_dma source(%dma_start3A_38 : memref<50000xf32, #tpu.memory_space<hbm>>) target(%dma_start3A_33 : memref<128xf32, #tpu.memory_space<vmem>>) offsets(%dma_start3A_36 : memref<128xi32, #tpu.memory_space<vmem>>) semaphore(%arg17 : memref<!tpu.dma_semaphore, #tpu.memory_space<semaphore_mem>>)
      %dma_start3A_39 = arith.constant 0 : i32
      %dma_start3A_40 = arith.constant 0 : i32
      %dma_start3A_41 = arith.constant 0 : i32
      %dma_start3A_42 = tpu.memref_slice %arg14[%dma_start3A_40, %dma_start3A_41] : memref<4x128xf32, #tpu.memory_space<vmem>> -> memref<1x128xf32, #tpu.memory_space<vmem>>
      %dma_start3A_43 = tpu.memref_squeeze %dma_start3A_42 : memref<1x128xf32, #tpu.memory_space<vmem>> -> memref<128xf32, #tpu.memory_space<vmem>>
      %dma_start3A_44 = arith.constant 0 : i32
      %dma_start3A_45 = tpu.memref_slice %arg10[%dma_start3A_39, %dma_start3A_44] : memref<4x128xi32, #tpu.memory_space<vmem>> -> memref<1x128xi32, #tpu.memory_space<vmem>>
      %dma_start3A_46 = tpu.memref_squeeze %dma_start3A_45 : memref<1x128xi32, #tpu.memory_space<vmem>> -> memref<128xi32, #tpu.memory_space<vmem>>
      %dma_start3A_47 = arith.constant 0 : i32
      %dma_start3A_48 = tpu.memref_slice %arg6[%dma_start3A_47] : memref<50000xf32, #tpu.memory_space<hbm>> -> memref<50000xf32, #tpu.memory_space<hbm>>
      tpu.enqueue_indirect_dma source(%dma_start3A_48 : memref<50000xf32, #tpu.memory_space<hbm>>) target(%dma_start3A_43 : memref<128xf32, #tpu.memory_space<vmem>>) offsets(%dma_start3A_46 : memref<128xi32, #tpu.memory_space<vmem>>) semaphore(%arg17 : memref<!tpu.dma_semaphore, #tpu.memory_space<semaphore_mem>>)
      %dma_start3A_49 = arith.constant 0 : i32
      %dma_start3A_50 = arith.constant 0 : i32
      %dma_start3A_51 = arith.constant 0 : i32
      %dma_start3A_52 = tpu.memref_slice %arg15[%dma_start3A_50, %dma_start3A_51] : memref<512x32xf32, #tpu.memory_space<vmem>> -> memref<128x32xf32, #tpu.memory_space<vmem>>
      %dma_start3A_53 = arith.constant 0 : i32
      %dma_start3A_54 = tpu.memref_slice %arg10[%dma_start3A_49, %dma_start3A_53] : memref<4x128xi32, #tpu.memory_space<vmem>> -> memref<1x128xi32, #tpu.memory_space<vmem>>
      %dma_start3A_55 = tpu.memref_squeeze %dma_start3A_54 : memref<1x128xi32, #tpu.memory_space<vmem>> -> memref<128xi32, #tpu.memory_space<vmem>>
      %dma_start3A_56 = arith.constant 0 : i32
      %dma_start3A_57 = arith.constant 0 : i32
      %dma_start3A_58 = tpu.memref_slice %arg7[%dma_start3A_56, %dma_start3A_57] : memref<50000x32xf32, #tpu.memory_space<hbm>> -> memref<50000x32xf32, #tpu.memory_space<hbm>>
      tpu.enqueue_indirect_dma source(%dma_start3A_58 : memref<50000x32xf32, #tpu.memory_space<hbm>>) target(%dma_start3A_52 : memref<128x32xf32, #tpu.memory_space<vmem>>) offsets(%dma_start3A_55 : memref<128xi32, #tpu.memory_space<vmem>>) semaphore(%arg17 : memref<!tpu.dma_semaphore, #tpu.memory_space<semaphore_mem>>)
      %dma_start3A_59 = arith.constant 1 : i32
      %dma_start3A_60 = arith.constant 1 : i32
      %dma_start3A_61 = arith.constant 0 : i32
      %dma_start3A_62 = tpu.memref_slice %arg13[%dma_start3A_60, %dma_start3A_61] : memref<4x128xf32, #tpu.memory_space<vmem>> -> memref<1x128xf32, #tpu.memory_space<vmem>>
      %dma_start3A_63 = tpu.memref_squeeze %dma_start3A_62 : memref<1x128xf32, #tpu.memory_space<vmem>> -> memref<128xf32, #tpu.memory_space<vmem>>
      %dma_start3A_64 = arith.constant 0 : i32
      %dma_start3A_65 = tpu.memref_slice %arg11[%dma_start3A_59, %dma_start3A_64] : memref<4x128xi32, #tpu.memory_space<vmem>> -> memref<1x128xi32, #tpu.memory_space<vmem>>
      %dma_start3A_66 = tpu.memref_squeeze %dma_start3A_65 : memref<1x128xi32, #tpu.memory_space<vmem>> -> memref<128xi32, #tpu.memory_space<vmem>>
      %dma_start3A_67 = arith.constant 0 : i32
      %dma_start3A_68 = tpu.memref_slice %arg5[%dma_start3A_67] : memref<50000xf32, #tpu.memory_space<hbm>> -> memref<50000xf32, #tpu.memory_space<hbm>>
      tpu.enqueue_indirect_dma source(%dma_start3A_68 : memref<50000xf32, #tpu.memory_space<hbm>>) target(%dma_start3A_63 : memref<128xf32, #tpu.memory_space<vmem>>) offsets(%dma_start3A_66 : memref<128xi32, #tpu.memory_space<vmem>>) semaphore(%arg17 : memref<!tpu.dma_semaphore, #tpu.memory_space<semaphore_mem>>)
      %dma_start3A_69 = arith.constant 1 : i32
      %dma_start3A_70 = arith.constant 1 : i32
      %dma_start3A_71 = arith.constant 0 : i32
      %dma_start3A_72 = tpu.memref_slice %arg14[%dma_start3A_70, %dma_start3A_71] : memref<4x128xf32, #tpu.memory_space<vmem>> -> memref<1x128xf32, #tpu.memory_space<vmem>>
      %dma_start3A_73 = tpu.memref_squeeze %dma_start3A_72 : memref<1x128xf32, #tpu.memory_space<vmem>> -> memref<128xf32, #tpu.memory_space<vmem>>
      %dma_start3A_74 = arith.constant 0 : i32
      %dma_start3A_75 = tpu.memref_slice %arg10[%dma_start3A_69, %dma_start3A_74] : memref<4x128xi32, #tpu.memory_space<vmem>> -> memref<1x128xi32, #tpu.memory_space<vmem>>
      %dma_start3A_76 = tpu.memref_squeeze %dma_start3A_75 : memref<1x128xi32, #tpu.memory_space<vmem>> -> memref<128xi32, #tpu.memory_space<vmem>>
      %dma_start3A_77 = arith.constant 0 : i32
      %dma_start3A_78 = tpu.memref_slice %arg6[%dma_start3A_77] : memref<50000xf32, #tpu.memory_space<hbm>> -> memref<50000xf32, #tpu.memory_space<hbm>>
      tpu.enqueue_indirect_dma source(%dma_start3A_78 : memref<50000xf32, #tpu.memory_space<hbm>>) target(%dma_start3A_73 : memref<128xf32, #tpu.memory_space<vmem>>) offsets(%dma_start3A_76 : memref<128xi32, #tpu.memory_space<vmem>>) semaphore(%arg17 : memref<!tpu.dma_semaphore, #tpu.memory_space<semaphore_mem>>)
      %dma_start3A_79 = arith.constant 1 : i32
      %dma_start3A_80 = arith.constant 128 : i32
      %dma_start3A_81 = arith.constant 0 : i32
      %dma_start3A_82 = tpu.memref_slice %arg15[%dma_start3A_80, %dma_start3A_81] : memref<512x32xf32, #tpu.memory_space<vmem>> -> memref<128x32xf32, #tpu.memory_space<vmem>>
      %dma_start3A_83 = arith.constant 0 : i32
      %dma_start3A_84 = tpu.memref_slice %arg10[%dma_start3A_79, %dma_start3A_83] : memref<4x128xi32, #tpu.memory_space<vmem>> -> memref<1x128xi32, #tpu.memory_space<vmem>>
      %dma_start3A_85 = tpu.memref_squeeze %dma_start3A_84 : memref<1x128xi32, #tpu.memory_space<vmem>> -> memref<128xi32, #tpu.memory_space<vmem>>
      %dma_start3A_86 = arith.constant 0 : i32
      %dma_start3A_87 = arith.constant 0 : i32
      %dma_start3A_88 = tpu.memref_slice %arg7[%dma_start3A_86, %dma_start3A_87] : memref<50000x32xf32, #tpu.memory_space<hbm>> -> memref<50000x32xf32, #tpu.memory_space<hbm>>
      tpu.enqueue_indirect_dma source(%dma_start3A_88 : memref<50000x32xf32, #tpu.memory_space<hbm>>) target(%dma_start3A_82 : memref<128x32xf32, #tpu.memory_space<vmem>>) offsets(%dma_start3A_85 : memref<128xi32, #tpu.memory_space<vmem>>) semaphore(%arg17 : memref<!tpu.dma_semaphore, #tpu.memory_space<semaphore_mem>>)
      %dma_start3A_89 = arith.constant 2 : i32
      %dma_start3A_90 = arith.constant 2 : i32
      %dma_start3A_91 = arith.constant 0 : i32
      %dma_start3A_92 = tpu.memref_slice %arg13[%dma_start3A_90, %dma_start3A_91] : memref<4x128xf32, #tpu.memory_space<vmem>> -> memref<1x128xf32, #tpu.memory_space<vmem>>
      %dma_start3A_93 = tpu.memref_squeeze %dma_start3A_92 : memref<1x128xf32, #tpu.memory_space<vmem>> -> memref<128xf32, #tpu.memory_space<vmem>>
      %dma_start3A_94 = arith.constant 0 : i32
      %dma_start3A_95 = tpu.memref_slice %arg11[%dma_start3A_89, %dma_start3A_94] : memref<4x128xi32, #tpu.memory_space<vmem>> -> memref<1x128xi32, #tpu.memory_space<vmem>>
      %dma_start3A_96 = tpu.memref_squeeze %dma_start3A_95 : memref<1x128xi32, #tpu.memory_space<vmem>> -> memref<128xi32, #tpu.memory_space<vmem>>
      %dma_start3A_97 = arith.constant 0 : i32
      %dma_start3A_98 = tpu.memref_slice %arg5[%dma_start3A_97] : memref<50000xf32, #tpu.memory_space<hbm>> -> memref<50000xf32, #tpu.memory_space<hbm>>
      tpu.enqueue_indirect_dma source(%dma_start3A_98 : memref<50000xf32, #tpu.memory_space<hbm>>) target(%dma_start3A_93 : memref<128xf32, #tpu.memory_space<vmem>>) offsets(%dma_start3A_96 : memref<128xi32, #tpu.memory_space<vmem>>) semaphore(%arg17 : memref<!tpu.dma_semaphore, #tpu.memory_space<semaphore_mem>>)
      %dma_start3A_99 = arith.constant 2 : i32
      %dma_start3A_100 = arith.constant 2 : i32
      %dma_start3A_101 = arith.constant 0 : i32
      %dma_start3A_102 = tpu.memref_slice %arg14[%dma_start3A_100, %dma_start3A_101] : memref<4x128xf32, #tpu.memory_space<vmem>> -> memref<1x128xf32, #tpu.memory_space<vmem>>
      %dma_start3A_103 = tpu.memref_squeeze %dma_start3A_102 : memref<1x128xf32, #tpu.memory_space<vmem>> -> memref<128xf32, #tpu.memory_space<vmem>>
      %dma_start3A_104 = arith.constant 0 : i32
      %dma_start3A_105 = tpu.memref_slice %arg10[%dma_start3A_99, %dma_start3A_104] : memref<4x128xi32, #tpu.memory_space<vmem>> -> memref<1x128xi32, #tpu.memory_space<vmem>>
      %dma_start3A_106 = tpu.memref_squeeze %dma_start3A_105 : memref<1x128xi32, #tpu.memory_space<vmem>> -> memref<128xi32, #tpu.memory_space<vmem>>
      %dma_start3A_107 = arith.constant 0 : i32
      %dma_start3A_108 = tpu.memref_slice %arg6[%dma_start3A_107] : memref<50000xf32, #tpu.memory_space<hbm>> -> memref<50000xf32, #tpu.memory_space<hbm>>
      tpu.enqueue_indirect_dma source(%dma_start3A_108 : memref<50000xf32, #tpu.memory_space<hbm>>) target(%dma_start3A_103 : memref<128xf32, #tpu.memory_space<vmem>>) offsets(%dma_start3A_106 : memref<128xi32, #tpu.memory_space<vmem>>) semaphore(%arg17 : memref<!tpu.dma_semaphore, #tpu.memory_space<semaphore_mem>>)
      %dma_start3A_109 = arith.constant 2 : i32
      %dma_start3A_110 = arith.constant 256 : i32
      %dma_start3A_111 = arith.constant 0 : i32
      %dma_start3A_112 = tpu.memref_slice %arg15[%dma_start3A_110, %dma_start3A_111] : memref<512x32xf32, #tpu.memory_space<vmem>> -> memref<128x32xf32, #tpu.memory_space<vmem>>
      %dma_start3A_113 = arith.constant 0 : i32
      %dma_start3A_114 = tpu.memref_slice %arg10[%dma_start3A_109, %dma_start3A_113] : memref<4x128xi32, #tpu.memory_space<vmem>> -> memref<1x128xi32, #tpu.memory_space<vmem>>
      %dma_start3A_115 = tpu.memref_squeeze %dma_start3A_114 : memref<1x128xi32, #tpu.memory_space<vmem>> -> memref<128xi32, #tpu.memory_space<vmem>>
      %dma_start3A_116 = arith.constant 0 : i32
      %dma_start3A_117 = arith.constant 0 : i32
      %dma_start3A_118 = tpu.memref_slice %arg7[%dma_start3A_116, %dma_start3A_117] : memref<50000x32xf32, #tpu.memory_space<hbm>> -> memref<50000x32xf32, #tpu.memory_space<hbm>>
      tpu.enqueue_indirect_dma source(%dma_start3A_118 : memref<50000x32xf32, #tpu.memory_space<hbm>>) target(%dma_start3A_112 : memref<128x32xf32, #tpu.memory_space<vmem>>) offsets(%dma_start3A_115 : memref<128xi32, #tpu.memory_space<vmem>>) semaphore(%arg17 : memref<!tpu.dma_semaphore, #tpu.memory_space<semaphore_mem>>)
      %dma_start3A_119 = arith.constant 3 : i32
      %dma_start3A_120 = arith.constant 3 : i32
      %dma_start3A_121 = arith.constant 0 : i32
      %dma_start3A_122 = tpu.memref_slice %arg13[%dma_start3A_120, %dma_start3A_121] : memref<4x128xf32, #tpu.memory_space<vmem>> -> memref<1x128xf32, #tpu.memory_space<vmem>>
      %dma_start3A_123 = tpu.memref_squeeze %dma_start3A_122 : memref<1x128xf32, #tpu.memory_space<vmem>> -> memref<128xf32, #tpu.memory_space<vmem>>
      %dma_start3A_124 = arith.constant 0 : i32
      %dma_start3A_125 = tpu.memref_slice %arg11[%dma_start3A_119, %dma_start3A_124] : memref<4x128xi32, #tpu.memory_space<vmem>> -> memref<1x128xi32, #tpu.memory_space<vmem>>
      %dma_start3A_126 = tpu.memref_squeeze %dma_start3A_125 : memref<1x128xi32, #tpu.memory_space<vmem>> -> memref<128xi32, #tpu.memory_space<vmem>>
      %dma_start3A_127 = arith.constant 0 : i32
      %dma_start3A_128 = tpu.memref_slice %arg5[%dma_start3A_127] : memref<50000xf32, #tpu.memory_space<hbm>> -> memref<50000xf32, #tpu.memory_space<hbm>>
      tpu.enqueue_indirect_dma source(%dma_start3A_128 : memref<50000xf32, #tpu.memory_space<hbm>>) target(%dma_start3A_123 : memref<128xf32, #tpu.memory_space<vmem>>) offsets(%dma_start3A_126 : memref<128xi32, #tpu.memory_space<vmem>>) semaphore(%arg17 : memref<!tpu.dma_semaphore, #tpu.memory_space<semaphore_mem>>)
      %dma_start3A_129 = arith.constant 3 : i32
      %dma_start3A_130 = arith.constant 3 : i32
      %dma_start3A_131 = arith.constant 0 : i32
      %dma_start3A_132 = tpu.memref_slice %arg14[%dma_start3A_130, %dma_start3A_131] : memref<4x128xf32, #tpu.memory_space<vmem>> -> memref<1x128xf32, #tpu.memory_space<vmem>>
      %dma_start3A_133 = tpu.memref_squeeze %dma_start3A_132 : memref<1x128xf32, #tpu.memory_space<vmem>> -> memref<128xf32, #tpu.memory_space<vmem>>
      %dma_start3A_134 = arith.constant 0 : i32
      %dma_start3A_135 = tpu.memref_slice %arg10[%dma_start3A_129, %dma_start3A_134] : memref<4x128xi32, #tpu.memory_space<vmem>> -> memref<1x128xi32, #tpu.memory_space<vmem>>
      %dma_start3A_136 = tpu.memref_squeeze %dma_start3A_135 : memref<1x128xi32, #tpu.memory_space<vmem>> -> memref<128xi32, #tpu.memory_space<vmem>>
      %dma_start3A_137 = arith.constant 0 : i32
      %dma_start3A_138 = tpu.memref_slice %arg6[%dma_start3A_137] : memref<50000xf32, #tpu.memory_space<hbm>> -> memref<50000xf32, #tpu.memory_space<hbm>>
      tpu.enqueue_indirect_dma source(%dma_start3A_138 : memref<50000xf32, #tpu.memory_space<hbm>>) target(%dma_start3A_133 : memref<128xf32, #tpu.memory_space<vmem>>) offsets(%dma_start3A_136 : memref<128xi32, #tpu.memory_space<vmem>>) semaphore(%arg17 : memref<!tpu.dma_semaphore, #tpu.memory_space<semaphore_mem>>)
      %dma_start3A_139 = arith.constant 3 : i32
      %dma_start3A_140 = arith.constant 384 : i32
      %dma_start3A_141 = arith.constant 0 : i32
      %dma_start3A_142 = tpu.memref_slice %arg15[%dma_start3A_140, %dma_start3A_141] : memref<512x32xf32, #tpu.memory_space<vmem>> -> memref<128x32xf32, #tpu.memory_space<vmem>>
      %dma_start3A_143 = arith.constant 0 : i32
      %dma_start3A_144 = tpu.memref_slice %arg10[%dma_start3A_139, %dma_start3A_143] : memref<4x128xi32, #tpu.memory_space<vmem>> -> memref<1x128xi32, #tpu.memory_space<vmem>>
      %dma_start3A_145 = tpu.memref_squeeze %dma_start3A_144 : memref<1x128xi32, #tpu.memory_space<vmem>> -> memref<128xi32, #tpu.memory_space<vmem>>
      %dma_start3A_146 = arith.constant 0 : i32
      %dma_start3A_147 = arith.constant 0 : i32
      %dma_start3A_148 = tpu.memref_slice %arg7[%dma_start3A_146, %dma_start3A_147] : memref<50000x32xf32, #tpu.memory_space<hbm>> -> memref<50000x32xf32, #tpu.memory_space<hbm>>
      tpu.enqueue_indirect_dma source(%dma_start3A_148 : memref<50000x32xf32, #tpu.memory_space<hbm>>) target(%dma_start3A_142 : memref<128x32xf32, #tpu.memory_space<vmem>>) offsets(%dma_start3A_145 : memref<128xi32, #tpu.memory_space<vmem>>) semaphore(%arg17 : memref<!tpu.dma_semaphore, #tpu.memory_space<semaphore_mem>>)
      %dma_wait3A = arith.constant 0 : i32
      %dma_wait3A_149 = arith.constant 0 : i32
      %dma_wait3A_150 = arith.constant 0 : i32
      %dma_wait3A_151 = tpu.memref_slice %arg13[%dma_wait3A_149, %dma_wait3A_150] : memref<4x128xf32, #tpu.memory_space<vmem>> -> memref<1x128xf32, #tpu.memory_space<vmem>>
      %dma_wait3A_152 = tpu.memref_squeeze %dma_wait3A_151 : memref<1x128xf32, #tpu.memory_space<vmem>> -> memref<128xf32, #tpu.memory_space<vmem>>
      %dma_wait3A_153 = arith.constant 0 : i32
      %dma_wait3A_154 = tpu.memref_slice %arg11[%dma_wait3A, %dma_wait3A_153] : memref<4x128xi32, #tpu.memory_space<vmem>> -> memref<1x128xi32, #tpu.memory_space<vmem>>
      %dma_wait3A_155 = tpu.memref_squeeze %dma_wait3A_154 : memref<1x128xi32, #tpu.memory_space<vmem>> -> memref<128xi32, #tpu.memory_space<vmem>>
      %dma_wait3A_156 = arith.constant 0 : i32
      %dma_wait3A_157 = tpu.memref_slice %arg5[%dma_wait3A_156] : memref<50000xf32, #tpu.memory_space<hbm>> -> memref<50000xf32, #tpu.memory_space<hbm>>
      tpu.wait_indirect_dma semaphore(%arg17 : memref<!tpu.dma_semaphore, #tpu.memory_space<semaphore_mem>>) src(%dma_wait3A_157 : memref<50000xf32, #tpu.memory_space<hbm>>) dst(%dma_wait3A_152 : memref<128xf32, #tpu.memory_space<vmem>>)
      %dma_wait3A_158 = arith.constant 0 : i32
      %dma_wait3A_159 = arith.constant 0 : i32
      %dma_wait3A_160 = arith.constant 0 : i32
      %dma_wait3A_161 = tpu.memref_slice %arg14[%dma_wait3A_159, %dma_wait3A_160] : memref<4x128xf32, #tpu.memory_space<vmem>> -> memref<1x128xf32, #tpu.memory_space<vmem>>
      %dma_wait3A_162 = tpu.memref_squeeze %dma_wait3A_161 : memref<1x128xf32, #tpu.memory_space<vmem>> -> memref<128xf32, #tpu.memory_space<vmem>>
      %dma_wait3A_163 = arith.constant 0 : i32
      %dma_wait3A_164 = tpu.memref_slice %arg10[%dma_wait3A_158, %dma_wait3A_163] : memref<4x128xi32, #tpu.memory_space<vmem>> -> memref<1x128xi32, #tpu.memory_space<vmem>>
      %dma_wait3A_165 = tpu.memref_squeeze %dma_wait3A_164 : memref<1x128xi32, #tpu.memory_space<vmem>> -> memref<128xi32, #tpu.memory_space<vmem>>
      %dma_wait3A_166 = arith.constant 0 : i32
      %dma_wait3A_167 = tpu.memref_slice %arg6[%dma_wait3A_166] : memref<50000xf32, #tpu.memory_space<hbm>> -> memref<50000xf32, #tpu.memory_space<hbm>>
      tpu.wait_indirect_dma semaphore(%arg17 : memref<!tpu.dma_semaphore, #tpu.memory_space<semaphore_mem>>) src(%dma_wait3A_167 : memref<50000xf32, #tpu.memory_space<hbm>>) dst(%dma_wait3A_162 : memref<128xf32, #tpu.memory_space<vmem>>)
      %dma_wait3A_168 = arith.constant 0 : i32
      %dma_wait3A_169 = arith.constant 0 : i32
      %dma_wait3A_170 = arith.constant 0 : i32
      %dma_wait3A_171 = tpu.memref_slice %arg15[%dma_wait3A_169, %dma_wait3A_170] : memref<512x32xf32, #tpu.memory_space<vmem>> -> memref<128x32xf32, #tpu.memory_space<vmem>>
      %dma_wait3A_172 = arith.constant 0 : i32
      %dma_wait3A_173 = tpu.memref_slice %arg10[%dma_wait3A_168, %dma_wait3A_172] : memref<4x128xi32, #tpu.memory_space<vmem>> -> memref<1x128xi32, #tpu.memory_space<vmem>>
      %dma_wait3A_174 = tpu.memref_squeeze %dma_wait3A_173 : memref<1x128xi32, #tpu.memory_space<vmem>> -> memref<128xi32, #tpu.memory_space<vmem>>
      %dma_wait3A_175 = arith.constant 0 : i32
      %dma_wait3A_176 = arith.constant 0 : i32
      %dma_wait3A_177 = tpu.memref_slice %arg7[%dma_wait3A_175, %dma_wait3A_176] : memref<50000x32xf32, #tpu.memory_space<hbm>> -> memref<50000x32xf32, #tpu.memory_space<hbm>>
      tpu.wait_indirect_dma semaphore(%arg17 : memref<!tpu.dma_semaphore, #tpu.memory_space<semaphore_mem>>) src(%dma_wait3A_177 : memref<50000x32xf32, #tpu.memory_space<hbm>>) dst(%dma_wait3A_171 : memref<128x32xf32, #tpu.memory_space<vmem>>)
      %dma_wait3A_178 = arith.constant 1 : i32
      %dma_wait3A_179 = arith.constant 1 : i32
      %dma_wait3A_180 = arith.constant 0 : i32
      %dma_wait3A_181 = tpu.memref_slice %arg13[%dma_wait3A_179, %dma_wait3A_180] : memref<4x128xf32, #tpu.memory_space<vmem>> -> memref<1x128xf32, #tpu.memory_space<vmem>>
      %dma_wait3A_182 = tpu.memref_squeeze %dma_wait3A_181 : memref<1x128xf32, #tpu.memory_space<vmem>> -> memref<128xf32, #tpu.memory_space<vmem>>
      %dma_wait3A_183 = arith.constant 0 : i32
      %dma_wait3A_184 = tpu.memref_slice %arg11[%dma_wait3A_178, %dma_wait3A_183] : memref<4x128xi32, #tpu.memory_space<vmem>> -> memref<1x128xi32, #tpu.memory_space<vmem>>
      %dma_wait3A_185 = tpu.memref_squeeze %dma_wait3A_184 : memref<1x128xi32, #tpu.memory_space<vmem>> -> memref<128xi32, #tpu.memory_space<vmem>>
      %dma_wait3A_186 = arith.constant 0 : i32
      %dma_wait3A_187 = tpu.memref_slice %arg5[%dma_wait3A_186] : memref<50000xf32, #tpu.memory_space<hbm>> -> memref<50000xf32, #tpu.memory_space<hbm>>
      tpu.wait_indirect_dma semaphore(%arg17 : memref<!tpu.dma_semaphore, #tpu.memory_space<semaphore_mem>>) src(%dma_wait3A_187 : memref<50000xf32, #tpu.memory_space<hbm>>) dst(%dma_wait3A_182 : memref<128xf32, #tpu.memory_space<vmem>>)
      %dma_wait3A_188 = arith.constant 1 : i32
      %dma_wait3A_189 = arith.constant 1 : i32
      %dma_wait3A_190 = arith.constant 0 : i32
      %dma_wait3A_191 = tpu.memref_slice %arg14[%dma_wait3A_189, %dma_wait3A_190] : memref<4x128xf32, #tpu.memory_space<vmem>> -> memref<1x128xf32, #tpu.memory_space<vmem>>
      %dma_wait3A_192 = tpu.memref_squeeze %dma_wait3A_191 : memref<1x128xf32, #tpu.memory_space<vmem>> -> memref<128xf32, #tpu.memory_space<vmem>>
      %dma_wait3A_193 = arith.constant 0 : i32
      %dma_wait3A_194 = tpu.memref_slice %arg10[%dma_wait3A_188, %dma_wait3A_193] : memref<4x128xi32, #tpu.memory_space<vmem>> -> memref<1x128xi32, #tpu.memory_space<vmem>>
      %dma_wait3A_195 = tpu.memref_squeeze %dma_wait3A_194 : memref<1x128xi32, #tpu.memory_space<vmem>> -> memref<128xi32, #tpu.memory_space<vmem>>
      %dma_wait3A_196 = arith.constant 0 : i32
      %dma_wait3A_197 = tpu.memref_slice %arg6[%dma_wait3A_196] : memref<50000xf32, #tpu.memory_space<hbm>> -> memref<50000xf32, #tpu.memory_space<hbm>>
      tpu.wait_indirect_dma semaphore(%arg17 : memref<!tpu.dma_semaphore, #tpu.memory_space<semaphore_mem>>) src(%dma_wait3A_197 : memref<50000xf32, #tpu.memory_space<hbm>>) dst(%dma_wait3A_192 : memref<128xf32, #tpu.memory_space<vmem>>)
      %dma_wait3A_198 = arith.constant 1 : i32
      %dma_wait3A_199 = arith.constant 128 : i32
      %dma_wait3A_200 = arith.constant 0 : i32
      %dma_wait3A_201 = tpu.memref_slice %arg15[%dma_wait3A_199, %dma_wait3A_200] : memref<512x32xf32, #tpu.memory_space<vmem>> -> memref<128x32xf32, #tpu.memory_space<vmem>>
      %dma_wait3A_202 = arith.constant 0 : i32
      %dma_wait3A_203 = tpu.memref_slice %arg10[%dma_wait3A_198, %dma_wait3A_202] : memref<4x128xi32, #tpu.memory_space<vmem>> -> memref<1x128xi32, #tpu.memory_space<vmem>>
      %dma_wait3A_204 = tpu.memref_squeeze %dma_wait3A_203 : memref<1x128xi32, #tpu.memory_space<vmem>> -> memref<128xi32, #tpu.memory_space<vmem>>
      %dma_wait3A_205 = arith.constant 0 : i32
      %dma_wait3A_206 = arith.constant 0 : i32
      %dma_wait3A_207 = tpu.memref_slice %arg7[%dma_wait3A_205, %dma_wait3A_206] : memref<50000x32xf32, #tpu.memory_space<hbm>> -> memref<50000x32xf32, #tpu.memory_space<hbm>>
      tpu.wait_indirect_dma semaphore(%arg17 : memref<!tpu.dma_semaphore, #tpu.memory_space<semaphore_mem>>) src(%dma_wait3A_207 : memref<50000x32xf32, #tpu.memory_space<hbm>>) dst(%dma_wait3A_201 : memref<128x32xf32, #tpu.memory_space<vmem>>)
      %dma_wait3A_208 = arith.constant 2 : i32
      %dma_wait3A_209 = arith.constant 2 : i32
      %dma_wait3A_210 = arith.constant 0 : i32
      %dma_wait3A_211 = tpu.memref_slice %arg13[%dma_wait3A_209, %dma_wait3A_210] : memref<4x128xf32, #tpu.memory_space<vmem>> -> memref<1x128xf32, #tpu.memory_space<vmem>>
      %dma_wait3A_212 = tpu.memref_squeeze %dma_wait3A_211 : memref<1x128xf32, #tpu.memory_space<vmem>> -> memref<128xf32, #tpu.memory_space<vmem>>
      %dma_wait3A_213 = arith.constant 0 : i32
      %dma_wait3A_214 = tpu.memref_slice %arg11[%dma_wait3A_208, %dma_wait3A_213] : memref<4x128xi32, #tpu.memory_space<vmem>> -> memref<1x128xi32, #tpu.memory_space<vmem>>
      %dma_wait3A_215 = tpu.memref_squeeze %dma_wait3A_214 : memref<1x128xi32, #tpu.memory_space<vmem>> -> memref<128xi32, #tpu.memory_space<vmem>>
      %dma_wait3A_216 = arith.constant 0 : i32
      %dma_wait3A_217 = tpu.memref_slice %arg5[%dma_wait3A_216] : memref<50000xf32, #tpu.memory_space<hbm>> -> memref<50000xf32, #tpu.memory_space<hbm>>
      tpu.wait_indirect_dma semaphore(%arg17 : memref<!tpu.dma_semaphore, #tpu.memory_space<semaphore_mem>>) src(%dma_wait3A_217 : memref<50000xf32, #tpu.memory_space<hbm>>) dst(%dma_wait3A_212 : memref<128xf32, #tpu.memory_space<vmem>>)
      %dma_wait3A_218 = arith.constant 2 : i32
      %dma_wait3A_219 = arith.constant 2 : i32
      %dma_wait3A_220 = arith.constant 0 : i32
      %dma_wait3A_221 = tpu.memref_slice %arg14[%dma_wait3A_219, %dma_wait3A_220] : memref<4x128xf32, #tpu.memory_space<vmem>> -> memref<1x128xf32, #tpu.memory_space<vmem>>
      %dma_wait3A_222 = tpu.memref_squeeze %dma_wait3A_221 : memref<1x128xf32, #tpu.memory_space<vmem>> -> memref<128xf32, #tpu.memory_space<vmem>>
      %dma_wait3A_223 = arith.constant 0 : i32
      %dma_wait3A_224 = tpu.memref_slice %arg10[%dma_wait3A_218, %dma_wait3A_223] : memref<4x128xi32, #tpu.memory_space<vmem>> -> memref<1x128xi32, #tpu.memory_space<vmem>>
      %dma_wait3A_225 = tpu.memref_squeeze %dma_wait3A_224 : memref<1x128xi32, #tpu.memory_space<vmem>> -> memref<128xi32, #tpu.memory_space<vmem>>
      %dma_wait3A_226 = arith.constant 0 : i32
      %dma_wait3A_227 = tpu.memref_slice %arg6[%dma_wait3A_226] : memref<50000xf32, #tpu.memory_space<hbm>> -> memref<50000xf32, #tpu.memory_space<hbm>>
      tpu.wait_indirect_dma semaphore(%arg17 : memref<!tpu.dma_semaphore, #tpu.memory_space<semaphore_mem>>) src(%dma_wait3A_227 : memref<50000xf32, #tpu.memory_space<hbm>>) dst(%dma_wait3A_222 : memref<128xf32, #tpu.memory_space<vmem>>)
      %dma_wait3A_228 = arith.constant 2 : i32
      %dma_wait3A_229 = arith.constant 256 : i32
      %dma_wait3A_230 = arith.constant 0 : i32
      %dma_wait3A_231 = tpu.memref_slice %arg15[%dma_wait3A_229, %dma_wait3A_230] : memref<512x32xf32, #tpu.memory_space<vmem>> -> memref<128x32xf32, #tpu.memory_space<vmem>>
      %dma_wait3A_232 = arith.constant 0 : i32
      %dma_wait3A_233 = tpu.memref_slice %arg10[%dma_wait3A_228, %dma_wait3A_232] : memref<4x128xi32, #tpu.memory_space<vmem>> -> memref<1x128xi32, #tpu.memory_space<vmem>>
      %dma_wait3A_234 = tpu.memref_squeeze %dma_wait3A_233 : memref<1x128xi32, #tpu.memory_space<vmem>> -> memref<128xi32, #tpu.memory_space<vmem>>
      %dma_wait3A_235 = arith.constant 0 : i32
      %dma_wait3A_236 = arith.constant 0 : i32
      %dma_wait3A_237 = tpu.memref_slice %arg7[%dma_wait3A_235, %dma_wait3A_236] : memref<50000x32xf32, #tpu.memory_space<hbm>> -> memref<50000x32xf32, #tpu.memory_space<hbm>>
      tpu.wait_indirect_dma semaphore(%arg17 : memref<!tpu.dma_semaphore, #tpu.memory_space<semaphore_mem>>) src(%dma_wait3A_237 : memref<50000x32xf32, #tpu.memory_space<hbm>>) dst(%dma_wait3A_231 : memref<128x32xf32, #tpu.memory_space<vmem>>)
      %dma_wait3A_238 = arith.constant 3 : i32
      %dma_wait3A_239 = arith.constant 3 : i32
      %dma_wait3A_240 = arith.constant 0 : i32
      %dma_wait3A_241 = tpu.memref_slice %arg13[%dma_wait3A_239, %dma_wait3A_240] : memref<4x128xf32, #tpu.memory_space<vmem>> -> memref<1x128xf32, #tpu.memory_space<vmem>>
      %dma_wait3A_242 = tpu.memref_squeeze %dma_wait3A_241 : memref<1x128xf32, #tpu.memory_space<vmem>> -> memref<128xf32, #tpu.memory_space<vmem>>
      %dma_wait3A_243 = arith.constant 0 : i32
      %dma_wait3A_244 = tpu.memref_slice %arg11[%dma_wait3A_238, %dma_wait3A_243] : memref<4x128xi32, #tpu.memory_space<vmem>> -> memref<1x128xi32, #tpu.memory_space<vmem>>
      %dma_wait3A_245 = tpu.memref_squeeze %dma_wait3A_244 : memref<1x128xi32, #tpu.memory_space<vmem>> -> memref<128xi32, #tpu.memory_space<vmem>>
      %dma_wait3A_246 = arith.constant 0 : i32
      %dma_wait3A_247 = tpu.memref_slice %arg5[%dma_wait3A_246] : memref<50000xf32, #tpu.memory_space<hbm>> -> memref<50000xf32, #tpu.memory_space<hbm>>
      tpu.wait_indirect_dma semaphore(%arg17 : memref<!tpu.dma_semaphore, #tpu.memory_space<semaphore_mem>>) src(%dma_wait3A_247 : memref<50000xf32, #tpu.memory_space<hbm>>) dst(%dma_wait3A_242 : memref<128xf32, #tpu.memory_space<vmem>>)
      %dma_wait3A_248 = arith.constant 3 : i32
      %dma_wait3A_249 = arith.constant 3 : i32
      %dma_wait3A_250 = arith.constant 0 : i32
      %dma_wait3A_251 = tpu.memref_slice %arg14[%dma_wait3A_249, %dma_wait3A_250] : memref<4x128xf32, #tpu.memory_space<vmem>> -> memref<1x128xf32, #tpu.memory_space<vmem>>
      %dma_wait3A_252 = tpu.memref_squeeze %dma_wait3A_251 : memref<1x128xf32, #tpu.memory_space<vmem>> -> memref<128xf32, #tpu.memory_space<vmem>>
      %dma_wait3A_253 = arith.constant 0 : i32
      %dma_wait3A_254 = tpu.memref_slice %arg10[%dma_wait3A_248, %dma_wait3A_253] : memref<4x128xi32, #tpu.memory_space<vmem>> -> memref<1x128xi32, #tpu.memory_space<vmem>>
      %dma_wait3A_255 = tpu.memref_squeeze %dma_wait3A_254 : memref<1x128xi32, #tpu.memory_space<vmem>> -> memref<128xi32, #tpu.memory_space<vmem>>
      %dma_wait3A_256 = arith.constant 0 : i32
      %dma_wait3A_257 = tpu.memref_slice %arg6[%dma_wait3A_256] : memref<50000xf32, #tpu.memory_space<hbm>> -> memref<50000xf32, #tpu.memory_space<hbm>>
      tpu.wait_indirect_dma semaphore(%arg17 : memref<!tpu.dma_semaphore, #tpu.memory_space<semaphore_mem>>) src(%dma_wait3A_257 : memref<50000xf32, #tpu.memory_space<hbm>>) dst(%dma_wait3A_252 : memref<128xf32, #tpu.memory_space<vmem>>)
      %dma_wait3A_258 = arith.constant 3 : i32
      %dma_wait3A_259 = arith.constant 384 : i32
      %dma_wait3A_260 = arith.constant 0 : i32
      %dma_wait3A_261 = tpu.memref_slice %arg15[%dma_wait3A_259, %dma_wait3A_260] : memref<512x32xf32, #tpu.memory_space<vmem>> -> memref<128x32xf32, #tpu.memory_space<vmem>>
      %dma_wait3A_262 = arith.constant 0 : i32
      %dma_wait3A_263 = tpu.memref_slice %arg10[%dma_wait3A_258, %dma_wait3A_262] : memref<4x128xi32, #tpu.memory_space<vmem>> -> memref<1x128xi32, #tpu.memory_space<vmem>>
      %dma_wait3A_264 = tpu.memref_squeeze %dma_wait3A_263 : memref<1x128xi32, #tpu.memory_space<vmem>> -> memref<128xi32, #tpu.memory_space<vmem>>
      %dma_wait3A_265 = arith.constant 0 : i32
      %dma_wait3A_266 = arith.constant 0 : i32
      %dma_wait3A_267 = tpu.memref_slice %arg7[%dma_wait3A_265, %dma_wait3A_266] : memref<50000x32xf32, #tpu.memory_space<hbm>> -> memref<50000x32xf32, #tpu.memory_space<hbm>>
      tpu.wait_indirect_dma semaphore(%arg17 : memref<!tpu.dma_semaphore, #tpu.memory_space<semaphore_mem>>) src(%dma_wait3A_267 : memref<50000x32xf32, #tpu.memory_space<hbm>>) dst(%dma_wait3A_261 : memref<128x32xf32, #tpu.memory_space<vmem>>)
      %scan3A_268 = arith.constant 0 : i32
      %scan3A_269 = arith.constant 32 : i32
      %scan3A_270 = arith.addi %scan3A_268, %scan3A_269 : i32
      %scan3A_271 = arith.constant 1 : i32
      scf.for %scan3A_276 = %scan3A_268 to %scan3A_270 step %scan3A_271  : i32 {
        %mul3A_277 = arith.constant 1 : i32
        %mul3A_278 = arith.muli %scan3A_276, %mul3A_277 : i32
        %add3A_279 = arith.constant 0 : i32
        %add3A_280 = arith.addi %add3A_279, %mul3A_278 : i32
        %jit3A = arith.constant 8 : i32
        %div3A = arith.divsi %add3A_280, %jit3A : i32
        %sign3A = arith.constant 0 : i32
        %sign3A_281 = arith.cmpi sgt, %add3A_280, %sign3A : i32
        %sign3A_282 = arith.extui %sign3A_281 : i1 to i32
        %sign3A_283 = arith.constant 0 : i32
        %sign3A_284 = arith.cmpi slt, %add3A_280, %sign3A_283 : i32
        %sign3A_285 = arith.extui %sign3A_284 : i1 to i32
        %sign3A_286 = arith.subi %sign3A_282, %sign3A_285 : i32
        %sign3A_287 = arith.constant 0 : i32
        %sign3A_288 = arith.cmpi sgt, %jit3A, %sign3A_287 : i32
        %sign3A_289 = arith.extui %sign3A_288 : i1 to i32
        %sign3A_290 = arith.constant 0 : i32
        %sign3A_291 = arith.cmpi slt, %jit3A, %sign3A_290 : i32
        %sign3A_292 = arith.extui %sign3A_291 : i1 to i32
        %sign3A_293 = arith.subi %sign3A_289, %sign3A_292 : i32
        %ne3A = arith.cmpi ne, %sign3A_286, %sign3A_293 : i32
        %rem3A = arith.remsi %add3A_280, %jit3A : i32
        %ne3A_294 = arith.constant 0 : i32
        %ne3A_295 = arith.cmpi ne, %rem3A, %ne3A_294 : i32
        %and3A = arith.andi %ne3A, %ne3A_295 : i1
        %sub3A = arith.constant 1 : i32
        %sub3A_296 = arith.subi %div3A, %sub3A : i32
        %select_n3A = arith.select %and3A, %sub3A_296, %div3A : i32
        %jit3A_297 = arith.constant 8 : i32
        %eq3A = arith.constant 0 : i32
        %eq3A_298 = arith.cmpi eq, %jit3A_297, %eq3A : i32
        %jit3A_299 = arith.constant 1 : i32
        %select_n3A_300 = arith.select %eq3A_298, %jit3A_299, %jit3A_297 : i32
        %rem3A_301 = arith.remsi %add3A_280, %select_n3A_300 : i32
        %ne3A_302 = arith.constant 0 : i32
        %ne3A_303 = arith.cmpi ne, %rem3A_301, %ne3A_302 : i32
        %lt3A = arith.constant 0 : i32
        %lt3A_304 = arith.cmpi slt, %rem3A_301, %lt3A : i32
        %lt3A_305 = arith.constant 0 : i32
        %lt3A_306 = arith.cmpi slt, %select_n3A_300, %lt3A_305 : i32
        %ne3A_307 = arith.xori %lt3A_304, %lt3A_306 : i1
        %and3A_308 = arith.andi %ne3A_307, %ne3A_303 : i1
        %add3A_309 = arith.addi %rem3A_301, %select_n3A_300 : i32
        %select_n3A_310 = arith.select %and3A_308, %add3A_309, %rem3A_301 : i32
        %mul3A_311 = arith.constant 16 : i32
        %mul3A_312 = arith.muli %select_n3A_310, %mul3A_311 : i32
        %get3A = arith.index_cast %select_n3A : i32 to index
        %get3A_313 = arith.index_cast %mul3A_312 : i32 to index
        %get3A_314 = tpu.vector_load %arg12[%get3A, %get3A_313] {strides = array<i32>} : memref<4x128xf32, #tpu.memory_space<vmem>>, vector<1x16xf32>,
        %get3A_315 = vector.shape_cast %get3A_314 : vector<1x16xf32> to vector<16xf32>
        %get3A_316 = arith.index_cast %select_n3A : i32 to index
        %get3A_317 = arith.index_cast %mul3A_312 : i32 to index
        %get3A_318 = tpu.vector_load %arg13[%get3A_316, %get3A_317] {strides = array<i32>} : memref<4x128xf32, #tpu.memory_space<vmem>>, vector<1x16xf32>,
        %get3A_319 = vector.shape_cast %get3A_318 : vector<1x16xf32> to vector<16xf32>
        %add3A_320 = arith.addf %get3A_315, %get3A_319 : vector<16xf32>
        %get3A_321 = arith.index_cast %select_n3A : i32 to index
        %get3A_322 = arith.index_cast %mul3A_312 : i32 to index
        %get3A_323 = tpu.vector_load %arg14[%get3A_321, %get3A_322] {strides = array<i32>} : memref<4x128xf32, #tpu.memory_space<vmem>>, vector<1x16xf32>,
        %get3A_324 = vector.shape_cast %get3A_323 : vector<1x16xf32> to vector<16xf32>
        %add3A_325 = arith.addf %add3A_320, %get3A_324 : vector<16xf32>
        %mul3A_326 = arith.constant 2.000000e-01 : f32
        %mul3A_327 = vector.broadcast %mul3A_326 : f32 to vector<16xf32>
        %mul3A_328 = arith.mulf %mul3A_327, %add3A_325 : vector<16xf32>
        %max3A = arith.maximumf %add3A_325, %mul3A_328 : vector<16xf32>
        %exp3A = math.exp %max3A : vector<16xf32>
        %mul3A_329 = arith.constant 16 : i32
        %mul3A_330 = arith.muli %add3A_280, %mul3A_329 : i32
        %add3A_331 = arith.constant 0 : i32
        %add3A_332 = arith.addi %mul3A_330, %add3A_331 : i32
        %slice3A = vector.extract_strided_slice %exp3A {offsets = [0], sizes = [1], strides = [1]} : vector<16xf32> to vector<1xf32>
        %squeeze3A = vector.extract %slice3A[0] : f32 from vector<1xf32>
        %broadcast_in_dim3A = vector.broadcast %squeeze3A : f32 to vector<16xf32>
        %get3A_333 = arith.index_cast %add3A_332 : i32 to index
        %get3A_334 = arith.constant 0 : index
        %get3A_335 = tpu.vector_load %arg15[%get3A_333, %get3A_334] {strides = array<i32>} : memref<512x32xf32, #tpu.memory_space<vmem>>, vector<1x16xf32>,
        %get3A_336 = vector.shape_cast %get3A_335 : vector<1x16xf32> to vector<16xf32>
        %mul3A_337 = arith.mulf %get3A_336, %broadcast_in_dim3A : vector<16xf32>
        %swap3A = arith.index_cast %add3A_332 : i32 to index
        %swap3A_338 = arith.constant 0 : index
        %swap3A_339 = tpu.vector_load %arg15[%swap3A, %swap3A_338] {strides = array<i32>} : memref<512x32xf32, #tpu.memory_space<vmem>>, vector<1x16xf32>,
        %swap3A_340 = vector.shape_cast %swap3A_339 : vector<1x16xf32> to vector<16xf32>
        %swap3A_341 = vector.shape_cast %mul3A_337 : vector<16xf32> to vector<1x16xf32>
        tpu.vector_store %arg15[%swap3A, %swap3A_338], %swap3A_341 {strides = array<i32>} : memref<512x32xf32, #tpu.memory_space<vmem>>, vector<1x16xf32>,
        %get3A_342 = arith.index_cast %add3A_332 : i32 to index
        %get3A_343 = arith.constant 16 : index
        %get3A_344 = tpu.vector_load %arg15[%get3A_342, %get3A_343] {strides = array<i32>} : memref<512x32xf32, #tpu.memory_space<vmem>>, vector<1x16xf32>,
        %get3A_345 = vector.shape_cast %get3A_344 : vector<1x16xf32> to vector<16xf32>
        %mul3A_346 = arith.mulf %get3A_345, %broadcast_in_dim3A : vector<16xf32>
        %swap3A_347 = arith.index_cast %add3A_332 : i32 to index
        %swap3A_348 = arith.constant 16 : index
        %swap3A_349 = tpu.vector_load %arg15[%swap3A_347, %swap3A_348] {strides = array<i32>} : memref<512x32xf32, #tpu.memory_space<vmem>>, vector<1x16xf32>,
        %swap3A_350 = vector.shape_cast %swap3A_349 : vector<1x16xf32> to vector<16xf32>
        %swap3A_351 = vector.shape_cast %mul3A_346 : vector<16xf32> to vector<1x16xf32>
        tpu.vector_store %arg15[%swap3A_347, %swap3A_348], %swap3A_351 {strides = array<i32>} : memref<512x32xf32, #tpu.memory_space<vmem>>, vector<1x16xf32>,
        %mul3A_352 = arith.constant 16 : i32
        %mul3A_353 = arith.muli %add3A_280, %mul3A_352 : i32
        %add3A_354 = arith.constant 1 : i32
        %add3A_355 = arith.addi %mul3A_353, %add3A_354 : i32
        %slice3A_356 = vector.extract_strided_slice %exp3A {offsets = [1], sizes = [1], strides = [1]} : vector<16xf32> to vector<1xf32>
        %squeeze3A_357 = vector.extract %slice3A_356[0] : f32 from vector<1xf32>
        %broadcast_in_dim3A_358 = vector.broadcast %squeeze3A_357 : f32 to vector<16xf32>
        %get3A_359 = arith.index_cast %add3A_355 : i32 to index
        %get3A_360 = arith.constant 0 : index
        %get3A_361 = tpu.vector_load %arg15[%get3A_359, %get3A_360] {strides = array<i32>} : memref<512x32xf32, #tpu.memory_space<vmem>>, vector<1x16xf32>,
        %get3A_362 = vector.shape_cast %get3A_361 : vector<1x16xf32> to vector<16xf32>
        %mul3A_363 = arith.mulf %get3A_362, %broadcast_in_dim3A_358 : vector<16xf32>
        %swap3A_364 = arith.index_cast %add3A_355 : i32 to index
        %swap3A_365 = arith.constant 0 : index
        %swap3A_366 = tpu.vector_load %arg15[%swap3A_364, %swap3A_365] {strides = array<i32>} : memref<512x32xf32, #tpu.memory_space<vmem>>, vector<1x16xf32>,
        %swap3A_367 = vector.shape_cast %swap3A_366 : vector<1x16xf32> to vector<16xf32>
        %swap3A_368 = vector.shape_cast %mul3A_363 : vector<16xf32> to vector<1x16xf32>
        tpu.vector_store %arg15[%swap3A_364, %swap3A_365], %swap3A_368 {strides = array<i32>} : memref<512x32xf32, #tpu.memory_space<vmem>>, vector<1x16xf32>,
        %get3A_369 = arith.index_cast %add3A_355 : i32 to index
        %get3A_370 = arith.constant 16 : index
        %get3A_371 = tpu.vector_load %arg15[%get3A_369, %get3A_370] {strides = array<i32>} : memref<512x32xf32, #tpu.memory_space<vmem>>, vector<1x16xf32>,
        %get3A_372 = vector.shape_cast %get3A_371 : vector<1x16xf32> to vector<16xf32>
        %mul3A_373 = arith.mulf %get3A_372, %broadcast_in_dim3A_358 : vector<16xf32>
        %swap3A_374 = arith.index_cast %add3A_355 : i32 to index
        %swap3A_375 = arith.constant 16 : index
        %swap3A_376 = tpu.vector_load %arg15[%swap3A_374, %swap3A_375] {strides = array<i32>} : memref<512x32xf32, #tpu.memory_space<vmem>>, vector<1x16xf32>,
        %swap3A_377 = vector.shape_cast %swap3A_376 : vector<1x16xf32> to vector<16xf32>
        %swap3A_378 = vector.shape_cast %mul3A_373 : vector<16xf32> to vector<1x16xf32>
        tpu.vector_store %arg15[%swap3A_374, %swap3A_375], %swap3A_378 {strides = array<i32>} : memref<512x32xf32, #tpu.memory_space<vmem>>, vector<1x16xf32>,
        %mul3A_379 = arith.constant 16 : i32
        %mul3A_380 = arith.muli %add3A_280, %mul3A_379 : i32
        %add3A_381 = arith.constant 2 : i32
        %add3A_382 = arith.addi %mul3A_380, %add3A_381 : i32
        %slice3A_383 = vector.extract_strided_slice %exp3A {offsets = [2], sizes = [1], strides = [1]} : vector<16xf32> to vector<1xf32>
        %squeeze3A_384 = vector.extract %slice3A_383[0] : f32 from vector<1xf32>
        %broadcast_in_dim3A_385 = vector.broadcast %squeeze3A_384 : f32 to vector<16xf32>
        %get3A_386 = arith.index_cast %add3A_382 : i32 to index
        %get3A_387 = arith.constant 0 : index
        %get3A_388 = tpu.vector_load %arg15[%get3A_386, %get3A_387] {strides = array<i32>} : memref<512x32xf32, #tpu.memory_space<vmem>>, vector<1x16xf32>,
        %get3A_389 = vector.shape_cast %get3A_388 : vector<1x16xf32> to vector<16xf32>
        %mul3A_390 = arith.mulf %get3A_389, %broadcast_in_dim3A_385 : vector<16xf32>
        %swap3A_391 = arith.index_cast %add3A_382 : i32 to index
        %swap3A_392 = arith.constant 0 : index
        %swap3A_393 = tpu.vector_load %arg15[%swap3A_391, %swap3A_392] {strides = array<i32>} : memref<512x32xf32, #tpu.memory_space<vmem>>, vector<1x16xf32>,
        %swap3A_394 = vector.shape_cast %swap3A_393 : vector<1x16xf32> to vector<16xf32>
        %swap3A_395 = vector.shape_cast %mul3A_390 : vector<16xf32> to vector<1x16xf32>
        tpu.vector_store %arg15[%swap3A_391, %swap3A_392], %swap3A_395 {strides = array<i32>} : memref<512x32xf32, #tpu.memory_space<vmem>>, vector<1x16xf32>,
        %get3A_396 = arith.index_cast %add3A_382 : i32 to index
        %get3A_397 = arith.constant 16 : index
        %get3A_398 = tpu.vector_load %arg15[%get3A_396, %get3A_397] {strides = array<i32>} : memref<512x32xf32, #tpu.memory_space<vmem>>, vector<1x16xf32>,
        %get3A_399 = vector.shape_cast %get3A_398 : vector<1x16xf32> to vector<16xf32>
        %mul3A_400 = arith.mulf %get3A_399, %broadcast_in_dim3A_385 : vector<16xf32>
        %swap3A_401 = arith.index_cast %add3A_382 : i32 to index
        %swap3A_402 = arith.constant 16 : index
        %swap3A_403 = tpu.vector_load %arg15[%swap3A_401, %swap3A_402] {strides = array<i32>} : memref<512x32xf32, #tpu.memory_space<vmem>>, vector<1x16xf32>,
        %swap3A_404 = vector.shape_cast %swap3A_403 : vector<1x16xf32> to vector<16xf32>
        %swap3A_405 = vector.shape_cast %mul3A_400 : vector<16xf32> to vector<1x16xf32>
        tpu.vector_store %arg15[%swap3A_401, %swap3A_402], %swap3A_405 {strides = array<i32>} : memref<512x32xf32, #tpu.memory_space<vmem>>, vector<1x16xf32>,
        %mul3A_406 = arith.constant 16 : i32
        %mul3A_407 = arith.muli %add3A_280, %mul3A_406 : i32
        %add3A_408 = arith.constant 3 : i32
        %add3A_409 = arith.addi %mul3A_407, %add3A_408 : i32
        %slice3A_410 = vector.extract_strided_slice %exp3A {offsets = [3], sizes = [1], strides = [1]} : vector<16xf32> to vector<1xf32>
        %squeeze3A_411 = vector.extract %slice3A_410[0] : f32 from vector<1xf32>
        %broadcast_in_dim3A_412 = vector.broadcast %squeeze3A_411 : f32 to vector<16xf32>
        %get3A_413 = arith.index_cast %add3A_409 : i32 to index
        %get3A_414 = arith.constant 0 : index
        %get3A_415 = tpu.vector_load %arg15[%get3A_413, %get3A_414] {strides = array<i32>} : memref<512x32xf32, #tpu.memory_space<vmem>>, vector<1x16xf32>,
        %get3A_416 = vector.shape_cast %get3A_415 : vector<1x16xf32> to vector<16xf32>
        %mul3A_417 = arith.mulf %get3A_416, %broadcast_in_dim3A_412 : vector<16xf32>
        %swap3A_418 = arith.index_cast %add3A_409 : i32 to index
        %swap3A_419 = arith.constant 0 : index
        %swap3A_420 = tpu.vector_load %arg15[%swap3A_418, %swap3A_419] {strides = array<i32>} : memref<512x32xf32, #tpu.memory_space<vmem>>, vector<1x16xf32>,
        %swap3A_421 = vector.shape_cast %swap3A_420 : vector<1x16xf32> to vector<16xf32>
        %swap3A_422 = vector.shape_cast %mul3A_417 : vector<16xf32> to vector<1x16xf32>
        tpu.vector_store %arg15[%swap3A_418, %swap3A_419], %swap3A_422 {strides = array<i32>} : memref<512x32xf32, #tpu.memory_space<vmem>>, vector<1x16xf32>,
        %get3A_423 = arith.index_cast %add3A_409 : i32 to index
        %get3A_424 = arith.constant 16 : index
        %get3A_425 = tpu.vector_load %arg15[%get3A_423, %get3A_424] {strides = array<i32>} : memref<512x32xf32, #tpu.memory_space<vmem>>, vector<1x16xf32>,
        %get3A_426 = vector.shape_cast %get3A_425 : vector<1x16xf32> to vector<16xf32>
        %mul3A_427 = arith.mulf %get3A_426, %broadcast_in_dim3A_412 : vector<16xf32>
        %swap3A_428 = arith.index_cast %add3A_409 : i32 to index
        %swap3A_429 = arith.constant 16 : index
        %swap3A_430 = tpu.vector_load %arg15[%swap3A_428, %swap3A_429] {strides = array<i32>} : memref<512x32xf32, #tpu.memory_space<vmem>>, vector<1x16xf32>,
        %swap3A_431 = vector.shape_cast %swap3A_430 : vector<1x16xf32> to vector<16xf32>
        %swap3A_432 = vector.shape_cast %mul3A_427 : vector<16xf32> to vector<1x16xf32>
        tpu.vector_store %arg15[%swap3A_428, %swap3A_429], %swap3A_432 {strides = array<i32>} : memref<512x32xf32, #tpu.memory_space<vmem>>, vector<1x16xf32>,
        %mul3A_433 = arith.constant 16 : i32
        %mul3A_434 = arith.muli %add3A_280, %mul3A_433 : i32
        %add3A_435 = arith.constant 4 : i32
        %add3A_436 = arith.addi %mul3A_434, %add3A_435 : i32
        %slice3A_437 = vector.extract_strided_slice %exp3A {offsets = [4], sizes = [1], strides = [1]} : vector<16xf32> to vector<1xf32>
        %squeeze3A_438 = vector.extract %slice3A_437[0] : f32 from vector<1xf32>
        %broadcast_in_dim3A_439 = vector.broadcast %squeeze3A_438 : f32 to vector<16xf32>
        %get3A_440 = arith.index_cast %add3A_436 : i32 to index
        %get3A_441 = arith.constant 0 : index
        %get3A_442 = tpu.vector_load %arg15[%get3A_440, %get3A_441] {strides = array<i32>} : memref<512x32xf32, #tpu.memory_space<vmem>>, vector<1x16xf32>,
        %get3A_443 = vector.shape_cast %get3A_442 : vector<1x16xf32> to vector<16xf32>
        %mul3A_444 = arith.mulf %get3A_443, %broadcast_in_dim3A_439 : vector<16xf32>
        %swap3A_445 = arith.index_cast %add3A_436 : i32 to index
        %swap3A_446 = arith.constant 0 : index
        %swap3A_447 = tpu.vector_load %arg15[%swap3A_445, %swap3A_446] {strides = array<i32>} : memref<512x32xf32, #tpu.memory_space<vmem>>, vector<1x16xf32>,
        %swap3A_448 = vector.shape_cast %swap3A_447 : vector<1x16xf32> to vector<16xf32>
        %swap3A_449 = vector.shape_cast %mul3A_444 : vector<16xf32> to vector<1x16xf32>
        tpu.vector_store %arg15[%swap3A_445, %swap3A_446], %swap3A_449 {strides = array<i32>} : memref<512x32xf32, #tpu.memory_space<vmem>>, vector<1x16xf32>,
        %get3A_450 = arith.index_cast %add3A_436 : i32 to index
        %get3A_451 = arith.constant 16 : index
        %get3A_452 = tpu.vector_load %arg15[%get3A_450, %get3A_451] {strides = array<i32>} : memref<512x32xf32, #tpu.memory_space<vmem>>, vector<1x16xf32>,
        %get3A_453 = vector.shape_cast %get3A_452 : vector<1x16xf32> to vector<16xf32>
        %mul3A_454 = arith.mulf %get3A_453, %broadcast_in_dim3A_439 : vector<16xf32>
        %swap3A_455 = arith.index_cast %add3A_436 : i32 to index
        %swap3A_456 = arith.constant 16 : index
        %swap3A_457 = tpu.vector_load %arg15[%swap3A_455, %swap3A_456] {strides = array<i32>} : memref<512x32xf32, #tpu.memory_space<vmem>>, vector<1x16xf32>,
        %swap3A_458 = vector.shape_cast %swap3A_457 : vector<1x16xf32> to vector<16xf32>
        %swap3A_459 = vector.shape_cast %mul3A_454 : vector<16xf32> to vector<1x16xf32>
        tpu.vector_store %arg15[%swap3A_455, %swap3A_456], %swap3A_459 {strides = array<i32>} : memref<512x32xf32, #tpu.memory_space<vmem>>, vector<1x16xf32>,
        %mul3A_460 = arith.constant 16 : i32
        %mul3A_461 = arith.muli %add3A_280, %mul3A_460 : i32
        %add3A_462 = arith.constant 5 : i32
        %add3A_463 = arith.addi %mul3A_461, %add3A_462 : i32
        %slice3A_464 = vector.extract_strided_slice %exp3A {offsets = [5], sizes = [1], strides = [1]} : vector<16xf32> to vector<1xf32>
        %squeeze3A_465 = vector.extract %slice3A_464[0] : f32 from vector<1xf32>
        %broadcast_in_dim3A_466 = vector.broadcast %squeeze3A_465 : f32 to vector<16xf32>
        %get3A_467 = arith.index_cast %add3A_463 : i32 to index
        %get3A_468 = arith.constant 0 : index
        %get3A_469 = tpu.vector_load %arg15[%get3A_467, %get3A_468] {strides = array<i32>} : memref<512x32xf32, #tpu.memory_space<vmem>>, vector<1x16xf32>,
        %get3A_470 = vector.shape_cast %get3A_469 : vector<1x16xf32> to vector<16xf32>
        %mul3A_471 = arith.mulf %get3A_470, %broadcast_in_dim3A_466 : vector<16xf32>
        %swap3A_472 = arith.index_cast %add3A_463 : i32 to index
        %swap3A_473 = arith.constant 0 : index
        %swap3A_474 = tpu.vector_load %arg15[%swap3A_472, %swap3A_473] {strides = array<i32>} : memref<512x32xf32, #tpu.memory_space<vmem>>, vector<1x16xf32>,
        %swap3A_475 = vector.shape_cast %swap3A_474 : vector<1x16xf32> to vector<16xf32>
        %swap3A_476 = vector.shape_cast %mul3A_471 : vector<16xf32> to vector<1x16xf32>
        tpu.vector_store %arg15[%swap3A_472, %swap3A_473], %swap3A_476 {strides = array<i32>} : memref<512x32xf32, #tpu.memory_space<vmem>>, vector<1x16xf32>,
        %get3A_477 = arith.index_cast %add3A_463 : i32 to index
        %get3A_478 = arith.constant 16 : index
        %get3A_479 = tpu.vector_load %arg15[%get3A_477, %get3A_478] {strides = array<i32>} : memref<512x32xf32, #tpu.memory_space<vmem>>, vector<1x16xf32>,
        %get3A_480 = vector.shape_cast %get3A_479 : vector<1x16xf32> to vector<16xf32>
        %mul3A_481 = arith.mulf %get3A_480, %broadcast_in_dim3A_466 : vector<16xf32>
        %swap3A_482 = arith.index_cast %add3A_463 : i32 to index
        %swap3A_483 = arith.constant 16 : index
        %swap3A_484 = tpu.vector_load %arg15[%swap3A_482, %swap3A_483] {strides = array<i32>} : memref<512x32xf32, #tpu.memory_space<vmem>>, vector<1x16xf32>,
        %swap3A_485 = vector.shape_cast %swap3A_484 : vector<1x16xf32> to vector<16xf32>
        %swap3A_486 = vector.shape_cast %mul3A_481 : vector<16xf32> to vector<1x16xf32>
        tpu.vector_store %arg15[%swap3A_482, %swap3A_483], %swap3A_486 {strides = array<i32>} : memref<512x32xf32, #tpu.memory_space<vmem>>, vector<1x16xf32>,
        %mul3A_487 = arith.constant 16 : i32
        %mul3A_488 = arith.muli %add3A_280, %mul3A_487 : i32
        %add3A_489 = arith.constant 6 : i32
        %add3A_490 = arith.addi %mul3A_488, %add3A_489 : i32
        %slice3A_491 = vector.extract_strided_slice %exp3A {offsets = [6], sizes = [1], strides = [1]} : vector<16xf32> to vector<1xf32>
        %squeeze3A_492 = vector.extract %slice3A_491[0] : f32 from vector<1xf32>
        %broadcast_in_dim3A_493 = vector.broadcast %squeeze3A_492 : f32 to vector<16xf32>
        %get3A_494 = arith.index_cast %add3A_490 : i32 to index
        %get3A_495 = arith.constant 0 : index
        %get3A_496 = tpu.vector_load %arg15[%get3A_494, %get3A_495] {strides = array<i32>} : memref<512x32xf32, #tpu.memory_space<vmem>>, vector<1x16xf32>,
        %get3A_497 = vector.shape_cast %get3A_496 : vector<1x16xf32> to vector<16xf32>
        %mul3A_498 = arith.mulf %get3A_497, %broadcast_in_dim3A_493 : vector<16xf32>
        %swap3A_499 = arith.index_cast %add3A_490 : i32 to index
        %swap3A_500 = arith.constant 0 : index
        %swap3A_501 = tpu.vector_load %arg15[%swap3A_499, %swap3A_500] {strides = array<i32>} : memref<512x32xf32, #tpu.memory_space<vmem>>, vector<1x16xf32>,
        %swap3A_502 = vector.shape_cast %swap3A_501 : vector<1x16xf32> to vector<16xf32>
        %swap3A_503 = vector.shape_cast %mul3A_498 : vector<16xf32> to vector<1x16xf32>
        tpu.vector_store %arg15[%swap3A_499, %swap3A_500], %swap3A_503 {strides = array<i32>} : memref<512x32xf32, #tpu.memory_space<vmem>>, vector<1x16xf32>,
        %get3A_504 = arith.index_cast %add3A_490 : i32 to index
        %get3A_505 = arith.constant 16 : index
        %get3A_506 = tpu.vector_load %arg15[%get3A_504, %get3A_505] {strides = array<i32>} : memref<512x32xf32, #tpu.memory_space<vmem>>, vector<1x16xf32>,
        %get3A_507 = vector.shape_cast %get3A_506 : vector<1x16xf32> to vector<16xf32>
        %mul3A_508 = arith.mulf %get3A_507, %broadcast_in_dim3A_493 : vector<16xf32>
        %swap3A_509 = arith.index_cast %add3A_490 : i32 to index
        %swap3A_510 = arith.constant 16 : index
        %swap3A_511 = tpu.vector_load %arg15[%swap3A_509, %swap3A_510] {strides = array<i32>} : memref<512x32xf32, #tpu.memory_space<vmem>>, vector<1x16xf32>,
        %swap3A_512 = vector.shape_cast %swap3A_511 : vector<1x16xf32> to vector<16xf32>
        %swap3A_513 = vector.shape_cast %mul3A_508 : vector<16xf32> to vector<1x16xf32>
        tpu.vector_store %arg15[%swap3A_509, %swap3A_510], %swap3A_513 {strides = array<i32>} : memref<512x32xf32, #tpu.memory_space<vmem>>, vector<1x16xf32>,
        %mul3A_514 = arith.constant 16 : i32
        %mul3A_515 = arith.muli %add3A_280, %mul3A_514 : i32
        %add3A_516 = arith.constant 7 : i32
        %add3A_517 = arith.addi %mul3A_515, %add3A_516 : i32
        %slice3A_518 = vector.extract_strided_slice %exp3A {offsets = [7], sizes = [1], strides = [1]} : vector<16xf32> to vector<1xf32>
        %squeeze3A_519 = vector.extract %slice3A_518[0] : f32 from vector<1xf32>
        %broadcast_in_dim3A_520 = vector.broadcast %squeeze3A_519 : f32 to vector<16xf32>
        %get3A_521 = arith.index_cast %add3A_517 : i32 to index
        %get3A_522 = arith.constant 0 : index
        %get3A_523 = tpu.vector_load %arg15[%get3A_521, %get3A_522] {strides = array<i32>} : memref<512x32xf32, #tpu.memory_space<vmem>>, vector<1x16xf32>,
        %get3A_524 = vector.shape_cast %get3A_523 : vector<1x16xf32> to vector<16xf32>
        %mul3A_525 = arith.mulf %get3A_524, %broadcast_in_dim3A_520 : vector<16xf32>
        %swap3A_526 = arith.index_cast %add3A_517 : i32 to index
        %swap3A_527 = arith.constant 0 : index
        %swap3A_528 = tpu.vector_load %arg15[%swap3A_526, %swap3A_527] {strides = array<i32>} : memref<512x32xf32, #tpu.memory_space<vmem>>, vector<1x16xf32>,
        %swap3A_529 = vector.shape_cast %swap3A_528 : vector<1x16xf32> to vector<16xf32>
        %swap3A_530 = vector.shape_cast %mul3A_525 : vector<16xf32> to vector<1x16xf32>
        tpu.vector_store %arg15[%swap3A_526, %swap3A_527], %swap3A_530 {strides = array<i32>} : memref<512x32xf32, #tpu.memory_space<vmem>>, vector<1x16xf32>,
        %get3A_531 = arith.index_cast %add3A_517 : i32 to index
        %get3A_532 = arith.constant 16 : index
        %get3A_533 = tpu.vector_load %arg15[%get3A_531, %get3A_532] {strides = array<i32>} : memref<512x32xf32, #tpu.memory_space<vmem>>, vector<1x16xf32>,
        %get3A_534 = vector.shape_cast %get3A_533 : vector<1x16xf32> to vector<16xf32>
        %mul3A_535 = arith.mulf %get3A_534, %broadcast_in_dim3A_520 : vector<16xf32>
        %swap3A_536 = arith.index_cast %add3A_517 : i32 to index
        %swap3A_537 = arith.constant 16 : index
        %swap3A_538 = tpu.vector_load %arg15[%swap3A_536, %swap3A_537] {strides = array<i32>} : memref<512x32xf32, #tpu.memory_space<vmem>>, vector<1x16xf32>,
        %swap3A_539 = vector.shape_cast %swap3A_538 : vector<1x16xf32> to vector<16xf32>
        %swap3A_540 = vector.shape_cast %mul3A_535 : vector<16xf32> to vector<1x16xf32>
        tpu.vector_store %arg15[%swap3A_536, %swap3A_537], %swap3A_540 {strides = array<i32>} : memref<512x32xf32, #tpu.memory_space<vmem>>, vector<1x16xf32>,
        %mul3A_541 = arith.constant 16 : i32
        %mul3A_542 = arith.muli %add3A_280, %mul3A_541 : i32
        %add3A_543 = arith.constant 8 : i32
        %add3A_544 = arith.addi %mul3A_542, %add3A_543 : i32
        %slice3A_545 = vector.extract_strided_slice %exp3A {offsets = [8], sizes = [1], strides = [1]} : vector<16xf32> to vector<1xf32>
        %squeeze3A_546 = vector.extract %slice3A_545[0] : f32 from vector<1xf32>
        %broadcast_in_dim3A_547 = vector.broadcast %squeeze3A_546 : f32 to vector<16xf32>
        %get3A_548 = arith.index_cast %add3A_544 : i32 to index
        %get3A_549 = arith.constant 0 : index
        %get3A_550 = tpu.vector_load %arg15[%get3A_548, %get3A_549] {strides = array<i32>} : memref<512x32xf32, #tpu.memory_space<vmem>>, vector<1x16xf32>,
        %get3A_551 = vector.shape_cast %get3A_550 : vector<1x16xf32> to vector<16xf32>
        %mul3A_552 = arith.mulf %get3A_551, %broadcast_in_dim3A_547 : vector<16xf32>
        %swap3A_553 = arith.index_cast %add3A_544 : i32 to index
        %swap3A_554 = arith.constant 0 : index
        %swap3A_555 = tpu.vector_load %arg15[%swap3A_553, %swap3A_554] {strides = array<i32>} : memref<512x32xf32, #tpu.memory_space<vmem>>, vector<1x16xf32>,
        %swap3A_556 = vector.shape_cast %swap3A_555 : vector<1x16xf32> to vector<16xf32>
        %swap3A_557 = vector.shape_cast %mul3A_552 : vector<16xf32> to vector<1x16xf32>
        tpu.vector_store %arg15[%swap3A_553, %swap3A_554], %swap3A_557 {strides = array<i32>} : memref<512x32xf32, #tpu.memory_space<vmem>>, vector<1x16xf32>,
        %get3A_558 = arith.index_cast %add3A_544 : i32 to index
        %get3A_559 = arith.constant 16 : index
        %get3A_560 = tpu.vector_load %arg15[%get3A_558, %get3A_559] {strides = array<i32>} : memref<512x32xf32, #tpu.memory_space<vmem>>, vector<1x16xf32>,
        %get3A_561 = vector.shape_cast %get3A_560 : vector<1x16xf32> to vector<16xf32>
        %mul3A_562 = arith.mulf %get3A_561, %broadcast_in_dim3A_547 : vector<16xf32>
        %swap3A_563 = arith.index_cast %add3A_544 : i32 to index
        %swap3A_564 = arith.constant 16 : index
        %swap3A_565 = tpu.vector_load %arg15[%swap3A_563, %swap3A_564] {strides = array<i32>} : memref<512x32xf32, #tpu.memory_space<vmem>>, vector<1x16xf32>,
        %swap3A_566 = vector.shape_cast %swap3A_565 : vector<1x16xf32> to vector<16xf32>
        %swap3A_567 = vector.shape_cast %mul3A_562 : vector<16xf32> to vector<1x16xf32>
        tpu.vector_store %arg15[%swap3A_563, %swap3A_564], %swap3A_567 {strides = array<i32>} : memref<512x32xf32, #tpu.memory_space<vmem>>, vector<1x16xf32>,
        %mul3A_568 = arith.constant 16 : i32
        %mul3A_569 = arith.muli %add3A_280, %mul3A_568 : i32
        %add3A_570 = arith.constant 9 : i32
        %add3A_571 = arith.addi %mul3A_569, %add3A_570 : i32
        %slice3A_572 = vector.extract_strided_slice %exp3A {offsets = [9], sizes = [1], strides = [1]} : vector<16xf32> to vector<1xf32>
        %squeeze3A_573 = vector.extract %slice3A_572[0] : f32 from vector<1xf32>
        %broadcast_in_dim3A_574 = vector.broadcast %squeeze3A_573 : f32 to vector<16xf32>
        %get3A_575 = arith.index_cast %add3A_571 : i32 to index
        %get3A_576 = arith.constant 0 : index
        %get3A_577 = tpu.vector_load %arg15[%get3A_575, %get3A_576] {strides = array<i32>} : memref<512x32xf32, #tpu.memory_space<vmem>>, vector<1x16xf32>,
        %get3A_578 = vector.shape_cast %get3A_577 : vector<1x16xf32> to vector<16xf32>
        %mul3A_579 = arith.mulf %get3A_578, %broadcast_in_dim3A_574 : vector<16xf32>
        %swap3A_580 = arith.index_cast %add3A_571 : i32 to index
        %swap3A_581 = arith.constant 0 : index
        %swap3A_582 = tpu.vector_load %arg15[%swap3A_580, %swap3A_581] {strides = array<i32>} : memref<512x32xf32, #tpu.memory_space<vmem>>, vector<1x16xf32>,
        %swap3A_583 = vector.shape_cast %swap3A_582 : vector<1x16xf32> to vector<16xf32>
        %swap3A_584 = vector.shape_cast %mul3A_579 : vector<16xf32> to vector<1x16xf32>
        tpu.vector_store %arg15[%swap3A_580, %swap3A_581], %swap3A_584 {strides = array<i32>} : memref<512x32xf32, #tpu.memory_space<vmem>>, vector<1x16xf32>,
        %get3A_585 = arith.index_cast %add3A_571 : i32 to index
        %get3A_586 = arith.constant 16 : index
        %get3A_587 = tpu.vector_load %arg15[%get3A_585, %get3A_586] {strides = array<i32>} : memref<512x32xf32, #tpu.memory_space<vmem>>, vector<1x16xf32>,
        %get3A_588 = vector.shape_cast %get3A_587 : vector<1x16xf32> to vector<16xf32>
        %mul3A_589 = arith.mulf %get3A_588, %broadcast_in_dim3A_574 : vector<16xf32>
        %swap3A_590 = arith.index_cast %add3A_571 : i32 to index
        %swap3A_591 = arith.constant 16 : index
        %swap3A_592 = tpu.vector_load %arg15[%swap3A_590, %swap3A_591] {strides = array<i32>} : memref<512x32xf32, #tpu.memory_space<vmem>>, vector<1x16xf32>,
        %swap3A_593 = vector.shape_cast %swap3A_592 : vector<1x16xf32> to vector<16xf32>
        %swap3A_594 = vector.shape_cast %mul3A_589 : vector<16xf32> to vector<1x16xf32>
        tpu.vector_store %arg15[%swap3A_590, %swap3A_591], %swap3A_594 {strides = array<i32>} : memref<512x32xf32, #tpu.memory_space<vmem>>, vector<1x16xf32>,
        %mul3A_595 = arith.constant 16 : i32
        %mul3A_596 = arith.muli %add3A_280, %mul3A_595 : i32
        %add3A_597 = arith.constant 10 : i32
        %add3A_598 = arith.addi %mul3A_596, %add3A_597 : i32
        %slice3A_599 = vector.extract_strided_slice %exp3A {offsets = [10], sizes = [1], strides = [1]} : vector<16xf32> to vector<1xf32>
        %squeeze3A_600 = vector.extract %slice3A_599[0] : f32 from vector<1xf32>
        %broadcast_in_dim3A_601 = vector.broadcast %squeeze3A_600 : f32 to vector<16xf32>
        %get3A_602 = arith.index_cast %add3A_598 : i32 to index
        %get3A_603 = arith.constant 0 : index
        %get3A_604 = tpu.vector_load %arg15[%get3A_602, %get3A_603] {strides = array<i32>} : memref<512x32xf32, #tpu.memory_space<vmem>>, vector<1x16xf32>,
        %get3A_605 = vector.shape_cast %get3A_604 : vector<1x16xf32> to vector<16xf32>
        %mul3A_606 = arith.mulf %get3A_605, %broadcast_in_dim3A_601 : vector<16xf32>
        %swap3A_607 = arith.index_cast %add3A_598 : i32 to index
        %swap3A_608 = arith.constant 0 : index
        %swap3A_609 = tpu.vector_load %arg15[%swap3A_607, %swap3A_608] {strides = array<i32>} : memref<512x32xf32, #tpu.memory_space<vmem>>, vector<1x16xf32>,
        %swap3A_610 = vector.shape_cast %swap3A_609 : vector<1x16xf32> to vector<16xf32>
        %swap3A_611 = vector.shape_cast %mul3A_606 : vector<16xf32> to vector<1x16xf32>
        tpu.vector_store %arg15[%swap3A_607, %swap3A_608], %swap3A_611 {strides = array<i32>} : memref<512x32xf32, #tpu.memory_space<vmem>>, vector<1x16xf32>,
        %get3A_612 = arith.index_cast %add3A_598 : i32 to index
        %get3A_613 = arith.constant 16 : index
        %get3A_614 = tpu.vector_load %arg15[%get3A_612, %get3A_613] {strides = array<i32>} : memref<512x32xf32, #tpu.memory_space<vmem>>, vector<1x16xf32>,
        %get3A_615 = vector.shape_cast %get3A_614 : vector<1x16xf32> to vector<16xf32>
        %mul3A_616 = arith.mulf %get3A_615, %broadcast_in_dim3A_601 : vector<16xf32>
        %swap3A_617 = arith.index_cast %add3A_598 : i32 to index
        %swap3A_618 = arith.constant 16 : index
        %swap3A_619 = tpu.vector_load %arg15[%swap3A_617, %swap3A_618] {strides = array<i32>} : memref<512x32xf32, #tpu.memory_space<vmem>>, vector<1x16xf32>,
        %swap3A_620 = vector.shape_cast %swap3A_619 : vector<1x16xf32> to vector<16xf32>
        %swap3A_621 = vector.shape_cast %mul3A_616 : vector<16xf32> to vector<1x16xf32>
        tpu.vector_store %arg15[%swap3A_617, %swap3A_618], %swap3A_621 {strides = array<i32>} : memref<512x32xf32, #tpu.memory_space<vmem>>, vector<1x16xf32>,
        %mul3A_622 = arith.constant 16 : i32
        %mul3A_623 = arith.muli %add3A_280, %mul3A_622 : i32
        %add3A_624 = arith.constant 11 : i32
        %add3A_625 = arith.addi %mul3A_623, %add3A_624 : i32
        %slice3A_626 = vector.extract_strided_slice %exp3A {offsets = [11], sizes = [1], strides = [1]} : vector<16xf32> to vector<1xf32>
        %squeeze3A_627 = vector.extract %slice3A_626[0] : f32 from vector<1xf32>
        %broadcast_in_dim3A_628 = vector.broadcast %squeeze3A_627 : f32 to vector<16xf32>
        %get3A_629 = arith.index_cast %add3A_625 : i32 to index
        %get3A_630 = arith.constant 0 : index
        %get3A_631 = tpu.vector_load %arg15[%get3A_629, %get3A_630] {strides = array<i32>} : memref<512x32xf32, #tpu.memory_space<vmem>>, vector<1x16xf32>,
        %get3A_632 = vector.shape_cast %get3A_631 : vector<1x16xf32> to vector<16xf32>
        %mul3A_633 = arith.mulf %get3A_632, %broadcast_in_dim3A_628 : vector<16xf32>
        %swap3A_634 = arith.index_cast %add3A_625 : i32 to index
        %swap3A_635 = arith.constant 0 : index
        %swap3A_636 = tpu.vector_load %arg15[%swap3A_634, %swap3A_635] {strides = array<i32>} : memref<512x32xf32, #tpu.memory_space<vmem>>, vector<1x16xf32>,
        %swap3A_637 = vector.shape_cast %swap3A_636 : vector<1x16xf32> to vector<16xf32>
        %swap3A_638 = vector.shape_cast %mul3A_633 : vector<16xf32> to vector<1x16xf32>
        tpu.vector_store %arg15[%swap3A_634, %swap3A_635], %swap3A_638 {strides = array<i32>} : memref<512x32xf32, #tpu.memory_space<vmem>>, vector<1x16xf32>,
        %get3A_639 = arith.index_cast %add3A_625 : i32 to index
        %get3A_640 = arith.constant 16 : index
        %get3A_641 = tpu.vector_load %arg15[%get3A_639, %get3A_640] {strides = array<i32>} : memref<512x32xf32, #tpu.memory_space<vmem>>, vector<1x16xf32>,
        %get3A_642 = vector.shape_cast %get3A_641 : vector<1x16xf32> to vector<16xf32>
        %mul3A_643 = arith.mulf %get3A_642, %broadcast_in_dim3A_628 : vector<16xf32>
        %swap3A_644 = arith.index_cast %add3A_625 : i32 to index
        %swap3A_645 = arith.constant 16 : index
        %swap3A_646 = tpu.vector_load %arg15[%swap3A_644, %swap3A_645] {strides = array<i32>} : memref<512x32xf32, #tpu.memory_space<vmem>>, vector<1x16xf32>,
        %swap3A_647 = vector.shape_cast %swap3A_646 : vector<1x16xf32> to vector<16xf32>
        %swap3A_648 = vector.shape_cast %mul3A_643 : vector<16xf32> to vector<1x16xf32>
        tpu.vector_store %arg15[%swap3A_644, %swap3A_645], %swap3A_648 {strides = array<i32>} : memref<512x32xf32, #tpu.memory_space<vmem>>, vector<1x16xf32>,
        %mul3A_649 = arith.constant 16 : i32
        %mul3A_650 = arith.muli %add3A_280, %mul3A_649 : i32
        %add3A_651 = arith.constant 12 : i32
        %add3A_652 = arith.addi %mul3A_650, %add3A_651 : i32
        %slice3A_653 = vector.extract_strided_slice %exp3A {offsets = [12], sizes = [1], strides = [1]} : vector<16xf32> to vector<1xf32>
        %squeeze3A_654 = vector.extract %slice3A_653[0] : f32 from vector<1xf32>
        %broadcast_in_dim3A_655 = vector.broadcast %squeeze3A_654 : f32 to vector<16xf32>
        %get3A_656 = arith.index_cast %add3A_652 : i32 to index
        %get3A_657 = arith.constant 0 : index
        %get3A_658 = tpu.vector_load %arg15[%get3A_656, %get3A_657] {strides = array<i32>} : memref<512x32xf32, #tpu.memory_space<vmem>>, vector<1x16xf32>,
        %get3A_659 = vector.shape_cast %get3A_658 : vector<1x16xf32> to vector<16xf32>
        %mul3A_660 = arith.mulf %get3A_659, %broadcast_in_dim3A_655 : vector<16xf32>
        %swap3A_661 = arith.index_cast %add3A_652 : i32 to index
        %swap3A_662 = arith.constant 0 : index
        %swap3A_663 = tpu.vector_load %arg15[%swap3A_661, %swap3A_662] {strides = array<i32>} : memref<512x32xf32, #tpu.memory_space<vmem>>, vector<1x16xf32>,
        %swap3A_664 = vector.shape_cast %swap3A_663 : vector<1x16xf32> to vector<16xf32>
        %swap3A_665 = vector.shape_cast %mul3A_660 : vector<16xf32> to vector<1x16xf32>
        tpu.vector_store %arg15[%swap3A_661, %swap3A_662], %swap3A_665 {strides = array<i32>} : memref<512x32xf32, #tpu.memory_space<vmem>>, vector<1x16xf32>,
        %get3A_666 = arith.index_cast %add3A_652 : i32 to index
        %get3A_667 = arith.constant 16 : index
        %get3A_668 = tpu.vector_load %arg15[%get3A_666, %get3A_667] {strides = array<i32>} : memref<512x32xf32, #tpu.memory_space<vmem>>, vector<1x16xf32>,
        %get3A_669 = vector.shape_cast %get3A_668 : vector<1x16xf32> to vector<16xf32>
        %mul3A_670 = arith.mulf %get3A_669, %broadcast_in_dim3A_655 : vector<16xf32>
        %swap3A_671 = arith.index_cast %add3A_652 : i32 to index
        %swap3A_672 = arith.constant 16 : index
        %swap3A_673 = tpu.vector_load %arg15[%swap3A_671, %swap3A_672] {strides = array<i32>} : memref<512x32xf32, #tpu.memory_space<vmem>>, vector<1x16xf32>,
        %swap3A_674 = vector.shape_cast %swap3A_673 : vector<1x16xf32> to vector<16xf32>
        %swap3A_675 = vector.shape_cast %mul3A_670 : vector<16xf32> to vector<1x16xf32>
        tpu.vector_store %arg15[%swap3A_671, %swap3A_672], %swap3A_675 {strides = array<i32>} : memref<512x32xf32, #tpu.memory_space<vmem>>, vector<1x16xf32>,
        %mul3A_676 = arith.constant 16 : i32
        %mul3A_677 = arith.muli %add3A_280, %mul3A_676 : i32
        %add3A_678 = arith.constant 13 : i32
        %add3A_679 = arith.addi %mul3A_677, %add3A_678 : i32
        %slice3A_680 = vector.extract_strided_slice %exp3A {offsets = [13], sizes = [1], strides = [1]} : vector<16xf32> to vector<1xf32>
        %squeeze3A_681 = vector.extract %slice3A_680[0] : f32 from vector<1xf32>
        %broadcast_in_dim3A_682 = vector.broadcast %squeeze3A_681 : f32 to vector<16xf32>
        %get3A_683 = arith.index_cast %add3A_679 : i32 to index
        %get3A_684 = arith.constant 0 : index
        %get3A_685 = tpu.vector_load %arg15[%get3A_683, %get3A_684] {strides = array<i32>} : memref<512x32xf32, #tpu.memory_space<vmem>>, vector<1x16xf32>,
        %get3A_686 = vector.shape_cast %get3A_685 : vector<1x16xf32> to vector<16xf32>
        %mul3A_687 = arith.mulf %get3A_686, %broadcast_in_dim3A_682 : vector<16xf32>
        %swap3A_688 = arith.index_cast %add3A_679 : i32 to index
        %swap3A_689 = arith.constant 0 : index
        %swap3A_690 = tpu.vector_load %arg15[%swap3A_688, %swap3A_689] {strides = array<i32>} : memref<512x32xf32, #tpu.memory_space<vmem>>, vector<1x16xf32>,
        %swap3A_691 = vector.shape_cast %swap3A_690 : vector<1x16xf32> to vector<16xf32>
        %swap3A_692 = vector.shape_cast %mul3A_687 : vector<16xf32> to vector<1x16xf32>
        tpu.vector_store %arg15[%swap3A_688, %swap3A_689], %swap3A_692 {strides = array<i32>} : memref<512x32xf32, #tpu.memory_space<vmem>>, vector<1x16xf32>,
        %get3A_693 = arith.index_cast %add3A_679 : i32 to index
        %get3A_694 = arith.constant 16 : index
        %get3A_695 = tpu.vector_load %arg15[%get3A_693, %get3A_694] {strides = array<i32>} : memref<512x32xf32, #tpu.memory_space<vmem>>, vector<1x16xf32>,
        %get3A_696 = vector.shape_cast %get3A_695 : vector<1x16xf32> to vector<16xf32>
        %mul3A_697 = arith.mulf %get3A_696, %broadcast_in_dim3A_682 : vector<16xf32>
        %swap3A_698 = arith.index_cast %add3A_679 : i32 to index
        %swap3A_699 = arith.constant 16 : index
        %swap3A_700 = tpu.vector_load %arg15[%swap3A_698, %swap3A_699] {strides = array<i32>} : memref<512x32xf32, #tpu.memory_space<vmem>>, vector<1x16xf32>,
        %swap3A_701 = vector.shape_cast %swap3A_700 : vector<1x16xf32> to vector<16xf32>
        %swap3A_702 = vector.shape_cast %mul3A_697 : vector<16xf32> to vector<1x16xf32>
        tpu.vector_store %arg15[%swap3A_698, %swap3A_699], %swap3A_702 {strides = array<i32>} : memref<512x32xf32, #tpu.memory_space<vmem>>, vector<1x16xf32>,
        %mul3A_703 = arith.constant 16 : i32
        %mul3A_704 = arith.muli %add3A_280, %mul3A_703 : i32
        %add3A_705 = arith.constant 14 : i32
        %add3A_706 = arith.addi %mul3A_704, %add3A_705 : i32
        %slice3A_707 = vector.extract_strided_slice %exp3A {offsets = [14], sizes = [1], strides = [1]} : vector<16xf32> to vector<1xf32>
        %squeeze3A_708 = vector.extract %slice3A_707[0] : f32 from vector<1xf32>
        %broadcast_in_dim3A_709 = vector.broadcast %squeeze3A_708 : f32 to vector<16xf32>
        %get3A_710 = arith.index_cast %add3A_706 : i32 to index
        %get3A_711 = arith.constant 0 : index
        %get3A_712 = tpu.vector_load %arg15[%get3A_710, %get3A_711] {strides = array<i32>} : memref<512x32xf32, #tpu.memory_space<vmem>>, vector<1x16xf32>,
        %get3A_713 = vector.shape_cast %get3A_712 : vector<1x16xf32> to vector<16xf32>
        %mul3A_714 = arith.mulf %get3A_713, %broadcast_in_dim3A_709 : vector<16xf32>
        %swap3A_715 = arith.index_cast %add3A_706 : i32 to index
        %swap3A_716 = arith.constant 0 : index
        %swap3A_717 = tpu.vector_load %arg15[%swap3A_715, %swap3A_716] {strides = array<i32>} : memref<512x32xf32, #tpu.memory_space<vmem>>, vector<1x16xf32>,
        %swap3A_718 = vector.shape_cast %swap3A_717 : vector<1x16xf32> to vector<16xf32>
        %swap3A_719 = vector.shape_cast %mul3A_714 : vector<16xf32> to vector<1x16xf32>
        tpu.vector_store %arg15[%swap3A_715, %swap3A_716], %swap3A_719 {strides = array<i32>} : memref<512x32xf32, #tpu.memory_space<vmem>>, vector<1x16xf32>,
        %get3A_720 = arith.index_cast %add3A_706 : i32 to index
        %get3A_721 = arith.constant 16 : index
        %get3A_722 = tpu.vector_load %arg15[%get3A_720, %get3A_721] {strides = array<i32>} : memref<512x32xf32, #tpu.memory_space<vmem>>, vector<1x16xf32>,
        %get3A_723 = vector.shape_cast %get3A_722 : vector<1x16xf32> to vector<16xf32>
        %mul3A_724 = arith.mulf %get3A_723, %broadcast_in_dim3A_709 : vector<16xf32>
        %swap3A_725 = arith.index_cast %add3A_706 : i32 to index
        %swap3A_726 = arith.constant 16 : index
        %swap3A_727 = tpu.vector_load %arg15[%swap3A_725, %swap3A_726] {strides = array<i32>} : memref<512x32xf32, #tpu.memory_space<vmem>>, vector<1x16xf32>,
        %swap3A_728 = vector.shape_cast %swap3A_727 : vector<1x16xf32> to vector<16xf32>
        %swap3A_729 = vector.shape_cast %mul3A_724 : vector<16xf32> to vector<1x16xf32>
        tpu.vector_store %arg15[%swap3A_725, %swap3A_726], %swap3A_729 {strides = array<i32>} : memref<512x32xf32, #tpu.memory_space<vmem>>, vector<1x16xf32>,
        %mul3A_730 = arith.constant 16 : i32
        %mul3A_731 = arith.muli %add3A_280, %mul3A_730 : i32
        %add3A_732 = arith.constant 15 : i32
        %add3A_733 = arith.addi %mul3A_731, %add3A_732 : i32
        %slice3A_734 = vector.extract_strided_slice %exp3A {offsets = [15], sizes = [1], strides = [1]} : vector<16xf32> to vector<1xf32>
        %squeeze3A_735 = vector.extract %slice3A_734[0] : f32 from vector<1xf32>
        %broadcast_in_dim3A_736 = vector.broadcast %squeeze3A_735 : f32 to vector<16xf32>
        %get3A_737 = arith.index_cast %add3A_733 : i32 to index
        %get3A_738 = arith.constant 0 : index
        %get3A_739 = tpu.vector_load %arg15[%get3A_737, %get3A_738] {strides = array<i32>} : memref<512x32xf32, #tpu.memory_space<vmem>>, vector<1x16xf32>,
        %get3A_740 = vector.shape_cast %get3A_739 : vector<1x16xf32> to vector<16xf32>
        %mul3A_741 = arith.mulf %get3A_740, %broadcast_in_dim3A_736 : vector<16xf32>
        %swap3A_742 = arith.index_cast %add3A_733 : i32 to index
        %swap3A_743 = arith.constant 0 : index
        %swap3A_744 = tpu.vector_load %arg15[%swap3A_742, %swap3A_743] {strides = array<i32>} : memref<512x32xf32, #tpu.memory_space<vmem>>, vector<1x16xf32>,
        %swap3A_745 = vector.shape_cast %swap3A_744 : vector<1x16xf32> to vector<16xf32>
        %swap3A_746 = vector.shape_cast %mul3A_741 : vector<16xf32> to vector<1x16xf32>
        tpu.vector_store %arg15[%swap3A_742, %swap3A_743], %swap3A_746 {strides = array<i32>} : memref<512x32xf32, #tpu.memory_space<vmem>>, vector<1x16xf32>,
        %get3A_747 = arith.index_cast %add3A_733 : i32 to index
        %get3A_748 = arith.constant 16 : index
        %get3A_749 = tpu.vector_load %arg15[%get3A_747, %get3A_748] {strides = array<i32>} : memref<512x32xf32, #tpu.memory_space<vmem>>, vector<1x16xf32>,
        %get3A_750 = vector.shape_cast %get3A_749 : vector<1x16xf32> to vector<16xf32>
        %mul3A_751 = arith.mulf %get3A_750, %broadcast_in_dim3A_736 : vector<16xf32>
        %swap3A_752 = arith.index_cast %add3A_733 : i32 to index
        %swap3A_753 = arith.constant 16 : index
        %swap3A_754 = tpu.vector_load %arg15[%swap3A_752, %swap3A_753] {strides = array<i32>} : memref<512x32xf32, #tpu.memory_space<vmem>>, vector<1x16xf32>,
        %swap3A_755 = vector.shape_cast %swap3A_754 : vector<1x16xf32> to vector<16xf32>
        %swap3A_756 = vector.shape_cast %mul3A_751 : vector<16xf32> to vector<1x16xf32>
        tpu.vector_store %arg15[%swap3A_752, %swap3A_753], %swap3A_756 {strides = array<i32>} : memref<512x32xf32, #tpu.memory_space<vmem>>, vector<1x16xf32>,
      }
      %scan3A_272 = arith.constant 32 : i32
      %run_scoped3A = arith.constant 0 : i32
      "tpu.region"() ({
        %run_scoped3A_276 = tpu.sem_alloc : memref<!tpu.dma_semaphore, #tpu.memory_space<semaphore_mem>>
        %dma_start3A_277 = arith.constant 0 : i32
        %dma_start3A_278 = arith.constant 0 : i32
        %dma_start3A_279 = tpu.memref_slice %arg15[%dma_start3A_277, %dma_start3A_278] : memref<512x32xf32, #tpu.memory_space<vmem>> -> memref<128x32xf32, #tpu.memory_space<vmem>>
        %dma_start3A_280 = arith.constant 0 : i32
        %dma_start3A_281 = tpu.memref_slice %arg11[%run_scoped3A, %dma_start3A_280] : memref<4x128xi32, #tpu.memory_space<vmem>> -> memref<1x128xi32, #tpu.memory_space<vmem>>
        %dma_start3A_282 = tpu.memref_squeeze %dma_start3A_281 : memref<1x128xi32, #tpu.memory_space<vmem>> -> memref<128xi32, #tpu.memory_space<vmem>>
        %dma_start3A_283 = arith.constant 0 : i32
        %dma_start3A_284 = arith.constant 0 : i32
        %dma_start3A_285 = tpu.memref_slice %arg9[%dma_start3A_283, %dma_start3A_284] : memref<50176x32xf32, #tpu.memory_space<vmem_shared>> -> memref<50176x32xf32, #tpu.memory_space<vmem_shared>>
        tpu.enqueue_indirect_dma source(%dma_start3A_279 : memref<128x32xf32, #tpu.memory_space<vmem>>) target(%dma_start3A_285 : memref<50176x32xf32, #tpu.memory_space<vmem_shared>>) offsets(%dma_start3A_282 : memref<128xi32, #tpu.memory_space<vmem>>) semaphore(%run_scoped3A_276 : memref<!tpu.dma_semaphore, #tpu.memory_space<semaphore_mem>>) {add = true}
        %dma_wait3A_286 = arith.constant 0 : i32
        %dma_wait3A_287 = arith.constant 0 : i32
        %dma_wait3A_288 = tpu.memref_slice %arg15[%dma_wait3A_286, %dma_wait3A_287] : memref<512x32xf32, #tpu.memory_space<vmem>> -> memref<128x32xf32, #tpu.memory_space<vmem>>
        %dma_wait3A_289 = arith.constant 0 : i32
        %dma_wait3A_290 = tpu.memref_slice %arg11[%run_scoped3A, %dma_wait3A_289] : memref<4x128xi32, #tpu.memory_space<vmem>> -> memref<1x128xi32, #tpu.memory_space<vmem>>
        %dma_wait3A_291 = tpu.memref_squeeze %dma_wait3A_290 : memref<1x128xi32, #tpu.memory_space<vmem>> -> memref<128xi32, #tpu.memory_space<vmem>>
        %dma_wait3A_292 = arith.constant 0 : i32
        %dma_wait3A_293 = arith.constant 0 : i32
        %dma_wait3A_294 = tpu.memref_slice %arg9[%dma_wait3A_292, %dma_wait3A_293] : memref<50176x32xf32, #tpu.memory_space<vmem_shared>> -> memref<50176x32xf32, #tpu.memory_space<vmem_shared>>
        tpu.wait_indirect_dma semaphore(%run_scoped3A_276 : memref<!tpu.dma_semaphore, #tpu.memory_space<semaphore_mem>>) src(%dma_wait3A_288 : memref<128x32xf32, #tpu.memory_space<vmem>>) dst(%dma_wait3A_294 : memref<50176x32xf32, #tpu.memory_space<vmem_shared>>)
        tpu.yield
      }) : () -> ()
      %run_scoped3A_273 = arith.constant 1 : i32
      "tpu.region"() ({
        %run_scoped3A_276 = tpu.sem_alloc : memref<!tpu.dma_semaphore, #tpu.memory_space<semaphore_mem>>
        %dma_start3A_277 = arith.constant 128 : i32
        %dma_start3A_278 = arith.constant 0 : i32
        %dma_start3A_279 = tpu.memref_slice %arg15[%dma_start3A_277, %dma_start3A_278] : memref<512x32xf32, #tpu.memory_space<vmem>> -> memref<128x32xf32, #tpu.memory_space<vmem>>
        %dma_start3A_280 = arith.constant 0 : i32
        %dma_start3A_281 = tpu.memref_slice %arg11[%run_scoped3A_273, %dma_start3A_280] : memref<4x128xi32, #tpu.memory_space<vmem>> -> memref<1x128xi32, #tpu.memory_space<vmem>>
        %dma_start3A_282 = tpu.memref_squeeze %dma_start3A_281 : memref<1x128xi32, #tpu.memory_space<vmem>> -> memref<128xi32, #tpu.memory_space<vmem>>
        %dma_start3A_283 = arith.constant 0 : i32
        %dma_start3A_284 = arith.constant 0 : i32
        %dma_start3A_285 = tpu.memref_slice %arg9[%dma_start3A_283, %dma_start3A_284] : memref<50176x32xf32, #tpu.memory_space<vmem_shared>> -> memref<50176x32xf32, #tpu.memory_space<vmem_shared>>
        tpu.enqueue_indirect_dma source(%dma_start3A_279 : memref<128x32xf32, #tpu.memory_space<vmem>>) target(%dma_start3A_285 : memref<50176x32xf32, #tpu.memory_space<vmem_shared>>) offsets(%dma_start3A_282 : memref<128xi32, #tpu.memory_space<vmem>>) semaphore(%run_scoped3A_276 : memref<!tpu.dma_semaphore, #tpu.memory_space<semaphore_mem>>) {add = true}
        %dma_wait3A_286 = arith.constant 128 : i32
        %dma_wait3A_287 = arith.constant 0 : i32
        %dma_wait3A_288 = tpu.memref_slice %arg15[%dma_wait3A_286, %dma_wait3A_287] : memref<512x32xf32, #tpu.memory_space<vmem>> -> memref<128x32xf32, #tpu.memory_space<vmem>>
        %dma_wait3A_289 = arith.constant 0 : i32
        %dma_wait3A_290 = tpu.memref_slice %arg11[%run_scoped3A_273, %dma_wait3A_289] : memref<4x128xi32, #tpu.memory_space<vmem>> -> memref<1x128xi32, #tpu.memory_space<vmem>>
        %dma_wait3A_291 = tpu.memref_squeeze %dma_wait3A_290 : memref<1x128xi32, #tpu.memory_space<vmem>> -> memref<128xi32, #tpu.memory_space<vmem>>
        %dma_wait3A_292 = arith.constant 0 : i32
        %dma_wait3A_293 = arith.constant 0 : i32
        %dma_wait3A_294 = tpu.memref_slice %arg9[%dma_wait3A_292, %dma_wait3A_293] : memref<50176x32xf32, #tpu.memory_space<vmem_shared>> -> memref<50176x32xf32, #tpu.memory_space<vmem_shared>>
        tpu.wait_indirect_dma semaphore(%run_scoped3A_276 : memref<!tpu.dma_semaphore, #tpu.memory_space<semaphore_mem>>) src(%dma_wait3A_288 : memref<128x32xf32, #tpu.memory_space<vmem>>) dst(%dma_wait3A_294 : memref<50176x32xf32, #tpu.memory_space<vmem_shared>>)
        tpu.yield
      }) : () -> ()
      %run_scoped3A_274 = arith.constant 2 : i32
      "tpu.region"() ({
        %run_scoped3A_276 = tpu.sem_alloc : memref<!tpu.dma_semaphore, #tpu.memory_space<semaphore_mem>>
        %dma_start3A_277 = arith.constant 256 : i32
        %dma_start3A_278 = arith.constant 0 : i32
        %dma_start3A_279 = tpu.memref_slice %arg15[%dma_start3A_277, %dma_start3A_278] : memref<512x32xf32, #tpu.memory_space<vmem>> -> memref<128x32xf32, #tpu.memory_space<vmem>>
        %dma_start3A_280 = arith.constant 0 : i32
        %dma_start3A_281 = tpu.memref_slice %arg11[%run_scoped3A_274, %dma_start3A_280] : memref<4x128xi32, #tpu.memory_space<vmem>> -> memref<1x128xi32, #tpu.memory_space<vmem>>
        %dma_start3A_282 = tpu.memref_squeeze %dma_start3A_281 : memref<1x128xi32, #tpu.memory_space<vmem>> -> memref<128xi32, #tpu.memory_space<vmem>>
        %dma_start3A_283 = arith.constant 0 : i32
        %dma_start3A_284 = arith.constant 0 : i32
        %dma_start3A_285 = tpu.memref_slice %arg9[%dma_start3A_283, %dma_start3A_284] : memref<50176x32xf32, #tpu.memory_space<vmem_shared>> -> memref<50176x32xf32, #tpu.memory_space<vmem_shared>>
        tpu.enqueue_indirect_dma source(%dma_start3A_279 : memref<128x32xf32, #tpu.memory_space<vmem>>) target(%dma_start3A_285 : memref<50176x32xf32, #tpu.memory_space<vmem_shared>>) offsets(%dma_start3A_282 : memref<128xi32, #tpu.memory_space<vmem>>) semaphore(%run_scoped3A_276 : memref<!tpu.dma_semaphore, #tpu.memory_space<semaphore_mem>>) {add = true}
        %dma_wait3A_286 = arith.constant 256 : i32
        %dma_wait3A_287 = arith.constant 0 : i32
        %dma_wait3A_288 = tpu.memref_slice %arg15[%dma_wait3A_286, %dma_wait3A_287] : memref<512x32xf32, #tpu.memory_space<vmem>> -> memref<128x32xf32, #tpu.memory_space<vmem>>
        %dma_wait3A_289 = arith.constant 0 : i32
        %dma_wait3A_290 = tpu.memref_slice %arg11[%run_scoped3A_274, %dma_wait3A_289] : memref<4x128xi32, #tpu.memory_space<vmem>> -> memref<1x128xi32, #tpu.memory_space<vmem>>
        %dma_wait3A_291 = tpu.memref_squeeze %dma_wait3A_290 : memref<1x128xi32, #tpu.memory_space<vmem>> -> memref<128xi32, #tpu.memory_space<vmem>>
        %dma_wait3A_292 = arith.constant 0 : i32
        %dma_wait3A_293 = arith.constant 0 : i32
        %dma_wait3A_294 = tpu.memref_slice %arg9[%dma_wait3A_292, %dma_wait3A_293] : memref<50176x32xf32, #tpu.memory_space<vmem_shared>> -> memref<50176x32xf32, #tpu.memory_space<vmem_shared>>
        tpu.wait_indirect_dma semaphore(%run_scoped3A_276 : memref<!tpu.dma_semaphore, #tpu.memory_space<semaphore_mem>>) src(%dma_wait3A_288 : memref<128x32xf32, #tpu.memory_space<vmem>>) dst(%dma_wait3A_294 : memref<50176x32xf32, #tpu.memory_space<vmem_shared>>)
        tpu.yield
      }) : () -> ()
      %run_scoped3A_275 = arith.constant 3 : i32
      "tpu.region"() ({
        %run_scoped3A_276 = tpu.sem_alloc : memref<!tpu.dma_semaphore, #tpu.memory_space<semaphore_mem>>
        %dma_start3A_277 = arith.constant 384 : i32
        %dma_start3A_278 = arith.constant 0 : i32
        %dma_start3A_279 = tpu.memref_slice %arg15[%dma_start3A_277, %dma_start3A_278] : memref<512x32xf32, #tpu.memory_space<vmem>> -> memref<128x32xf32, #tpu.memory_space<vmem>>
        %dma_start3A_280 = arith.constant 0 : i32
        %dma_start3A_281 = tpu.memref_slice %arg11[%run_scoped3A_275, %dma_start3A_280] : memref<4x128xi32, #tpu.memory_space<vmem>> -> memref<1x128xi32, #tpu.memory_space<vmem>>
        %dma_start3A_282 = tpu.memref_squeeze %dma_start3A_281 : memref<1x128xi32, #tpu.memory_space<vmem>> -> memref<128xi32, #tpu.memory_space<vmem>>
        %dma_start3A_283 = arith.constant 0 : i32
        %dma_start3A_284 = arith.constant 0 : i32
        %dma_start3A_285 = tpu.memref_slice %arg9[%dma_start3A_283, %dma_start3A_284] : memref<50176x32xf32, #tpu.memory_space<vmem_shared>> -> memref<50176x32xf32, #tpu.memory_space<vmem_shared>>
        tpu.enqueue_indirect_dma source(%dma_start3A_279 : memref<128x32xf32, #tpu.memory_space<vmem>>) target(%dma_start3A_285 : memref<50176x32xf32, #tpu.memory_space<vmem_shared>>) offsets(%dma_start3A_282 : memref<128xi32, #tpu.memory_space<vmem>>) semaphore(%run_scoped3A_276 : memref<!tpu.dma_semaphore, #tpu.memory_space<semaphore_mem>>) {add = true}
        %dma_wait3A_286 = arith.constant 384 : i32
        %dma_wait3A_287 = arith.constant 0 : i32
        %dma_wait3A_288 = tpu.memref_slice %arg15[%dma_wait3A_286, %dma_wait3A_287] : memref<512x32xf32, #tpu.memory_space<vmem>> -> memref<128x32xf32, #tpu.memory_space<vmem>>
        %dma_wait3A_289 = arith.constant 0 : i32
        %dma_wait3A_290 = tpu.memref_slice %arg11[%run_scoped3A_275, %dma_wait3A_289] : memref<4x128xi32, #tpu.memory_space<vmem>> -> memref<1x128xi32, #tpu.memory_space<vmem>>
        %dma_wait3A_291 = tpu.memref_squeeze %dma_wait3A_290 : memref<1x128xi32, #tpu.memory_space<vmem>> -> memref<128xi32, #tpu.memory_space<vmem>>
        %dma_wait3A_292 = arith.constant 0 : i32
        %dma_wait3A_293 = arith.constant 0 : i32
        %dma_wait3A_294 = tpu.memref_slice %arg9[%dma_wait3A_292, %dma_wait3A_293] : memref<50176x32xf32, #tpu.memory_space<vmem_shared>> -> memref<50176x32xf32, #tpu.memory_space<vmem_shared>>
        tpu.wait_indirect_dma semaphore(%run_scoped3A_276 : memref<!tpu.dma_semaphore, #tpu.memory_space<semaphore_mem>>) src(%dma_wait3A_288 : memref<128x32xf32, #tpu.memory_space<vmem>>) dst(%dma_wait3A_294 : memref<50176x32xf32, #tpu.memory_space<vmem_shared>>)
        tpu.yield
      }) : () -> ()
    }
    %scan3A_14 = arith.constant 100 : i32
    %barrier3A_15 = arith.constant 0 : index
    tpu.barrier barrier_id(%barrier3A_15)
    %mul3A_16 = arith.constant 3136 : i32
    %mul3A_17 = arith.muli %arg1, %mul3A_16 : i32
    %mul3A_18 = arith.constant 3136 : i32
    %mul3A_19 = arith.muli %arg1, %mul3A_18 : i32
    "tpu.region"() ({
      %run_scoped3A = tpu.sem_alloc : memref<!tpu.dma_semaphore, #tpu.memory_space<semaphore_mem>>
      %dma_start3A = arith.constant 0 : i32
      %dma_start3A_20 = arith.constant 0 : i32
      %dma_start3A_21 = tpu.memref_slice %arg8[%arg0, %dma_start3A, %dma_start3A_20] : memref<2x50176x32xf32, #tpu.memory_space<hbm>> -> memref<1x50176x32xf32, #tpu.memory_space<hbm>>
      %dma_start3A_22 = tpu.memref_squeeze %dma_start3A_21 : memref<1x50176x32xf32, #tpu.memory_space<hbm>> -> memref<50176x32xf32, #tpu.memory_space<hbm>>
      %dma_start3A_23 = arith.constant 0 : i32
      %dma_start3A_24 = tpu.memref_slice %dma_start3A_22[%mul3A_19, %dma_start3A_23] : memref<50176x32xf32, #tpu.memory_space<hbm>> -> memref<3136x32xf32, #tpu.memory_space<hbm>>
      %dma_start3A_25 = arith.constant 0 : i32
      %dma_start3A_26 = tpu.memref_slice %arg9[%mul3A_17, %dma_start3A_25] : memref<50176x32xf32, #tpu.memory_space<vmem_shared>> -> memref<3136x32xf32, #tpu.memory_space<vmem_shared>>
      tpu.enqueue_dma source(%dma_start3A_26 : memref<3136x32xf32, #tpu.memory_space<vmem_shared>>) target(%dma_start3A_24 : memref<3136x32xf32, #tpu.memory_space<hbm>>) target_semaphore(%run_scoped3A : memref<!tpu.dma_semaphore, #tpu.memory_space<semaphore_mem>>)
      %dma_wait3A = arith.constant 0 : i32
      %dma_wait3A_27 = arith.constant 0 : i32
      %dma_wait3A_28 = tpu.memref_slice %arg8[%arg0, %dma_wait3A, %dma_wait3A_27] : memref<2x50176x32xf32, #tpu.memory_space<hbm>> -> memref<1x50176x32xf32, #tpu.memory_space<hbm>>
      %dma_wait3A_29 = tpu.memref_squeeze %dma_wait3A_28 : memref<1x50176x32xf32, #tpu.memory_space<hbm>> -> memref<50176x32xf32, #tpu.memory_space<hbm>>
      %dma_wait3A_30 = arith.constant 0 : i32
      %dma_wait3A_31 = tpu.memref_slice %dma_wait3A_29[%mul3A_19, %dma_wait3A_30] : memref<50176x32xf32, #tpu.memory_space<hbm>> -> memref<3136x32xf32, #tpu.memory_space<hbm>>
      %dma_wait3A_32 = arith.constant 0 : i32
      %dma_wait3A_33 = tpu.memref_slice %arg9[%mul3A_17, %dma_wait3A_32] : memref<50176x32xf32, #tpu.memory_space<vmem_shared>> -> memref<3136x32xf32, #tpu.memory_space<vmem_shared>>
      tpu.wait_dma2 semaphore(%run_scoped3A : memref<!tpu.dma_semaphore, #tpu.memory_space<semaphore_mem>>) src(%dma_wait3A_33 : memref<3136x32xf32, #tpu.memory_space<vmem_shared>>) dst(%dma_wait3A_31 : memref<3136x32xf32, #tpu.memory_space<hbm>>)
      tpu.yield
    }) : () -> ()
    return
  }
}

#map = affine_map<(d0, d1) -> (0, 0)>
#map1 = affine_map<(d0, d1) -> (0, 0, 0)>
module attributes {stable_mosaic.version = 14 : i64} {
  func.func @_dgather_body(%arg0: i32, %arg1: i32, %arg2: memref<3200x128xi32, #tpu.memory_space<hbm>>, %arg3: memref<3200x128xi32, #tpu.memory_space<hbm>>, %arg4: memref<50176x32xf32, #tpu.memory_space<hbm>>, %arg5: memref<2x409600x32xf32, #tpu.memory_space<hbm>>, %arg6: memref<100x128xi32, #tpu.memory_space<vmem>>, %arg7: memref<100x128xi32, #tpu.memory_space<vmem>>, %arg8: memref<128x32xf32, #tpu.memory_space<vmem>>, %arg9: memref<128x32xf32, #tpu.memory_space<vmem>>, %arg10: memref<128x32xf32, #tpu.memory_space<vmem>>, %arg11: memref<128x32xf32, #tpu.memory_space<vmem>>, %arg12: memref<!tpu.dma_semaphore, #tpu.memory_space<semaphore_mem>>, %arg13: memref<!tpu.dma_semaphore, #tpu.memory_space<semaphore_mem>>) attributes {dimension_semantics = [#tpu.dimension_semantics<core_parallel>, #tpu.dimension_semantics<subcore_parallel>], iteration_bounds = array<i64: 2, 16>, scalar_prefetch = 0 : i64, scratch_operands = 8 : i64, tpu.core_type = #tpu.core_type<sc_vector_subcore>, window_params = [{transform_indices = #map}, {transform_indices = #map}, {transform_indices = #map}, {transform_indices = #map1}]} {
    %mul3A = arith.constant 16 : i32
    %mul3A_0 = arith.muli %arg0, %mul3A : i32
    %add3A = arith.addi %mul3A_0, %arg1 : i32
    %mul3A_1 = arith.constant 100 : i32
    %mul3A_2 = arith.muli %add3A, %mul3A_1 : i32
    "tpu.region"() ({
      %run_scoped3A = tpu.sem_alloc : memref<!tpu.dma_semaphore, #tpu.memory_space<semaphore_mem>>
      %dma_start3A_20 = arith.constant 0 : i32
      %dma_start3A_21 = tpu.memref_slice %arg2[%mul3A_2, %dma_start3A_20] : memref<3200x128xi32, #tpu.memory_space<hbm>> -> memref<100x128xi32, #tpu.memory_space<hbm>>
      %dma_start3A_22 = arith.constant 0 : i32
      %dma_start3A_23 = tpu.memref_slice %arg2[%mul3A_2, %dma_start3A_22] : memref<3200x128xi32, #tpu.memory_space<hbm>> -> memref<100x128xi32, #tpu.memory_space<hbm>>
      tpu.enqueue_dma source(%dma_start3A_23 : memref<100x128xi32, #tpu.memory_space<hbm>>) target(%arg6 : memref<100x128xi32, #tpu.memory_space<vmem>>) target_semaphore(%run_scoped3A : memref<!tpu.dma_semaphore, #tpu.memory_space<semaphore_mem>>)
      %dma_wait3A = arith.constant 0 : i32
      %dma_wait3A_24 = tpu.memref_slice %arg2[%mul3A_2, %dma_wait3A] : memref<3200x128xi32, #tpu.memory_space<hbm>> -> memref<100x128xi32, #tpu.memory_space<hbm>>
      %dma_wait3A_25 = arith.constant 0 : i32
      %dma_wait3A_26 = tpu.memref_slice %arg2[%mul3A_2, %dma_wait3A_25] : memref<3200x128xi32, #tpu.memory_space<hbm>> -> memref<100x128xi32, #tpu.memory_space<hbm>>
      tpu.wait_dma2 semaphore(%run_scoped3A : memref<!tpu.dma_semaphore, #tpu.memory_space<semaphore_mem>>) src(%dma_wait3A_26 : memref<100x128xi32, #tpu.memory_space<hbm>>) dst(%arg6 : memref<100x128xi32, #tpu.memory_space<vmem>>)
      tpu.yield
    }) : () -> ()
    "tpu.region"() ({
      %run_scoped3A = tpu.sem_alloc : memref<!tpu.dma_semaphore, #tpu.memory_space<semaphore_mem>>
      %dma_start3A_20 = arith.constant 0 : i32
      %dma_start3A_21 = tpu.memref_slice %arg3[%mul3A_2, %dma_start3A_20] : memref<3200x128xi32, #tpu.memory_space<hbm>> -> memref<100x128xi32, #tpu.memory_space<hbm>>
      %dma_start3A_22 = arith.constant 0 : i32
      %dma_start3A_23 = tpu.memref_slice %arg3[%mul3A_2, %dma_start3A_22] : memref<3200x128xi32, #tpu.memory_space<hbm>> -> memref<100x128xi32, #tpu.memory_space<hbm>>
      tpu.enqueue_dma source(%dma_start3A_23 : memref<100x128xi32, #tpu.memory_space<hbm>>) target(%arg7 : memref<100x128xi32, #tpu.memory_space<vmem>>) target_semaphore(%run_scoped3A : memref<!tpu.dma_semaphore, #tpu.memory_space<semaphore_mem>>)
      %dma_wait3A = arith.constant 0 : i32
      %dma_wait3A_24 = tpu.memref_slice %arg3[%mul3A_2, %dma_wait3A] : memref<3200x128xi32, #tpu.memory_space<hbm>> -> memref<100x128xi32, #tpu.memory_space<hbm>>
      %dma_wait3A_25 = arith.constant 0 : i32
      %dma_wait3A_26 = tpu.memref_slice %arg3[%mul3A_2, %dma_wait3A_25] : memref<3200x128xi32, #tpu.memory_space<hbm>> -> memref<100x128xi32, #tpu.memory_space<hbm>>
      tpu.wait_dma2 semaphore(%run_scoped3A : memref<!tpu.dma_semaphore, #tpu.memory_space<semaphore_mem>>) src(%dma_wait3A_26 : memref<100x128xi32, #tpu.memory_space<hbm>>) dst(%arg7 : memref<100x128xi32, #tpu.memory_space<vmem>>)
      tpu.yield
    }) : () -> ()
    %dma_start3A = arith.constant 0 : i32
    %dma_start3A_3 = arith.constant 0 : i32
    %dma_start3A_4 = tpu.memref_slice %arg6[%dma_start3A, %dma_start3A_3] : memref<100x128xi32, #tpu.memory_space<vmem>> -> memref<1x128xi32, #tpu.memory_space<vmem>>
    %dma_start3A_5 = tpu.memref_squeeze %dma_start3A_4 : memref<1x128xi32, #tpu.memory_space<vmem>> -> memref<128xi32, #tpu.memory_space<vmem>>
    %dma_start3A_6 = arith.constant 0 : i32
    %dma_start3A_7 = arith.constant 0 : i32
    %dma_start3A_8 = tpu.memref_slice %arg4[%dma_start3A_6, %dma_start3A_7] : memref<50176x32xf32, #tpu.memory_space<hbm>> -> memref<50176x32xf32, #tpu.memory_space<hbm>>
    tpu.enqueue_indirect_dma source(%dma_start3A_8 : memref<50176x32xf32, #tpu.memory_space<hbm>>) target(%arg8 : memref<128x32xf32, #tpu.memory_space<vmem>>) offsets(%dma_start3A_5 : memref<128xi32, #tpu.memory_space<vmem>>) semaphore(%arg12 : memref<!tpu.dma_semaphore, #tpu.memory_space<semaphore_mem>>)
    %dma_start3A_9 = arith.constant 0 : i32
    %dma_start3A_10 = arith.constant 0 : i32
    %dma_start3A_11 = tpu.memref_slice %arg7[%dma_start3A_9, %dma_start3A_10] : memref<100x128xi32, #tpu.memory_space<vmem>> -> memref<1x128xi32, #tpu.memory_space<vmem>>
    %dma_start3A_12 = tpu.memref_squeeze %dma_start3A_11 : memref<1x128xi32, #tpu.memory_space<vmem>> -> memref<128xi32, #tpu.memory_space<vmem>>
    %dma_start3A_13 = arith.constant 0 : i32
    %dma_start3A_14 = arith.constant 0 : i32
    %dma_start3A_15 = tpu.memref_slice %arg4[%dma_start3A_13, %dma_start3A_14] : memref<50176x32xf32, #tpu.memory_space<hbm>> -> memref<50176x32xf32, #tpu.memory_space<hbm>>
    tpu.enqueue_indirect_dma source(%dma_start3A_15 : memref<50176x32xf32, #tpu.memory_space<hbm>>) target(%arg9 : memref<128x32xf32, #tpu.memory_space<vmem>>) offsets(%dma_start3A_12 : memref<128xi32, #tpu.memory_space<vmem>>) semaphore(%arg12 : memref<!tpu.dma_semaphore, #tpu.memory_space<semaphore_mem>>)
    %scan3A = arith.constant 0 : i32
    %scan3A_16 = arith.constant 50 : i32
    %scan3A_17 = arith.addi %scan3A, %scan3A_16 : i32
    %scan3A_18 = arith.constant 1 : i32
    scf.for %scan3A_20 = %scan3A to %scan3A_17 step %scan3A_18  : i32 {
      %mul3A_21 = arith.constant 1 : i32
      %mul3A_22 = arith.muli %scan3A_20, %mul3A_21 : i32
      %add3A_23 = arith.constant 0 : i32
      %add3A_24 = arith.addi %add3A_23, %mul3A_22 : i32
      %mul3A_25 = arith.constant 2 : i32
      %mul3A_26 = arith.muli %mul3A_25, %add3A_24 : i32
      %mul3A_27 = arith.constant 2 : i32
      %mul3A_28 = arith.muli %mul3A_27, %add3A_24 : i32
      %add3A_29 = arith.constant 1 : i32
      %add3A_30 = arith.addi %mul3A_28, %add3A_29 : i32
      %dma_start3A_31 = arith.constant 0 : i32
      %dma_start3A_32 = tpu.memref_slice %arg6[%add3A_30, %dma_start3A_31] : memref<100x128xi32, #tpu.memory_space<vmem>> -> memref<1x128xi32, #tpu.memory_space<vmem>>
      %dma_start3A_33 = tpu.memref_squeeze %dma_start3A_32 : memref<1x128xi32, #tpu.memory_space<vmem>> -> memref<128xi32, #tpu.memory_space<vmem>>
      %dma_start3A_34 = arith.constant 0 : i32
      %dma_start3A_35 = arith.constant 0 : i32
      %dma_start3A_36 = tpu.memref_slice %arg4[%dma_start3A_34, %dma_start3A_35] : memref<50176x32xf32, #tpu.memory_space<hbm>> -> memref<50176x32xf32, #tpu.memory_space<hbm>>
      tpu.enqueue_indirect_dma source(%dma_start3A_36 : memref<50176x32xf32, #tpu.memory_space<hbm>>) target(%arg10 : memref<128x32xf32, #tpu.memory_space<vmem>>) offsets(%dma_start3A_33 : memref<128xi32, #tpu.memory_space<vmem>>) semaphore(%arg13 : memref<!tpu.dma_semaphore, #tpu.memory_space<semaphore_mem>>)
      %dma_start3A_37 = arith.constant 0 : i32
      %dma_start3A_38 = tpu.memref_slice %arg7[%add3A_30, %dma_start3A_37] : memref<100x128xi32, #tpu.memory_space<vmem>> -> memref<1x128xi32, #tpu.memory_space<vmem>>
      %dma_start3A_39 = tpu.memref_squeeze %dma_start3A_38 : memref<1x128xi32, #tpu.memory_space<vmem>> -> memref<128xi32, #tpu.memory_space<vmem>>
      %dma_start3A_40 = arith.constant 0 : i32
      %dma_start3A_41 = arith.constant 0 : i32
      %dma_start3A_42 = tpu.memref_slice %arg4[%dma_start3A_40, %dma_start3A_41] : memref<50176x32xf32, #tpu.memory_space<hbm>> -> memref<50176x32xf32, #tpu.memory_space<hbm>>
      tpu.enqueue_indirect_dma source(%dma_start3A_42 : memref<50176x32xf32, #tpu.memory_space<hbm>>) target(%arg11 : memref<128x32xf32, #tpu.memory_space<vmem>>) offsets(%dma_start3A_39 : memref<128xi32, #tpu.memory_space<vmem>>) semaphore(%arg13 : memref<!tpu.dma_semaphore, #tpu.memory_space<semaphore_mem>>)
      %dma_wait3A = arith.constant 0 : i32
      %dma_wait3A_43 = tpu.memref_slice %arg6[%mul3A_26, %dma_wait3A] : memref<100x128xi32, #tpu.memory_space<vmem>> -> memref<1x128xi32, #tpu.memory_space<vmem>>
      %dma_wait3A_44 = tpu.memref_squeeze %dma_wait3A_43 : memref<1x128xi32, #tpu.memory_space<vmem>> -> memref<128xi32, #tpu.memory_space<vmem>>
      %dma_wait3A_45 = arith.constant 0 : i32
      %dma_wait3A_46 = arith.constant 0 : i32
      %dma_wait3A_47 = tpu.memref_slice %arg4[%dma_wait3A_45, %dma_wait3A_46] : memref<50176x32xf32, #tpu.memory_space<hbm>> -> memref<50176x32xf32, #tpu.memory_space<hbm>>
      tpu.wait_indirect_dma semaphore(%arg12 : memref<!tpu.dma_semaphore, #tpu.memory_space<semaphore_mem>>) src(%dma_wait3A_47 : memref<50176x32xf32, #tpu.memory_space<hbm>>) dst(%arg8 : memref<128x32xf32, #tpu.memory_space<vmem>>)
      %dma_wait3A_48 = arith.constant 0 : i32
      %dma_wait3A_49 = tpu.memref_slice %arg7[%mul3A_26, %dma_wait3A_48] : memref<100x128xi32, #tpu.memory_space<vmem>> -> memref<1x128xi32, #tpu.memory_space<vmem>>
      %dma_wait3A_50 = tpu.memref_squeeze %dma_wait3A_49 : memref<1x128xi32, #tpu.memory_space<vmem>> -> memref<128xi32, #tpu.memory_space<vmem>>
      %dma_wait3A_51 = arith.constant 0 : i32
      %dma_wait3A_52 = arith.constant 0 : i32
      %dma_wait3A_53 = tpu.memref_slice %arg4[%dma_wait3A_51, %dma_wait3A_52] : memref<50176x32xf32, #tpu.memory_space<hbm>> -> memref<50176x32xf32, #tpu.memory_space<hbm>>
      tpu.wait_indirect_dma semaphore(%arg12 : memref<!tpu.dma_semaphore, #tpu.memory_space<semaphore_mem>>) src(%dma_wait3A_53 : memref<50176x32xf32, #tpu.memory_space<hbm>>) dst(%arg9 : memref<128x32xf32, #tpu.memory_space<vmem>>)
      %add3A_54 = arith.addi %mul3A_2, %mul3A_26 : i32
      %mul3A_55 = arith.constant 128 : i32
      %mul3A_56 = arith.muli %add3A_54, %mul3A_55 : i32
      %run_scoped3A = arith.constant 0 : i32
      "tpu.region"() ({
        %run_scoped3A_77 = tpu.sem_alloc : memref<!tpu.dma_semaphore, #tpu.memory_space<semaphore_mem>>
        %dma_start3A_78 = arith.constant 0 : i32
        %dma_start3A_79 = arith.constant 0 : i32
        %dma_start3A_80 = tpu.memref_slice %arg5[%run_scoped3A, %dma_start3A_78, %dma_start3A_79] : memref<2x409600x32xf32, #tpu.memory_space<hbm>> -> memref<1x409600x32xf32, #tpu.memory_space<hbm>>
        %dma_start3A_81 = tpu.memref_squeeze %dma_start3A_80 : memref<1x409600x32xf32, #tpu.memory_space<hbm>> -> memref<409600x32xf32, #tpu.memory_space<hbm>>
        %dma_start3A_82 = arith.constant 0 : i32
        %dma_start3A_83 = tpu.memref_slice %dma_start3A_81[%mul3A_56, %dma_start3A_82] : memref<409600x32xf32, #tpu.memory_space<hbm>> -> memref<128x32xf32, #tpu.memory_space<hbm>>
        %dma_start3A_84 = arith.constant 0 : i32
        %dma_start3A_85 = arith.constant 0 : i32
        %dma_start3A_86 = tpu.memref_slice %arg5[%run_scoped3A, %dma_start3A_84, %dma_start3A_85] : memref<2x409600x32xf32, #tpu.memory_space<hbm>> -> memref<1x409600x32xf32, #tpu.memory_space<hbm>>
        %dma_start3A_87 = tpu.memref_squeeze %dma_start3A_86 : memref<1x409600x32xf32, #tpu.memory_space<hbm>> -> memref<409600x32xf32, #tpu.memory_space<hbm>>
        %dma_start3A_88 = arith.constant 0 : i32
        %dma_start3A_89 = tpu.memref_slice %dma_start3A_87[%mul3A_56, %dma_start3A_88] : memref<409600x32xf32, #tpu.memory_space<hbm>> -> memref<128x32xf32, #tpu.memory_space<hbm>>
        tpu.enqueue_dma source(%arg8 : memref<128x32xf32, #tpu.memory_space<vmem>>) target(%dma_start3A_89 : memref<128x32xf32, #tpu.memory_space<hbm>>) target_semaphore(%run_scoped3A_77 : memref<!tpu.dma_semaphore, #tpu.memory_space<semaphore_mem>>)
        %dma_wait3A_90 = arith.constant 0 : i32
        %dma_wait3A_91 = arith.constant 0 : i32
        %dma_wait3A_92 = tpu.memref_slice %arg5[%run_scoped3A, %dma_wait3A_90, %dma_wait3A_91] : memref<2x409600x32xf32, #tpu.memory_space<hbm>> -> memref<1x409600x32xf32, #tpu.memory_space<hbm>>
        %dma_wait3A_93 = tpu.memref_squeeze %dma_wait3A_92 : memref<1x409600x32xf32, #tpu.memory_space<hbm>> -> memref<409600x32xf32, #tpu.memory_space<hbm>>
        %dma_wait3A_94 = arith.constant 0 : i32
        %dma_wait3A_95 = tpu.memref_slice %dma_wait3A_93[%mul3A_56, %dma_wait3A_94] : memref<409600x32xf32, #tpu.memory_space<hbm>> -> memref<128x32xf32, #tpu.memory_space<hbm>>
        %dma_wait3A_96 = arith.constant 0 : i32
        %dma_wait3A_97 = arith.constant 0 : i32
        %dma_wait3A_98 = tpu.memref_slice %arg5[%run_scoped3A, %dma_wait3A_96, %dma_wait3A_97] : memref<2x409600x32xf32, #tpu.memory_space<hbm>> -> memref<1x409600x32xf32, #tpu.memory_space<hbm>>
        %dma_wait3A_99 = tpu.memref_squeeze %dma_wait3A_98 : memref<1x409600x32xf32, #tpu.memory_space<hbm>> -> memref<409600x32xf32, #tpu.memory_space<hbm>>
        %dma_wait3A_100 = arith.constant 0 : i32
        %dma_wait3A_101 = tpu.memref_slice %dma_wait3A_99[%mul3A_56, %dma_wait3A_100] : memref<409600x32xf32, #tpu.memory_space<hbm>> -> memref<128x32xf32, #tpu.memory_space<hbm>>
        tpu.wait_dma2 semaphore(%run_scoped3A_77 : memref<!tpu.dma_semaphore, #tpu.memory_space<semaphore_mem>>) src(%arg8 : memref<128x32xf32, #tpu.memory_space<vmem>>) dst(%dma_wait3A_101 : memref<128x32xf32, #tpu.memory_space<hbm>>)
        tpu.yield
      }) : () -> ()
      %run_scoped3A_57 = arith.constant 1 : i32
      "tpu.region"() ({
        %run_scoped3A_77 = tpu.sem_alloc : memref<!tpu.dma_semaphore, #tpu.memory_space<semaphore_mem>>
        %dma_start3A_78 = arith.constant 0 : i32
        %dma_start3A_79 = arith.constant 0 : i32
        %dma_start3A_80 = tpu.memref_slice %arg5[%run_scoped3A_57, %dma_start3A_78, %dma_start3A_79] : memref<2x409600x32xf32, #tpu.memory_space<hbm>> -> memref<1x409600x32xf32, #tpu.memory_space<hbm>>
        %dma_start3A_81 = tpu.memref_squeeze %dma_start3A_80 : memref<1x409600x32xf32, #tpu.memory_space<hbm>> -> memref<409600x32xf32, #tpu.memory_space<hbm>>
        %dma_start3A_82 = arith.constant 0 : i32
        %dma_start3A_83 = tpu.memref_slice %dma_start3A_81[%mul3A_56, %dma_start3A_82] : memref<409600x32xf32, #tpu.memory_space<hbm>> -> memref<128x32xf32, #tpu.memory_space<hbm>>
        %dma_start3A_84 = arith.constant 0 : i32
        %dma_start3A_85 = arith.constant 0 : i32
        %dma_start3A_86 = tpu.memref_slice %arg5[%run_scoped3A_57, %dma_start3A_84, %dma_start3A_85] : memref<2x409600x32xf32, #tpu.memory_space<hbm>> -> memref<1x409600x32xf32, #tpu.memory_space<hbm>>
        %dma_start3A_87 = tpu.memref_squeeze %dma_start3A_86 : memref<1x409600x32xf32, #tpu.memory_space<hbm>> -> memref<409600x32xf32, #tpu.memory_space<hbm>>
        %dma_start3A_88 = arith.constant 0 : i32
        %dma_start3A_89 = tpu.memref_slice %dma_start3A_87[%mul3A_56, %dma_start3A_88] : memref<409600x32xf32, #tpu.memory_space<hbm>> -> memref<128x32xf32, #tpu.memory_space<hbm>>
        tpu.enqueue_dma source(%arg9 : memref<128x32xf32, #tpu.memory_space<vmem>>) target(%dma_start3A_89 : memref<128x32xf32, #tpu.memory_space<hbm>>) target_semaphore(%run_scoped3A_77 : memref<!tpu.dma_semaphore, #tpu.memory_space<semaphore_mem>>)
        %dma_wait3A_90 = arith.constant 0 : i32
        %dma_wait3A_91 = arith.constant 0 : i32
        %dma_wait3A_92 = tpu.memref_slice %arg5[%run_scoped3A_57, %dma_wait3A_90, %dma_wait3A_91] : memref<2x409600x32xf32, #tpu.memory_space<hbm>> -> memref<1x409600x32xf32, #tpu.memory_space<hbm>>
        %dma_wait3A_93 = tpu.memref_squeeze %dma_wait3A_92 : memref<1x409600x32xf32, #tpu.memory_space<hbm>> -> memref<409600x32xf32, #tpu.memory_space<hbm>>
        %dma_wait3A_94 = arith.constant 0 : i32
        %dma_wait3A_95 = tpu.memref_slice %dma_wait3A_93[%mul3A_56, %dma_wait3A_94] : memref<409600x32xf32, #tpu.memory_space<hbm>> -> memref<128x32xf32, #tpu.memory_space<hbm>>
        %dma_wait3A_96 = arith.constant 0 : i32
        %dma_wait3A_97 = arith.constant 0 : i32
        %dma_wait3A_98 = tpu.memref_slice %arg5[%run_scoped3A_57, %dma_wait3A_96, %dma_wait3A_97] : memref<2x409600x32xf32, #tpu.memory_space<hbm>> -> memref<1x409600x32xf32, #tpu.memory_space<hbm>>
        %dma_wait3A_99 = tpu.memref_squeeze %dma_wait3A_98 : memref<1x409600x32xf32, #tpu.memory_space<hbm>> -> memref<409600x32xf32, #tpu.memory_space<hbm>>
        %dma_wait3A_100 = arith.constant 0 : i32
        %dma_wait3A_101 = tpu.memref_slice %dma_wait3A_99[%mul3A_56, %dma_wait3A_100] : memref<409600x32xf32, #tpu.memory_space<hbm>> -> memref<128x32xf32, #tpu.memory_space<hbm>>
        tpu.wait_dma2 semaphore(%run_scoped3A_77 : memref<!tpu.dma_semaphore, #tpu.memory_space<semaphore_mem>>) src(%arg9 : memref<128x32xf32, #tpu.memory_space<vmem>>) dst(%dma_wait3A_101 : memref<128x32xf32, #tpu.memory_space<hbm>>)
        tpu.yield
      }) : () -> ()
      %lt3A = arith.constant 49 : i32
      %lt3A_58 = arith.cmpi slt, %add3A_24, %lt3A : i32
      %convert_element_type3A = arith.extui %lt3A_58 : i1 to i32
      %cond3A = arith.constant 0 : i32
      %cond3A_59 = arith.cmpi ne, %convert_element_type3A, %cond3A : i32
      scf.if %cond3A_59 {
        %add3A_77 = arith.constant 2 : i32
        %add3A_78 = arith.addi %mul3A_26, %add3A_77 : i32
        %dma_start3A_79 = arith.constant 0 : i32
        %dma_start3A_80 = tpu.memref_slice %arg6[%add3A_78, %dma_start3A_79] : memref<100x128xi32, #tpu.memory_space<vmem>> -> memref<1x128xi32, #tpu.memory_space<vmem>>
        %dma_start3A_81 = tpu.memref_squeeze %dma_start3A_80 : memref<1x128xi32, #tpu.memory_space<vmem>> -> memref<128xi32, #tpu.memory_space<vmem>>
        %dma_start3A_82 = arith.constant 0 : i32
        %dma_start3A_83 = arith.constant 0 : i32
        %dma_start3A_84 = tpu.memref_slice %arg4[%dma_start3A_82, %dma_start3A_83] : memref<50176x32xf32, #tpu.memory_space<hbm>> -> memref<50176x32xf32, #tpu.memory_space<hbm>>
        tpu.enqueue_indirect_dma source(%dma_start3A_84 : memref<50176x32xf32, #tpu.memory_space<hbm>>) target(%arg8 : memref<128x32xf32, #tpu.memory_space<vmem>>) offsets(%dma_start3A_81 : memref<128xi32, #tpu.memory_space<vmem>>) semaphore(%arg12 : memref<!tpu.dma_semaphore, #tpu.memory_space<semaphore_mem>>)
        %add3A_85 = arith.constant 2 : i32
        %add3A_86 = arith.addi %mul3A_26, %add3A_85 : i32
        %dma_start3A_87 = arith.constant 0 : i32
        %dma_start3A_88 = tpu.memref_slice %arg7[%add3A_86, %dma_start3A_87] : memref<100x128xi32, #tpu.memory_space<vmem>> -> memref<1x128xi32, #tpu.memory_space<vmem>>
        %dma_start3A_89 = tpu.memref_squeeze %dma_start3A_88 : memref<1x128xi32, #tpu.memory_space<vmem>> -> memref<128xi32, #tpu.memory_space<vmem>>
        %dma_start3A_90 = arith.constant 0 : i32
        %dma_start3A_91 = arith.constant 0 : i32
        %dma_start3A_92 = tpu.memref_slice %arg4[%dma_start3A_90, %dma_start3A_91] : memref<50176x32xf32, #tpu.memory_space<hbm>> -> memref<50176x32xf32, #tpu.memory_space<hbm>>
        tpu.enqueue_indirect_dma source(%dma_start3A_92 : memref<50176x32xf32, #tpu.memory_space<hbm>>) target(%arg9 : memref<128x32xf32, #tpu.memory_space<vmem>>) offsets(%dma_start3A_89 : memref<128xi32, #tpu.memory_space<vmem>>) semaphore(%arg12 : memref<!tpu.dma_semaphore, #tpu.memory_space<semaphore_mem>>)
      } else {
      }
      %dma_wait3A_60 = arith.constant 0 : i32
      %dma_wait3A_61 = tpu.memref_slice %arg6[%add3A_30, %dma_wait3A_60] : memref<100x128xi32, #tpu.memory_space<vmem>> -> memref<1x128xi32, #tpu.memory_space<vmem>>
      %dma_wait3A_62 = tpu.memref_squeeze %dma_wait3A_61 : memref<1x128xi32, #tpu.memory_space<vmem>> -> memref<128xi32, #tpu.memory_space<vmem>>
      %dma_wait3A_63 = arith.constant 0 : i32
      %dma_wait3A_64 = arith.constant 0 : i32
      %dma_wait3A_65 = tpu.memref_slice %arg4[%dma_wait3A_63, %dma_wait3A_64] : memref<50176x32xf32, #tpu.memory_space<hbm>> -> memref<50176x32xf32, #tpu.memory_space<hbm>>
      tpu.wait_indirect_dma semaphore(%arg13 : memref<!tpu.dma_semaphore, #tpu.memory_space<semaphore_mem>>) src(%dma_wait3A_65 : memref<50176x32xf32, #tpu.memory_space<hbm>>) dst(%arg10 : memref<128x32xf32, #tpu.memory_space<vmem>>)
      %dma_wait3A_66 = arith.constant 0 : i32
      %dma_wait3A_67 = tpu.memref_slice %arg7[%add3A_30, %dma_wait3A_66] : memref<100x128xi32, #tpu.memory_space<vmem>> -> memref<1x128xi32, #tpu.memory_space<vmem>>
      %dma_wait3A_68 = tpu.memref_squeeze %dma_wait3A_67 : memref<1x128xi32, #tpu.memory_space<vmem>> -> memref<128xi32, #tpu.memory_space<vmem>>
      %dma_wait3A_69 = arith.constant 0 : i32
      %dma_wait3A_70 = arith.constant 0 : i32
      %dma_wait3A_71 = tpu.memref_slice %arg4[%dma_wait3A_69, %dma_wait3A_70] : memref<50176x32xf32, #tpu.memory_space<hbm>> -> memref<50176x32xf32, #tpu.memory_space<hbm>>
      tpu.wait_indirect_dma semaphore(%arg13 : memref<!tpu.dma_semaphore, #tpu.memory_space<semaphore_mem>>) src(%dma_wait3A_71 : memref<50176x32xf32, #tpu.memory_space<hbm>>) dst(%arg11 : memref<128x32xf32, #tpu.memory_space<vmem>>)
      %add3A_72 = arith.addi %mul3A_2, %add3A_30 : i32
      %mul3A_73 = arith.constant 128 : i32
      %mul3A_74 = arith.muli %add3A_72, %mul3A_73 : i32
      %run_scoped3A_75 = arith.constant 0 : i32
      "tpu.region"() ({
        %run_scoped3A_77 = tpu.sem_alloc : memref<!tpu.dma_semaphore, #tpu.memory_space<semaphore_mem>>
        %dma_start3A_78 = arith.constant 0 : i32
        %dma_start3A_79 = arith.constant 0 : i32
        %dma_start3A_80 = tpu.memref_slice %arg5[%run_scoped3A_75, %dma_start3A_78, %dma_start3A_79] : memref<2x409600x32xf32, #tpu.memory_space<hbm>> -> memref<1x409600x32xf32, #tpu.memory_space<hbm>>
        %dma_start3A_81 = tpu.memref_squeeze %dma_start3A_80 : memref<1x409600x32xf32, #tpu.memory_space<hbm>> -> memref<409600x32xf32, #tpu.memory_space<hbm>>
        %dma_start3A_82 = arith.constant 0 : i32
        %dma_start3A_83 = tpu.memref_slice %dma_start3A_81[%mul3A_74, %dma_start3A_82] : memref<409600x32xf32, #tpu.memory_space<hbm>> -> memref<128x32xf32, #tpu.memory_space<hbm>>
        %dma_start3A_84 = arith.constant 0 : i32
        %dma_start3A_85 = arith.constant 0 : i32
        %dma_start3A_86 = tpu.memref_slice %arg5[%run_scoped3A_75, %dma_start3A_84, %dma_start3A_85] : memref<2x409600x32xf32, #tpu.memory_space<hbm>> -> memref<1x409600x32xf32, #tpu.memory_space<hbm>>
        %dma_start3A_87 = tpu.memref_squeeze %dma_start3A_86 : memref<1x409600x32xf32, #tpu.memory_space<hbm>> -> memref<409600x32xf32, #tpu.memory_space<hbm>>
        %dma_start3A_88 = arith.constant 0 : i32
        %dma_start3A_89 = tpu.memref_slice %dma_start3A_87[%mul3A_74, %dma_start3A_88] : memref<409600x32xf32, #tpu.memory_space<hbm>> -> memref<128x32xf32, #tpu.memory_space<hbm>>
        tpu.enqueue_dma source(%arg10 : memref<128x32xf32, #tpu.memory_space<vmem>>) target(%dma_start3A_89 : memref<128x32xf32, #tpu.memory_space<hbm>>) target_semaphore(%run_scoped3A_77 : memref<!tpu.dma_semaphore, #tpu.memory_space<semaphore_mem>>)
        %dma_wait3A_90 = arith.constant 0 : i32
        %dma_wait3A_91 = arith.constant 0 : i32
        %dma_wait3A_92 = tpu.memref_slice %arg5[%run_scoped3A_75, %dma_wait3A_90, %dma_wait3A_91] : memref<2x409600x32xf32, #tpu.memory_space<hbm>> -> memref<1x409600x32xf32, #tpu.memory_space<hbm>>
        %dma_wait3A_93 = tpu.memref_squeeze %dma_wait3A_92 : memref<1x409600x32xf32, #tpu.memory_space<hbm>> -> memref<409600x32xf32, #tpu.memory_space<hbm>>
        %dma_wait3A_94 = arith.constant 0 : i32
        %dma_wait3A_95 = tpu.memref_slice %dma_wait3A_93[%mul3A_74, %dma_wait3A_94] : memref<409600x32xf32, #tpu.memory_space<hbm>> -> memref<128x32xf32, #tpu.memory_space<hbm>>
        %dma_wait3A_96 = arith.constant 0 : i32
        %dma_wait3A_97 = arith.constant 0 : i32
        %dma_wait3A_98 = tpu.memref_slice %arg5[%run_scoped3A_75, %dma_wait3A_96, %dma_wait3A_97] : memref<2x409600x32xf32, #tpu.memory_space<hbm>> -> memref<1x409600x32xf32, #tpu.memory_space<hbm>>
        %dma_wait3A_99 = tpu.memref_squeeze %dma_wait3A_98 : memref<1x409600x32xf32, #tpu.memory_space<hbm>> -> memref<409600x32xf32, #tpu.memory_space<hbm>>
        %dma_wait3A_100 = arith.constant 0 : i32
        %dma_wait3A_101 = tpu.memref_slice %dma_wait3A_99[%mul3A_74, %dma_wait3A_100] : memref<409600x32xf32, #tpu.memory_space<hbm>> -> memref<128x32xf32, #tpu.memory_space<hbm>>
        tpu.wait_dma2 semaphore(%run_scoped3A_77 : memref<!tpu.dma_semaphore, #tpu.memory_space<semaphore_mem>>) src(%arg10 : memref<128x32xf32, #tpu.memory_space<vmem>>) dst(%dma_wait3A_101 : memref<128x32xf32, #tpu.memory_space<hbm>>)
        tpu.yield
      }) : () -> ()
      %run_scoped3A_76 = arith.constant 1 : i32
      "tpu.region"() ({
        %run_scoped3A_77 = tpu.sem_alloc : memref<!tpu.dma_semaphore, #tpu.memory_space<semaphore_mem>>
        %dma_start3A_78 = arith.constant 0 : i32
        %dma_start3A_79 = arith.constant 0 : i32
        %dma_start3A_80 = tpu.memref_slice %arg5[%run_scoped3A_76, %dma_start3A_78, %dma_start3A_79] : memref<2x409600x32xf32, #tpu.memory_space<hbm>> -> memref<1x409600x32xf32, #tpu.memory_space<hbm>>
        %dma_start3A_81 = tpu.memref_squeeze %dma_start3A_80 : memref<1x409600x32xf32, #tpu.memory_space<hbm>> -> memref<409600x32xf32, #tpu.memory_space<hbm>>
        %dma_start3A_82 = arith.constant 0 : i32
        %dma_start3A_83 = tpu.memref_slice %dma_start3A_81[%mul3A_74, %dma_start3A_82] : memref<409600x32xf32, #tpu.memory_space<hbm>> -> memref<128x32xf32, #tpu.memory_space<hbm>>
        %dma_start3A_84 = arith.constant 0 : i32
        %dma_start3A_85 = arith.constant 0 : i32
        %dma_start3A_86 = tpu.memref_slice %arg5[%run_scoped3A_76, %dma_start3A_84, %dma_start3A_85] : memref<2x409600x32xf32, #tpu.memory_space<hbm>> -> memref<1x409600x32xf32, #tpu.memory_space<hbm>>
        %dma_start3A_87 = tpu.memref_squeeze %dma_start3A_86 : memref<1x409600x32xf32, #tpu.memory_space<hbm>> -> memref<409600x32xf32, #tpu.memory_space<hbm>>
        %dma_start3A_88 = arith.constant 0 : i32
        %dma_start3A_89 = tpu.memref_slice %dma_start3A_87[%mul3A_74, %dma_start3A_88] : memref<409600x32xf32, #tpu.memory_space<hbm>> -> memref<128x32xf32, #tpu.memory_space<hbm>>
        tpu.enqueue_dma source(%arg11 : memref<128x32xf32, #tpu.memory_space<vmem>>) target(%dma_start3A_89 : memref<128x32xf32, #tpu.memory_space<hbm>>) target_semaphore(%run_scoped3A_77 : memref<!tpu.dma_semaphore, #tpu.memory_space<semaphore_mem>>)
        %dma_wait3A_90 = arith.constant 0 : i32
        %dma_wait3A_91 = arith.constant 0 : i32
        %dma_wait3A_92 = tpu.memref_slice %arg5[%run_scoped3A_76, %dma_wait3A_90, %dma_wait3A_91] : memref<2x409600x32xf32, #tpu.memory_space<hbm>> -> memref<1x409600x32xf32, #tpu.memory_space<hbm>>
        %dma_wait3A_93 = tpu.memref_squeeze %dma_wait3A_92 : memref<1x409600x32xf32, #tpu.memory_space<hbm>> -> memref<409600x32xf32, #tpu.memory_space<hbm>>
        %dma_wait3A_94 = arith.constant 0 : i32
        %dma_wait3A_95 = tpu.memref_slice %dma_wait3A_93[%mul3A_74, %dma_wait3A_94] : memref<409600x32xf32, #tpu.memory_space<hbm>> -> memref<128x32xf32, #tpu.memory_space<hbm>>
        %dma_wait3A_96 = arith.constant 0 : i32
        %dma_wait3A_97 = arith.constant 0 : i32
        %dma_wait3A_98 = tpu.memref_slice %arg5[%run_scoped3A_76, %dma_wait3A_96, %dma_wait3A_97] : memref<2x409600x32xf32, #tpu.memory_space<hbm>> -> memref<1x409600x32xf32, #tpu.memory_space<hbm>>
        %dma_wait3A_99 = tpu.memref_squeeze %dma_wait3A_98 : memref<1x409600x32xf32, #tpu.memory_space<hbm>> -> memref<409600x32xf32, #tpu.memory_space<hbm>>
        %dma_wait3A_100 = arith.constant 0 : i32
        %dma_wait3A_101 = tpu.memref_slice %dma_wait3A_99[%mul3A_74, %dma_wait3A_100] : memref<409600x32xf32, #tpu.memory_space<hbm>> -> memref<128x32xf32, #tpu.memory_space<hbm>>
        tpu.wait_dma2 semaphore(%run_scoped3A_77 : memref<!tpu.dma_semaphore, #tpu.memory_space<semaphore_mem>>) src(%arg11 : memref<128x32xf32, #tpu.memory_space<vmem>>) dst(%dma_wait3A_101 : memref<128x32xf32, #tpu.memory_space<hbm>>)
        tpu.yield
      }) : () -> ()
    }
    %scan3A_19 = arith.constant 50 : i32
    return
  }
}

module attributes {stable_mosaic.version = 14 : i64} {
  func.func @_we_body(%arg0: i32, %arg1: memref<2000x20xf32, #tpu.memory_space<vmem>>, %arg2: memref<1x1x2000xi32, #tpu.memory_space<vmem>>, %arg3: memref<32x8xf32, #tpu.memory_space<vmem>>, %arg4: memref<1x1x2000xf32, #tpu.memory_space<vmem>>) attributes {dimension_semantics = [#tpu.dimension_semantics<arbitrary>], iteration_bounds = array<i64: 800>, scalar_prefetch = 0 : i64, scratch_operands = 0 : i64, tpu.core_type = #tpu.core_type<tc>, window_params = [{transform_indices = @transform_0, window_bounds = array<i64: 2000, 20>}, {transform_indices = @transform_1, window_bounds = array<i64: 1, 1, 2000>}, {pipeline_mode = #tpu.pipeline_mode<synchronous>, transform_indices = @transform_2, window_bounds = array<i64: 32, 8>}, {transform_indices = @transform_3, window_bounds = array<i64: 1, 1, 2000>}]} {
    %get3A = arith.constant 0 : index
    %get3A_0 = arith.constant 0 : index
    %get3A_1 = vector.load %arg1[%get3A, %get3A_0] : memref<2000x20xf32, #tpu.memory_space<vmem>>, vector<2000x20xf32>
    %get3A_2 = arith.constant 0 : index
    %get3A_3 = arith.constant 0 : index
    %get3A_4 = arith.constant 0 : index
    %get3A_5 = vector.load %arg2[%get3A_2, %get3A_3, %get3A_4] : memref<1x1x2000xi32, #tpu.memory_space<vmem>>, vector<1x1x2000xi32>
    %get3A_6 = vector.shape_cast %get3A_5 : vector<1x1x2000xi32> to vector<1x2000xi32>
    %transpose3A = tpu.transpose %get3A_1, [1, 0] : vector<2000x20xf32> -> vector<20x2000xf32>
    %iota3A = tpu.iota {dimensions = array<i32: 0>} : vector<8x1xi32>
    %eq3A = vector.broadcast %get3A_6 : vector<1x2000xi32> to vector<8x2000xi32>
    %eq3A_7 = vector.broadcast %iota3A : vector<8x1xi32> to vector<8x2000xi32>
    %eq3A_8 = arith.cmpi eq, %eq3A, %eq3A_7 : vector<8x2000xi32>
    %convert_element_type3A = arith.extui %eq3A_8 : vector<8x2000xi1> to vector<8x2000xi32>
    %convert_element_type3A_9 = arith.sitofp %convert_element_type3A : vector<8x2000xi32> to vector<8x2000xf32>
    %get3A_10 = arith.constant 0 : index
    %get3A_11 = arith.constant 0 : index
    %get3A_12 = vector.load %arg3[%get3A_10, %get3A_11] : memref<32x8xf32, #tpu.memory_space<vmem>>, vector<32x8xf32>
    %dot_general3A = arith.constant dense<0.000000e+00> : vector<32x2000xf32>
    %dot_general3A_13 = tpu.matmul %get3A_12, %convert_element_type3A_9, %dot_general3A {dimension_numbers = #tpu.dot_dimension_numbers<[1], [0], [0], [1], [0, 0, 1, 1], [], []>, precision = #tpu.contract_precision<fp32>, transpose_lhs_hint = false} : vector<32x8xf32>, vector<8x2000xf32>, vector<32x2000xf32> -> vector<32x2000xf32>
    %slice3A = vector.extract_strided_slice %dot_general3A_13 {offsets = [0, 0], sizes = [20, 2000], strides = [1, 1]} : vector<32x2000xf32> to vector<20x2000xf32>
    %mul3A = arith.mulf %transpose3A, %slice3A : vector<20x2000xf32>
    %broadcast_in_dim3A = arith.constant 1.000000e+00 : f32
    %broadcast_in_dim3A_14 = vector.broadcast %broadcast_in_dim3A : f32 to vector<1x20xf32>
    %dot_general3A_15 = arith.constant dense<0.000000e+00> : vector<1x2000xf32>
    %dot_general3A_16 = tpu.matmul %broadcast_in_dim3A_14, %mul3A, %dot_general3A_15 {dimension_numbers = #tpu.dot_dimension_numbers<[1], [0], [0], [1], [0, 0, 1, 1], [], []>, precision = #tpu.contract_precision<fp32>, transpose_lhs_hint = false} : vector<1x20xf32>, vector<20x2000xf32>, vector<1x2000xf32> -> vector<1x2000xf32>
    %slice3A_17 = vector.extract_strided_slice %dot_general3A_13 {offsets = [31, 0], sizes = [1, 2000], strides = [1, 1]} : vector<32x2000xf32> to vector<1x2000xf32>
    %add3A = arith.addf %dot_general3A_16, %slice3A_17 : vector<1x2000xf32>
    %swap3A = arith.constant 0 : index
    %swap3A_18 = arith.constant 0 : index
    %swap3A_19 = arith.constant 0 : index
    %swap3A_20 = vector.load %arg4[%swap3A, %swap3A_18, %swap3A_19] : memref<1x1x2000xf32, #tpu.memory_space<vmem>>, vector<1x1x2000xf32>
    %swap3A_21 = vector.shape_cast %swap3A_20 : vector<1x1x2000xf32> to vector<1x2000xf32>
    %swap3A_22 = vector.shape_cast %add3A : vector<1x2000xf32> to vector<1x1x2000xf32>
    tpu.vector_store %arg4[%swap3A, %swap3A_18, %swap3A_19], %swap3A_22 {strides = array<i32>} : memref<1x1x2000xf32, #tpu.memory_space<vmem>>, vector<1x1x2000xf32>,
    return
  }
  func.func @transform_0(%arg0: i32) -> (i32, i32) {
    %c0_i32 = arith.constant 0 : i32
    %c0_i32_0 = arith.constant 0 : i32
    return %arg0, %c0_i32 : i32, i32
  }
  func.func @transform_1(%arg0: i32) -> (i32, i32, i32) {
    %c0_i32 = arith.constant 0 : i32
    %c0_i32_0 = arith.constant 0 : i32
    %c0_i32_1 = arith.constant 0 : i32
    return %arg0, %c0_i32, %c0_i32_0 : i32, i32, i32
  }
  func.func @transform_2(%arg0: i32) -> (i32, i32) {
    %c0_i32 = arith.constant 0 : i32
    %c0_i32_0 = arith.constant 0 : i32
    %c0_i32_1 = arith.constant 0 : i32
    return %c0_i32, %c0_i32_0 : i32, i32
  }
  func.func @transform_3(%arg0: i32) -> (i32, i32, i32) {
    %c0_i32 = arith.constant 0 : i32
    %c0_i32_0 = arith.constant 0 : i32
    %c0_i32_1 = arith.constant 0 : i32
    return %arg0, %c0_i32, %c0_i32_0 : i32, i32, i32
  }
}

module attributes {stable_mosaic.version = 14 : i64} {
  func.func @_node_body(%arg0: i32, %arg1: memref<1000x20xf32, #tpu.memory_space<vmem>>, %arg2: memref<1000x1xi32, #tpu.memory_space<vmem>>, %arg3: memref<96x32xf32, #tpu.memory_space<vmem>>, %arg4: memref<8x32xf32, #tpu.memory_space<vmem>>, %arg5: memref<32x8xf32, #tpu.memory_space<vmem>>, %arg6: memref<1000x32xf32, #tpu.memory_space<vmem>>, %arg7: memref<1000x1xf32, #tpu.memory_space<vmem>>, %arg8: memref<1000x1xf32, #tpu.memory_space<vmem>>) attributes {dimension_semantics = [#tpu.dimension_semantics<arbitrary>], iteration_bounds = array<i64: 50>, scalar_prefetch = 0 : i64, scratch_operands = 0 : i64, tpu.core_type = #tpu.core_type<tc>, window_params = [{transform_indices = @transform_0, window_bounds = array<i64: 1000, 20>}, {transform_indices = @transform_1, window_bounds = array<i64: 1000, 1>}, {pipeline_mode = #tpu.pipeline_mode<synchronous>, transform_indices = @transform_2, window_bounds = array<i64: 96, 32>}, {pipeline_mode = #tpu.pipeline_mode<synchronous>, transform_indices = @transform_3, window_bounds = array<i64: 8, 32>}, {pipeline_mode = #tpu.pipeline_mode<synchronous>, transform_indices = @transform_4, window_bounds = array<i64: 32, 8>}, {transform_indices = @transform_5, window_bounds = array<i64: 1000, 32>}, {transform_indices = @transform_6, window_bounds = array<i64: 1000, 1>}, {transform_indices = @transform_7, window_bounds = array<i64: 1000, 1>}]} {
    %get3A = arith.constant 0 : index
    %get3A_0 = arith.constant 0 : index
    %get3A_1 = vector.load %arg1[%get3A, %get3A_0] : memref<1000x20xf32, #tpu.memory_space<vmem>>, vector<1000x20xf32>
    %get3A_2 = arith.constant 0 : index
    %get3A_3 = arith.constant 0 : index
    %get3A_4 = vector.load %arg2[%get3A_2, %get3A_3] : memref<1000x1xi32, #tpu.memory_space<vmem>>, vector<1000x1xi32>
    %broadcast_in_dim3A = arith.constant 0.000000e+00 : f32
    %broadcast_in_dim3A_5 = vector.broadcast %broadcast_in_dim3A : f32 to vector<1000x32xf32>
    %get3A_6 = arith.constant 0 : index
    %get3A_7 = arith.constant 0 : index
    %get3A_8 = vector.load %arg3[%get3A_6, %get3A_7] : memref<96x32xf32, #tpu.memory_space<vmem>>, vector<20x32xf32>
    %eq3A = arith.constant 0 : i32
    %eq3A_9 = vector.broadcast %eq3A : i32 to vector<1000x1xi32>
    %eq3A_10 = arith.cmpi eq, %get3A_4, %eq3A_9 : vector<1000x1xi32>
    %convert_element_type3A = arith.extui %eq3A_10 : vector<1000x1xi1> to vector<1000x1xi32>
    %convert_element_type3A_11 = arith.sitofp %convert_element_type3A : vector<1000x1xi32> to vector<1000x1xf32>
    %dot_general3A = arith.constant dense<0.000000e+00> : vector<1000x32xf32>
    %dot_general3A_12 = tpu.matmul %get3A_1, %get3A_8, %dot_general3A {dimension_numbers = #tpu.dot_dimension_numbers<[1], [0], [0], [1], [0, 0, 1, 1], [], []>, precision = #tpu.contract_precision<fp32>, transpose_lhs_hint = false} : vector<1000x20xf32>, vector<20x32xf32>, vector<1000x32xf32> -> vector<1000x32xf32>
    %get3A_13 = arith.constant 0 : index
    %get3A_14 = arith.constant 0 : index
    %get3A_15 = vector.load %arg4[%get3A_13, %get3A_14] : memref<8x32xf32, #tpu.memory_space<vmem>>, vector<1x32xf32>
    %add3A = vector.broadcast %get3A_15 : vector<1x32xf32> to vector<1000x32xf32>
    %add3A_16 = arith.addf %dot_general3A_12, %add3A : vector<1000x32xf32>
    %mul3A = vector.broadcast %convert_element_type3A_11 : vector<1000x1xf32> to vector<1000x32xf32>
    %mul3A_17 = arith.mulf %mul3A, %add3A_16 : vector<1000x32xf32>
    %add3A_18 = arith.addf %broadcast_in_dim3A_5, %mul3A_17 : vector<1000x32xf32>
    %get3A_19 = arith.constant 32 : index
    %get3A_20 = arith.constant 0 : index
    %get3A_21 = vector.load %arg3[%get3A_19, %get3A_20] : memref<96x32xf32, #tpu.memory_space<vmem>>, vector<20x32xf32>
    %eq3A_22 = arith.constant 1 : i32
    %eq3A_23 = vector.broadcast %eq3A_22 : i32 to vector<1000x1xi32>
    %eq3A_24 = arith.cmpi eq, %get3A_4, %eq3A_23 : vector<1000x1xi32>
    %convert_element_type3A_25 = arith.extui %eq3A_24 : vector<1000x1xi1> to vector<1000x1xi32>
    %convert_element_type3A_26 = arith.sitofp %convert_element_type3A_25 : vector<1000x1xi32> to vector<1000x1xf32>
    %dot_general3A_27 = arith.constant dense<0.000000e+00> : vector<1000x32xf32>
    %dot_general3A_28 = tpu.matmul %get3A_1, %get3A_21, %dot_general3A_27 {dimension_numbers = #tpu.dot_dimension_numbers<[1], [0], [0], [1], [0, 0, 1, 1], [], []>, precision = #tpu.contract_precision<fp32>, transpose_lhs_hint = false} : vector<1000x20xf32>, vector<20x32xf32>, vector<1000x32xf32> -> vector<1000x32xf32>
    %get3A_29 = arith.constant 1 : index
    %get3A_30 = arith.constant 0 : index
    %get3A_31 = vector.load %arg4[%get3A_29, %get3A_30] : memref<8x32xf32, #tpu.memory_space<vmem>>, vector<1x32xf32>
    %add3A_32 = vector.broadcast %get3A_31 : vector<1x32xf32> to vector<1000x32xf32>
    %add3A_33 = arith.addf %dot_general3A_28, %add3A_32 : vector<1000x32xf32>
    %mul3A_34 = vector.broadcast %convert_element_type3A_26 : vector<1000x1xf32> to vector<1000x32xf32>
    %mul3A_35 = arith.mulf %mul3A_34, %add3A_33 : vector<1000x32xf32>
    %add3A_36 = arith.addf %add3A_18, %mul3A_35 : vector<1000x32xf32>
    %get3A_37 = arith.constant 64 : index
    %get3A_38 = arith.constant 0 : index
    %get3A_39 = vector.load %arg3[%get3A_37, %get3A_38] : memref<96x32xf32, #tpu.memory_space<vmem>>, vector<20x32xf32>
    %eq3A_40 = arith.constant 2 : i32
    %eq3A_41 = vector.broadcast %eq3A_40 : i32 to vector<1000x1xi32>
    %eq3A_42 = arith.cmpi eq, %get3A_4, %eq3A_41 : vector<1000x1xi32>
    %convert_element_type3A_43 = arith.extui %eq3A_42 : vector<1000x1xi1> to vector<1000x1xi32>
    %convert_element_type3A_44 = arith.sitofp %convert_element_type3A_43 : vector<1000x1xi32> to vector<1000x1xf32>
    %dot_general3A_45 = arith.constant dense<0.000000e+00> : vector<1000x32xf32>
    %dot_general3A_46 = tpu.matmul %get3A_1, %get3A_39, %dot_general3A_45 {dimension_numbers = #tpu.dot_dimension_numbers<[1], [0], [0], [1], [0, 0, 1, 1], [], []>, precision = #tpu.contract_precision<fp32>, transpose_lhs_hint = false} : vector<1000x20xf32>, vector<20x32xf32>, vector<1000x32xf32> -> vector<1000x32xf32>
    %get3A_47 = arith.constant 2 : index
    %get3A_48 = arith.constant 0 : index
    %get3A_49 = vector.load %arg4[%get3A_47, %get3A_48] : memref<8x32xf32, #tpu.memory_space<vmem>>, vector<1x32xf32>
    %add3A_50 = vector.broadcast %get3A_49 : vector<1x32xf32> to vector<1000x32xf32>
    %add3A_51 = arith.addf %dot_general3A_46, %add3A_50 : vector<1000x32xf32>
    %mul3A_52 = vector.broadcast %convert_element_type3A_44 : vector<1000x1xf32> to vector<1000x32xf32>
    %mul3A_53 = arith.mulf %mul3A_52, %add3A_51 : vector<1000x32xf32>
    %add3A_54 = arith.addf %add3A_36, %mul3A_53 : vector<1000x32xf32>
    %get3A_55 = arith.constant 0 : index
    %get3A_56 = arith.constant 0 : index
    %get3A_57 = vector.load %arg5[%get3A_55, %get3A_56] : memref<32x8xf32, #tpu.memory_space<vmem>>, vector<32x8xf32>
    %dot_general3A_58 = arith.constant dense<0.000000e+00> : vector<1000x8xf32>
    %dot_general3A_59 = tpu.matmul %add3A_54, %get3A_57, %dot_general3A_58 {dimension_numbers = #tpu.dot_dimension_numbers<[1], [0], [0], [1], [0, 0, 1, 1], [], []>, precision = #tpu.contract_precision<fp32>, transpose_lhs_hint = false} : vector<1000x32xf32>, vector<32x8xf32>, vector<1000x8xf32> -> vector<1000x8xf32>
    %iota3A = tpu.iota {dimensions = array<i32: 1>} : vector<1x32xi32>
    %eq3A_60 = arith.constant 20 : i32
    %eq3A_61 = vector.broadcast %eq3A_60 : i32 to vector<1x32xi32>
    %eq3A_62 = arith.cmpi eq, %iota3A, %eq3A_61 : vector<1x32xi32>
    %convert_element_type3A_63 = arith.extui %eq3A_62 : vector<1x32xi1> to vector<1x32xi32>
    %convert_element_type3A_64 = arith.sitofp %convert_element_type3A_63 : vector<1x32xi32> to vector<1x32xf32>
    %add3A_65 = vector.broadcast %convert_element_type3A_64 : vector<1x32xf32> to vector<1000x32xf32>
    %add3A_66 = arith.addf %add3A_54, %add3A_65 : vector<1000x32xf32>
    %swap3A = arith.constant 0 : index
    %swap3A_67 = arith.constant 0 : index
    %swap3A_68 = vector.load %arg6[%swap3A, %swap3A_67] : memref<1000x32xf32, #tpu.memory_space<vmem>>, vector<1000x32xf32>
    tpu.vector_store %arg6[%swap3A, %swap3A_67], %add3A_66 {strides = array<i32>} : memref<1000x32xf32, #tpu.memory_space<vmem>>, vector<1000x32xf32>,
    %slice3A = vector.extract_strided_slice %dot_general3A_59 {offsets = [0, 0], sizes = [1000, 1], strides = [1, 1]} : vector<1000x8xf32> to vector<1000x1xf32>
    %swap3A_69 = arith.constant 0 : index
    %swap3A_70 = arith.constant 0 : index
    %swap3A_71 = vector.load %arg7[%swap3A_69, %swap3A_70] : memref<1000x1xf32, #tpu.memory_space<vmem>>, vector<1000x1xf32>
    tpu.vector_store %arg7[%swap3A_69, %swap3A_70], %slice3A {strides = array<i32>} : memref<1000x1xf32, #tpu.memory_space<vmem>>, vector<1000x1xf32>,
    %slice3A_72 = vector.extract_strided_slice %dot_general3A_59 {offsets = [0, 1], sizes = [1000, 1], strides = [1, 1]} : vector<1000x8xf32> to vector<1000x1xf32>
    %swap3A_73 = arith.constant 0 : index
    %swap3A_74 = arith.constant 0 : index
    %swap3A_75 = vector.load %arg8[%swap3A_73, %swap3A_74] : memref<1000x1xf32, #tpu.memory_space<vmem>>, vector<1000x1xf32>
    tpu.vector_store %arg8[%swap3A_73, %swap3A_74], %slice3A_72 {strides = array<i32>} : memref<1000x1xf32, #tpu.memory_space<vmem>>, vector<1000x1xf32>,
    return
  }
  func.func @transform_0(%arg0: i32) -> (i32, i32) {
    %c0_i32 = arith.constant 0 : i32
    %c0_i32_0 = arith.constant 0 : i32
    return %arg0, %c0_i32 : i32, i32
  }
  func.func @transform_1(%arg0: i32) -> (i32, i32) {
    %c0_i32 = arith.constant 0 : i32
    %c0_i32_0 = arith.constant 0 : i32
    return %arg0, %c0_i32 : i32, i32
  }
  func.func @transform_2(%arg0: i32) -> (i32, i32) {
    %c0_i32 = arith.constant 0 : i32
    %c0_i32_0 = arith.constant 0 : i32
    %c0_i32_1 = arith.constant 0 : i32
    return %c0_i32, %c0_i32_0 : i32, i32
  }
  func.func @transform_3(%arg0: i32) -> (i32, i32) {
    %c0_i32 = arith.constant 0 : i32
    %c0_i32_0 = arith.constant 0 : i32
    %c0_i32_1 = arith.constant 0 : i32
    return %c0_i32, %c0_i32_0 : i32, i32
  }
  func.func @transform_4(%arg0: i32) -> (i32, i32) {
    %c0_i32 = arith.constant 0 : i32
    %c0_i32_0 = arith.constant 0 : i32
    %c0_i32_1 = arith.constant 0 : i32
    return %c0_i32, %c0_i32_0 : i32, i32
  }
  func.func @transform_5(%arg0: i32) -> (i32, i32) {
    %c0_i32 = arith.constant 0 : i32
    %c0_i32_0 = arith.constant 0 : i32
    return %arg0, %c0_i32 : i32, i32
  }
  func.func @transform_6(%arg0: i32) -> (i32, i32) {
    %c0_i32 = arith.constant 0 : i32
    %c0_i32_0 = arith.constant 0 : i32
    return %arg0, %c0_i32 : i32, i32
  }
  func.func @transform_7(%arg0: i32) -> (i32, i32) {
    %c0_i32 = arith.constant 0 : i32
    %c0_i32_0 = arith.constant 0 : i32
    return %arg0, %c0_i32 : i32, i32
  }
}

module attributes {stable_mosaic.version = 14 : i64} {
  func.func @_norm_body(%arg0: i32, %arg1: memref<2x896x128xf32, #tpu.memory_space<vmem>>, %arg2: memref<128x128xf32, #tpu.memory_space<vmem>>, %arg3: memref<896x128xf32, #tpu.memory_space<vmem>>) attributes {dimension_semantics = [#tpu.dimension_semantics<arbitrary>], iteration_bounds = array<i64: 14>, scalar_prefetch = 0 : i64, scratch_operands = 0 : i64, tpu.core_type = #tpu.core_type<tc>, window_params = [{transform_indices = @transform_0, window_bounds = array<i64: 2, 896, 128>}, {pipeline_mode = #tpu.pipeline_mode<synchronous>, transform_indices = @transform_1, window_bounds = array<i64: 128, 128>}, {transform_indices = @transform_2, window_bounds = array<i64: 896, 128>}]} {
    %get3A = arith.constant 0 : index
    %get3A_0 = arith.constant 0 : index
    %get3A_1 = arith.constant 0 : index
    %get3A_2 = vector.load %arg1[%get3A, %get3A_0, %get3A_1] : memref<2x896x128xf32, #tpu.memory_space<vmem>>, vector<1x896x128xf32>
    %get3A_3 = vector.shape_cast %get3A_2 : vector<1x896x128xf32> to vector<896x128xf32>
    %get3A_4 = arith.constant 1 : index
    %get3A_5 = arith.constant 0 : index
    %get3A_6 = arith.constant 0 : index
    %get3A_7 = vector.load %arg1[%get3A_4, %get3A_5, %get3A_6] : memref<2x896x128xf32, #tpu.memory_space<vmem>>, vector<1x896x128xf32>
    %get3A_8 = vector.shape_cast %get3A_7 : vector<1x896x128xf32> to vector<896x128xf32>
    %add3A = arith.addf %get3A_3, %get3A_8 : vector<896x128xf32>
    %get3A_9 = arith.constant 0 : index
    %get3A_10 = arith.constant 0 : index
    %get3A_11 = vector.load %arg2[%get3A_9, %get3A_10] : memref<128x128xf32, #tpu.memory_space<vmem>>, vector<128x128xf32>
    %dot_general3A = arith.constant dense<0.000000e+00> : vector<896x128xf32>
    %dot_general3A_12 = tpu.matmul %add3A, %get3A_11, %dot_general3A {dimension_numbers = #tpu.dot_dimension_numbers<[1], [0], [0], [1], [0, 0, 1, 1], [], []>, precision = #tpu.contract_precision<fp32>, transpose_lhs_hint = false} : vector<896x128xf32>, vector<128x128xf32>, vector<896x128xf32> -> vector<896x128xf32>
    %add3A_13 = arith.constant 1.000000e-16 : f32
    %add3A_14 = vector.broadcast %add3A_13 : f32 to vector<896x128xf32>
    %add3A_15 = arith.addf %dot_general3A_12, %add3A_14 : vector<896x128xf32>
    %div3A = arith.divf %add3A, %add3A_15 : vector<896x128xf32>
    %swap3A = arith.constant 0 : index
    %swap3A_16 = arith.constant 0 : index
    %swap3A_17 = vector.load %arg3[%swap3A, %swap3A_16] : memref<896x128xf32, #tpu.memory_space<vmem>>, vector<896x128xf32>
    tpu.vector_store %arg3[%swap3A, %swap3A_16], %div3A {strides = array<i32>} : memref<896x128xf32, #tpu.memory_space<vmem>>, vector<896x128xf32>,
    return
  }
  func.func @transform_0(%arg0: i32) -> (i32, i32, i32) {
    %c0_i32 = arith.constant 0 : i32
    %c0_i32_0 = arith.constant 0 : i32
    %c0_i32_1 = arith.constant 0 : i32
    return %c0_i32, %arg0, %c0_i32_0 : i32, i32, i32
  }
  func.func @transform_1(%arg0: i32) -> (i32, i32) {
    %c0_i32 = arith.constant 0 : i32
    %c0_i32_0 = arith.constant 0 : i32
    %c0_i32_1 = arith.constant 0 : i32
    return %c0_i32, %c0_i32_0 : i32, i32
  }
  func.func @transform_2(%arg0: i32) -> (i32, i32) {
    %c0_i32 = arith.constant 0 : i32
    %c0_i32_0 = arith.constant 0 : i32
    return %arg0, %c0_i32 : i32, i32
  }
}

module attributes {stable_mosaic.version = 14 : i64} {
  func.func @_dec_body(%arg0: i32, %arg1: memref<2x3200x128xf32, #tpu.memory_space<vmem>>, %arg2: memref<64x32xf32, #tpu.memory_space<vmem>>, %arg3: memref<8x32xf32, #tpu.memory_space<vmem>>, %arg4: memref<32x32xf32, #tpu.memory_space<vmem>>, %arg5: memref<3200x128xf32, #tpu.memory_space<vmem>>) attributes {dimension_semantics = [#tpu.dimension_semantics<arbitrary>], iteration_bounds = array<i64: 32>, scalar_prefetch = 0 : i64, scratch_operands = 0 : i64, tpu.core_type = #tpu.core_type<tc>, window_params = [{transform_indices = @transform_0, window_bounds = array<i64: 2, 3200, 128>}, {pipeline_mode = #tpu.pipeline_mode<synchronous>, transform_indices = @transform_1, window_bounds = array<i64: 64, 32>}, {pipeline_mode = #tpu.pipeline_mode<synchronous>, transform_indices = @transform_2, window_bounds = array<i64: 8, 32>}, {pipeline_mode = #tpu.pipeline_mode<synchronous>, transform_indices = @transform_3, window_bounds = array<i64: 32, 32>}, {transform_indices = @transform_4, window_bounds = array<i64: 3200, 128>}]} {
    %get3A = arith.constant 0 : index
    %get3A_0 = arith.constant 0 : index
    %get3A_1 = arith.constant 0 : index
    %get3A_2 = vector.load %arg1[%get3A, %get3A_0, %get3A_1] : memref<2x3200x128xf32, #tpu.memory_space<vmem>>, vector<1x3200x128xf32>
    %get3A_3 = vector.shape_cast %get3A_2 : vector<1x3200x128xf32> to vector<3200x128xf32>
    %get3A_4 = arith.constant 1 : index
    %get3A_5 = arith.constant 0 : index
    %get3A_6 = arith.constant 0 : index
    %get3A_7 = vector.load %arg1[%get3A_4, %get3A_5, %get3A_6] : memref<2x3200x128xf32, #tpu.memory_space<vmem>>, vector<1x3200x128xf32>
    %get3A_8 = vector.shape_cast %get3A_7 : vector<1x3200x128xf32> to vector<3200x128xf32>
    %slice3A = vector.extract_strided_slice %get3A_3 {offsets = [0, 0], sizes = [3200, 32], strides = [1, 1]} : vector<3200x128xf32> to vector<3200x32xf32>
    %slice3A_9 = vector.extract_strided_slice %get3A_8 {offsets = [0, 0], sizes = [3200, 32], strides = [1, 1]} : vector<3200x128xf32> to vector<3200x32xf32>
    %concatenate3A = tpu.concatenate %slice3A, %slice3A_9 in 1 : vector<3200x32xf32>, vector<3200x32xf32> -> vector<3200x64xf32>
    %slice3A_10 = vector.extract_strided_slice %get3A_3 {offsets = [0, 32], sizes = [3200, 32], strides = [1, 1]} : vector<3200x128xf32> to vector<3200x32xf32>
    %slice3A_11 = vector.extract_strided_slice %get3A_8 {offsets = [0, 32], sizes = [3200, 32], strides = [1, 1]} : vector<3200x128xf32> to vector<3200x32xf32>
    %concatenate3A_12 = tpu.concatenate %slice3A_10, %slice3A_11 in 1 : vector<3200x32xf32>, vector<3200x32xf32> -> vector<3200x64xf32>
    %slice3A_13 = vector.extract_strided_slice %get3A_3 {offsets = [0, 64], sizes = [3200, 32], strides = [1, 1]} : vector<3200x128xf32> to vector<3200x32xf32>
    %slice3A_14 = vector.extract_strided_slice %get3A_8 {offsets = [0, 64], sizes = [3200, 32], strides = [1, 1]} : vector<3200x128xf32> to vector<3200x32xf32>
    %concatenate3A_15 = tpu.concatenate %slice3A_13, %slice3A_14 in 1 : vector<3200x32xf32>, vector<3200x32xf32> -> vector<3200x64xf32>
    %slice3A_16 = vector.extract_strided_slice %get3A_3 {offsets = [0, 96], sizes = [3200, 32], strides = [1, 1]} : vector<3200x128xf32> to vector<3200x32xf32>
    %slice3A_17 = vector.extract_strided_slice %get3A_8 {offsets = [0, 96], sizes = [3200, 32], strides = [1, 1]} : vector<3200x128xf32> to vector<3200x32xf32>
    %concatenate3A_18 = tpu.concatenate %slice3A_16, %slice3A_17 in 1 : vector<3200x32xf32>, vector<3200x32xf32> -> vector<3200x64xf32>
    %concatenate3A_19 = tpu.concatenate %concatenate3A, %concatenate3A_12, %concatenate3A_15, %concatenate3A_18 in 0 : vector<3200x64xf32>, vector<3200x64xf32>, vector<3200x64xf32>, vector<3200x64xf32> -> vector<12800x64xf32>
    %get3A_20 = arith.constant 0 : index
    %get3A_21 = arith.constant 0 : index
    %get3A_22 = vector.load %arg2[%get3A_20, %get3A_21] : memref<64x32xf32, #tpu.memory_space<vmem>>, vector<64x32xf32>
    %dot_general3A = arith.constant dense<0.000000e+00> : vector<12800x32xf32>
    %dot_general3A_23 = tpu.matmul %concatenate3A_19, %get3A_22, %dot_general3A {dimension_numbers = #tpu.dot_dimension_numbers<[1], [0], [0], [1], [0, 0, 1, 1], [], []>, precision = #tpu.contract_precision<fp32>, transpose_lhs_hint = false} : vector<12800x64xf32>, vector<64x32xf32>, vector<12800x32xf32> -> vector<12800x32xf32>
    %get3A_24 = arith.constant 0 : index
    %get3A_25 = arith.constant 0 : index
    %get3A_26 = vector.load %arg3[%get3A_24, %get3A_25] : memref<8x32xf32, #tpu.memory_space<vmem>>, vector<1x32xf32>
    %add3A = vector.broadcast %get3A_26 : vector<1x32xf32> to vector<12800x32xf32>
    %add3A_27 = arith.addf %dot_general3A_23, %add3A : vector<12800x32xf32>
    %max3A = arith.constant 0.000000e+00 : f32
    %max3A_28 = vector.broadcast %max3A : f32 to vector<12800x32xf32>
    %max3A_29 = arith.maximumf %add3A_27, %max3A_28 : vector<12800x32xf32>
    %get3A_30 = arith.constant 0 : index
    %get3A_31 = arith.constant 0 : index
    %get3A_32 = vector.load %arg4[%get3A_30, %get3A_31] : memref<32x32xf32, #tpu.memory_space<vmem>>, vector<32x32xf32>
    %dot_general3A_33 = arith.constant dense<0.000000e+00> : vector<12800x32xf32>
    %dot_general3A_34 = tpu.matmul %max3A_29, %get3A_32, %dot_general3A_33 {dimension_numbers = #tpu.dot_dimension_numbers<[1], [0], [0], [1], [0, 0, 1, 1], [], []>, precision = #tpu.contract_precision<fp32>, transpose_lhs_hint = false} : vector<12800x32xf32>, vector<32x32xf32>, vector<12800x32xf32> -> vector<12800x32xf32>
    %slice3A_35 = vector.extract_strided_slice %dot_general3A_34 {offsets = [0, 0], sizes = [3200, 32], strides = [1, 1]} : vector<12800x32xf32> to vector<3200x32xf32>
    %slice3A_36 = vector.extract_strided_slice %dot_general3A_34 {offsets = [3200, 0], sizes = [3200, 32], strides = [1, 1]} : vector<12800x32xf32> to vector<3200x32xf32>
    %slice3A_37 = vector.extract_strided_slice %dot_general3A_34 {offsets = [6400, 0], sizes = [3200, 32], strides = [1, 1]} : vector<12800x32xf32> to vector<3200x32xf32>
    %slice3A_38 = vector.extract_strided_slice %dot_general3A_34 {offsets = [9600, 0], sizes = [3200, 32], strides = [1, 1]} : vector<12800x32xf32> to vector<3200x32xf32>
    %concatenate3A_39 = tpu.concatenate %slice3A_35, %slice3A_36, %slice3A_37, %slice3A_38 in 1 : vector<3200x32xf32>, vector<3200x32xf32>, vector<3200x32xf32>, vector<3200x32xf32> -> vector<3200x128xf32>
    %swap3A = arith.constant 0 : index
    %swap3A_40 = arith.constant 0 : index
    %swap3A_41 = vector.load %arg5[%swap3A, %swap3A_40] : memref<3200x128xf32, #tpu.memory_space<vmem>>, vector<3200x128xf32>
    tpu.vector_store %arg5[%swap3A, %swap3A_40], %concatenate3A_39 {strides = array<i32>} : memref<3200x128xf32, #tpu.memory_space<vmem>>, vector<3200x128xf32>,
    return
  }
  func.func @transform_0(%arg0: i32) -> (i32, i32, i32) {
    %c0_i32 = arith.constant 0 : i32
    %c0_i32_0 = arith.constant 0 : i32
    %c0_i32_1 = arith.constant 0 : i32
    return %c0_i32, %arg0, %c0_i32_0 : i32, i32, i32
  }
  func.func @transform_1(%arg0: i32) -> (i32, i32) {
    %c0_i32 = arith.constant 0 : i32
    %c0_i32_0 = arith.constant 0 : i32
    %c0_i32_1 = arith.constant 0 : i32
    return %c0_i32, %c0_i32_0 : i32, i32
  }
  func.func @transform_2(%arg0: i32) -> (i32, i32) {
    %c0_i32 = arith.constant 0 : i32
    %c0_i32_0 = arith.constant 0 : i32
    %c0_i32_1 = arith.constant 0 : i32
    return %c0_i32, %c0_i32_0 : i32, i32
  }
  func.func @transform_3(%arg0: i32) -> (i32, i32) {
    %c0_i32 = arith.constant 0 : i32
    %c0_i32_0 = arith.constant 0 : i32
    %c0_i32_1 = arith.constant 0 : i32
    return %c0_i32, %c0_i32_0 : i32, i32
  }
  func.func @transform_4(%arg0: i32) -> (i32, i32) {
    %c0_i32 = arith.constant 0 : i32
    %c0_i32_0 = arith.constant 0 : i32
    return %arg0, %c0_i32 : i32, i32
  }
}

</mosaic_0001>

<sc_bundles>
// kernel: kernel.11.cloned.1.call-start
scs
__scs_entry_jumppad:
0x0: {  	(pc) =	sbr.rel $0x88, $3  }
0x1: {  	(tag) =	ssettag $0x0;
	lr =	simm.s32 $0x1  }
0x2: {  	[smem:$0x3F91] =	sst lr;
	_ =	strace $0xD0000000  }
0x3: {  	_ = 	snop  }
0x4: {  	_ = 	snop  }
0x5: {  	_ = 	snop  }
0x6: {  	_ = 	snop  }
0x7: {  	_ = 	snop  }
__scs_overlays_trampoline_lowered:
0x8: {  	[smem:$0x3FA0] =	sst s0  }
0x9: {  	[smem:$0x3FA1] =	sst s1  }
0xa: {  	[smem:$0x3FA2] =	sst s2  }
0xb: {  	[smem:$0x3FA3] =	sst s3  }
0xc: {  	[smem:$0x3FA4] =	sst s4  }
0xd: {  	[smem:$0x3FA5] =	sst s5  }
0xe: {  	[smem:$0x3FA6] =	sst s6  }
0xf: {  	[smem:$0x3FA7] =	sst s7  }
0x10: {  	[smem:$0x3FA8] =	sst s8  }
0x11: {  	[smem:$0x3FA9] =	sst s9;
	s0 =	simm.s32 @!p0 $0x0  }
0x12: {  	s1 =	sld [smem:$0x3F8F];
	s0 =	simm.s32 @p0 $0x1  }
0x13: {  	[smem:$0x3FAA] =	sst s0;
	s0 =	simm.s32 @!p1 $0x0  }
0x14: {  	s2 =	sld [smem:$0x3F8E];
	s0 =	simm.s32 @p1 $0x1  }
0x15: {  	[smem:$0x3FAB] =	sst s0;
	s0 =	simm.s32 @!p2 $0x0  }
0x16: {  	s3 =	sld [smem:$0x3FDB];
	s0 =	simm.s32 @p2 $0x1  }
0x17: {  	s4 =	simm.s32 $0x1BF5;
	[smem:$0x3FAD] =	sst s0  }
0x18: {  	s0 =	sld [smem:$0x3F90];
	_ =	swait.ge [sflag:s4], $0x0  }
0x19: {  	s7 =	sld [smem:$0x3F91]  }
0x1a: {  	s8 =	sadd.s32 $0xFFFFE003, lr  }
0x1b: {  	s9 =	sadd.s32 $0xFFFFFEF7, lr;
	s5 =	simm.s32 $0xFFFFFFFF;
	p2 =	slt.u32 s8, $0xFFFFF086  }
0x1c: {  	p1 =	slt.u32 s9, $0xF7A;
	s5 =	simm.s32 @!p2 $0x0  }
0x1d: {  	s5 =	simm.s32 @p1 $0x1;
	p0 =	seq.s32 s7, s2  }
0x1e: {  	s7 =	smul.u32 @!p0 $0xF7A, s2;
	p2 =	seq.s32 @!p0 s5, $0x0  }
0x1f: {  	s9 =	smul.u32 $0xF7A, s1;
	s8 =	simm.s32 @!p0 $0x1BF5;
	p2 =	por !p2, p0  }
0x20: {  	[sflag:s8] =	ssyncset.s32 @!p0 $0xFFFFF086;
	s6 =	sadd.s32 @!p0 s3, s7;
	s7 =	simm.s32 @!p0 $0x108  }
0x21: {  	s3 =	sadd.s32 s3, s9;
	s6 =	sadd.s32 @!p0 $0x88, s6;
	s7 =	simm.s32 @p2 $0x1082  }
0x22: {  	[simem:s7], [sflag:s8] =	dma.local @!p0 [hbm:s6], $0xF7A  }
0x23: {  	s9 =	sor.u32 $0xD0000000, s2;
	s6 =	simm.s32 $0x108;
	_ =	swait.ge @!p0 [sflag:s8], $0x0  }
0x24: {  	s3 =	sadd.s32 $0x88, s3;
	s6 =	simm.s32 @!p1 $0x1082;
	[sflag:s4] =	ssyncset.s32 $0xFFFFF086  }
0x25: {  	[simem:s6], [sflag:s4] =	dma.local [hbm:s3], $0xF7A  }
0x26: {  	[smem:$0x3F91] =	sst s1;
	(tag) =	ssettag s2;
	_ =	strace s9  }
0x27: {  	s1 =	sld [smem:$0x3FA1]  }
0x28: {  	s2 =	sld [smem:$0x3FA2]  }
0x29: {  	s4 =	sld [smem:$0x3FA4]  }
0x2a: {  	p0 =	seq.s32 s5, $0x0;
	s5 =	sld [smem:$0x3FA5]  }
0x2b: {  	s6 =	sld [smem:$0x3FA6]  }
0x2c: {  	s7 =	sld [smem:$0x3FA7]  }
0x2d: {  	s3 =	simm.s32 $0x108;
	s8 =	sld [smem:$0x3FA8]  }
0x2e: {  	s3 =	simm.s32 @!p0 $0x1082;
	s9 =	sld [smem:$0x3FA9]  }
0x2f: {  	lr =	sadd.s32 s0, s3;
	s0 =	sld [smem:$0x3FA0]  }
0x30: {  	s3 =	sld [smem:$0x3FA3]  }
0x31: {  	[smem:$0x3FAC] =	sst s10  }
0x32: {  	s10 =	sld [smem:$0x3FAA];
	_ =	sdelay $0x3  }
0x33: {  	p0 =	seq.s32 s10, $0x1;
	s10 =	sld [smem:$0x3FAC];
	_ =	sdelay $0x3  }
0x34: {  	[smem:$0x3FAC] =	sst s10  }
0x35: {  	s10 =	sld [smem:$0x3FAB];
	_ =	sdelay $0x3  }
0x36: {  	p1 =	seq.s32 s10, $0x1;
	s10 =	sld [smem:$0x3FAC];
	_ =	sdelay $0x3  }
0x37: {  	[smem:$0x3FAC] =	sst s10  }
0x38: {  	s10 =	sld [smem:$0x3FAD]  }
0x39: {  	_ = 	snop;
	(pc) =	sbr.ind lr, $3  }
0x3a: {  	_ = 	snop  }
0x3b: {  	_ = 	snop  }
0x3c: {  	p2 =	seq.s32 s10, $0x1;
	s10 =	sld [smem:$0x3FAC]  }
0x3d: {  	_ =	shalt  }
0x3e: {  	_ =	shalt  }
0x3f: {  	_ =	shalt  }
0x40: {  	_ =	shalt  }
0x41: {  	_ =	shalt  }
0x42: {  	_ =	shalt  }
0x43: {  	_ =	shalt  }
0x44: {  	_ =	shalt  }
0x45: {  	_ =	shalt  }
0x46: {  	_ =	shalt  }
0x47: {  	_ =	shalt  }
0x48: {  	_ =	shalt  }
0x49: {  	_ =	shalt  }
0x4a: {  	_ =	shalt  }
0x4b: {  	_ =	shalt  }
0x4c: {  	_ =	shalt  }
0x4d: {  	_ =	shalt  }
0x4e: {  	_ =	shalt  }
0x4f: {  	_ =	shalt  }
0x50: {  	_ =	shalt  }
0x51: {  	_ =	shalt  }
0x52: {  	_ =	shalt  }
0x53: {  	_ =	shalt  }
0x54: {  	_ =	shalt  }
0x55: {  	_ =	shalt  }
0x56: {  	_ =	shalt  }
0x57: {  	_ =	shalt  }
0x58: {  	_ =	shalt  }
0x59: {  	_ =	shalt  }
0x5a: {  	_ =	shalt  }
0x5b: {  	_ =	shalt  }
0x5c: {  	_ =	shalt  }
0x5d: {  	_ =	shalt  }
0x5e: {  	_ =	shalt  }
0x5f: {  	_ =	shalt  }
0x60: {  	_ =	shalt  }
0x61: {  	_ =	shalt  }
0x62: {  	_ =	shalt  }
0x63: {  	_ =	shalt  }
0x64: {  	_ =	shalt  }
0x65: {  	_ =	shalt  }
0x66: {  	_ =	shalt  }
0x67: {  	_ =	shalt  }
0x68: {  	_ =	shalt  }
0x69: {  	_ =	shalt  }
0x6a: {  	_ =	shalt  }
0x6b: {  	_ =	shalt  }
0x6c: {  	_ =	shalt  }
0x6d: {  	_ =	shalt  }
0x6e: {  	_ =	shalt  }
0x6f: {  	_ =	shalt  }
0x70: {  	_ =	shalt  }
0x71: {  	_ =	shalt  }
0x72: {  	_ =	shalt  }
0x73: {  	_ =	shalt  }
0x74: {  	_ =	shalt  }
0x75: {  	_ =	shalt  }
0x76: {  	_ =	shalt  }
0x77: {  	_ =	shalt  }
0x78: {  	_ =	shalt  }
0x79: {  	_ =	shalt  }
0x7a: {  	_ =	shalt  }
0x7b: {  	_ =	shalt  }
0x7c: {  	_ =	shalt  }
0x7d: {  	_ =	shalt  }
0x7e: {  	_ =	shalt  }
0x7f: {  	_ =	shalt  }
0x80: {  	_ =	shalt  }
0x81: {  	_ =	shalt  }
0x82: {  	_ =	shalt  }
0x83: {  	_ =	shalt  }
0x84: {  	_ =	shalt  }
0x85: {  	_ =	shalt  }
0x86: {  	_ =	shalt  }
0x87: {  	_ =	shalt  }
.Lfunc_end0:
.L_simem_size_0:
called_computation.1_lowered:
.L_overlay_start_0:
0x88: {  	s2 =	sld [smem:$0x3FD9]  }
0x89: {  	s3 =	sld [smem:$0x3FFE];
	_ =	sdelay $0x1  }
0x8a: {  	s1 =	srdreg.scid  }
0x8b: {  	s0 =	sand.u32 $0x1, s1  }
0x8c: {  	s16 =	sshll.u32 s0, $0xA;
	s2 =	sadd.s32 s3, s2  }
0x8d: {  	s2 =	sadd.s32 s2, s16  }
0x8e: {  	[smem:$0x3FB8] =	sst s2  }
0x8f: {  	_ = 	snop  }
0x90: {  	(tm) =	ssettm $0x1  }
0x91: {  	s17 =	sld [smem:$0x3FFB];
	_ =	sdelay $0x3  }
0x92: {  	_ =	strace s17  }
0x93: {  	s2 =	sld [smem:$0x3FFC];
	_ =	sdelay $0x3  }
0x94: {  	_ =	strace s2  }
0x95: {  	s2 =	sld [smem:$0x3FFD];
	_ =	sdelay $0x3  }
0x96: {  	_ =	strace s2  }
0x97: {  	_ =	strace $0x8FFFFFFF  }
0x98: {  	s18 =	sld [smem:$0x3FDB];
	_ =	sdelay $0x1  }
0x99: {  	s19 =	simm.s32 $_scs_section_size  }
0x9a: {  	s4 =	simm.s32 $_size__tile_overlayer_lowered;
	s5 =	simm.s32 $_tile_overlayer_lowered  }
0x9b: {  	s22 =	simm.s32 $0x1BFF;
	s21 =	sshll.u32 s5, $0x1;
	s2 =	sadd.s32 s19, s18  }
0x9c: {  	s6 =	simm.s32 $0x0;
	s20 =	sshll.u32 s4, $0x1;
	s4 =	sadd.s32 s21, s2  }
0x9d: {  	[timem:s6], [sflag:s22] =	dma.local [hbm:s4], s20  }
0x9e: {  	_ =	swait.ge [sflag:s22], s20  }
0x9f: {  	s3 =	ssub.s32 $0x0, s20;
	[sflag:s22] =	ssyncset.done $0x0  }
0xa0: {  	[sflag:s22] =	ssyncadd.s32 s3;
	_ =	sdelay $0x1  }
0xa1: {  	s23 =	simm.s32 $0x1B8B  }
0xa2: {  	_ =	swait.ge [sflag:s23], $0x1  }
0xa3: {  	[sflag:s23] =	ssyncset.done $0x0  }
0xa4: {  	s25 =	simm.s32 $0x1B8E;
	s24 =	sld [smem:$0x3FFE];
	[sflag:s23] =	ssyncadd.s32 $0xFFFFFFFF  }
0xa5: {  	s26 =	simm.s32 $execute0_lowered;
	[smem:$0x3FD2] =	sst s25  }
0xa6: {  	s4 =	sshll.u32 s26, $0x1;
	_ =	strace $0x80000049;
	[dreg:$0x1] =	wrdreg $0xFFFFFFFF  }
0xa7: {  	s28 =	simm.s32 $_size_execute0_lowered;
	s2 =	sadd.s32 s2, s4;
	[dreg:$0x0] =	wrdreg $0x0  }
0xa8: {  	s4 =	sshll.u32 s28, $0x1;
	[dreg:$0x2] =	wrdreg s2  }
0xa9: {  	[dreg:$0x3] =	wrdreg s4  }
0xaa: {  	[dreg:$0x4] =	wrdreg $0xC0  }
0xab: {  	_ =	task [dreg:s6], $0x5FFFF  }
0xac: {  	[dreg:$0x1] =	wrdreg $0xFFFFFFFF  }
0xad: {  	[dreg:$0x0] =	wrdreg $0x60  }
0xae: {  	[dreg:$0x2] =	wrdreg s24  }
0xaf: {  	[dreg:$0x3] =	wrdreg $0x9  }
0xb0: {  	_ =	task.clear_ibuf [dreg:s6], $0x4FFFF;
	_ =	strace $0x90000049  }
0xb1: {  	s29 =	simm.s32 $0x9;
	_ =	strace $0x8000004B  }
0xb2: {  	_ =	swait.ge [sflag:s29], $0x1  }
0xb3: {  	[sflag:s29] =	ssyncadd.s32 $0xFFFFFFFF  }
0xb4: {  	_ =	strace $0x9000004B  }
0xb5: {  	_ =	sfence  }
0xb6: {  	s30 =	sld [smem:$0x0];
	_ =	sdelay $0x2  }
0xb7: {  	s31 =	sshll.u32 s1, $0xD;
	s1 =	sshrl.u32 s1, $0x2  }
0xb8: {  	s3 =	sand.u32 $0x4000, s31;
	s1 =	sadd.s32 s1, s30  }
0xb9: {  	s0 =	sor.u32 s3, s0;
	s1 =	sshll.u32 s1, $0x11  }
0xba: {  	s0 =	sor.u32 s1, s0  }
0xbb: {  	s0 =	sadd.s32 $0x8F2B, s0  }
0xbc: {  	[sflag:s0] =	ssyncadd.remote.s32 $0x1  }
0xbd: {  	_ =	sfence.sel $0xFFFF  }
0xbe: {  	[dreg:$0x0] =	wrdreg $0xFFFFFFFF;
	(pc) =	sbr.abs _section_cstart, $3  }
0xbf: {  	[dreg:$0x1] =	wrdreg $0xFFFFFFFF  }
0xc0: {  	_ =	task.clear_ibuf [dreg:s6], $0x2FFFF;
	_ =	strace $0x9FFFFFFF  }
0xc1: {  	(tm) =	ssettm $0x7FFFFFFF  }
tec
execute0_lowered:
.L_overlay_start_1:
0x0: {  	(tag) =	ssettag $0x1  }
0x1: {  	s0 =	srdreg.scid;
	s1 =	rddreg [dreg:$0x0]  }
0x2: {  	s11 =	stileid.u32;
	s2 =	simm.s32 $0x0;
	s16 =	simm.s32 $0x3200  }
0x3: {  	s17 =	simm.s32 $0x80;
	s18 =	simm.s32 $0x6400;
	s19 =	simm.s32 $0x7400  }
0x4: {  	s20 =	simm.s32 $0x8400;
	s21 =	simm.s32 $0x9400;
	s22 =	simm.s32 $0x1  }
0x5: {  	s23 =	simm.s32 $0x2;
	s28 =	simm.s32 $0x0;
	s10 =	smul.u32 $0x64, s11  }
0x6: {  	s0 =	sand.u32 $0x1, s0;
	[smem:$0x7FF] =	sst s2;
	s13 =	smul.u32 $0xC800, s11  }
0x7: {  	s14 =	sadd.s32 $0x4D400, s1;
	s3 =	sshll.u32 s0, $0x4;
	s8 =	smul.u32 $0x640, s0  }
0x8: {  	s4 =	ssub.s32 $0x2, s0;
	s0 =	smul.u32 $0xC8000, s0;
	s7 =	sor.u32 s11, s3  }
0x9: {  	_ =	strace $0x8000004A;
	s6 =	sshrl.u32 s4, $0x1;
	s3 =	smul.u32 $0x640, s7  }
0xa: {  	s9 =	ssub.s32 s4, s6;
	s6 =	sadd.s32 $0x1DD400, s1;
	s26 =	smul.u32 $0xC800, s7  }
0xb: {  	s29 =	sadd.s32 s10, s8;
	s13 =	sadd.s32 s13, s0;
	s7 =	smax.u32 s9, $0x1  }
0xc: {  	s15 =	sshll.u32 s29, $0x9;
	s5 =	sadd.s32 s3, s1;
	s3 =	sadd.s32 $0x2400, s1  }
0xd: {  	s8 =	sadd.s32 $0xC400, s26;
	s10 =	sadd.s32 $0xC600, s26;
	s30 =	sadd.s32 s15, s14  }
0xe: {  	s31 =	sor.u32 $0x200, s15;
	s15 =	simm.s32 $0x3;
	s4 =	sadd.s32 $0x34400, s5  }
0xf: {  	s5 =	sadd.s32 $0x40C00, s5;
	s9 =	sadd.s32 s14, s8;
	s11 =	sadd.s32 s14, s10  }
0x10: {  	s12 =	sadd.s32 $0x200, s30;
	s14 =	sadd.s32 s14, s13;
	s24 =	sadd.s32 s6, s31  }
.LBB2_1:
0x11: {  	[tilespmem:s2], [sflag:$0x3] =	stream.linear.gather [hbm4b:s4+s2], $0x3200, $0x38;
	[tilespmem:$0xA400] =	vst v63  }
0x12: {  	_ =	swait.ge [sflag:s15], $0x3200  }
0x13: {  	[sflag:s15] =	ssyncset.done $0x0  }
0x14: {  	[sflag:s15] =	ssyncadd.s32 $0xFFFFCE00  }
0x15: {  	[tilespmem:s16], [sflag:$0x3] =	stream.linear.gather [hbm4b:s5+s2], $0x3200, $0x38;
	[tilespmem:$0xA400] =	vst v63  }
0x16: {  	_ =	swait.ge [sflag:s15], $0x3200  }
0x17: {  	[sflag:s15] =	ssyncset.done $0x0  }
0x18: {  	[sflag:s15] =	ssyncadd.s32 $0xFFFFCE00  }
0x19: {  	[tilespmem:s18], [sflag:$0x1] =	stream.indirect.gather [hbm4b:s3+s17], $0x20, s2, s17, $0xb8;
	[tilespmem:$0xA400] =	vst v63  }
0x1a: {  	_ = 	snop  }
0x1b: {  	[tilespmem:s19], [sflag:$0x1] =	stream.indirect.gather [hbm4b:s3+s17], $0x20, s16, s17, $0xb8;
	[tilespmem:$0xA400] =	vst v63  }
0x1c: {  	s0 =	simm.s32 $0x80  }
0x1d: {  	[tilespmem:s20], [sflag:$0x2] =	stream.indirect.gather [hbm4b:s3+s17], $0x20, s0, s17, $0xb8;
	[tilespmem:$0xA400] =	vst v63  }
0x1e: {  	s26 =	simm.s32 $0x3280  }
0x1f: {  	[tilespmem:s21], [sflag:$0x2] =	stream.indirect.gather [hbm4b:s3+s17], $0x20, s26, s17, $0xb8;
	[tilespmem:$0xA400] =	vst v63  }
0x20: {  	_ =	swait.ge [sflag:s22], $0x1000  }
0x21: {  	[sflag:s22] =	ssyncset.done $0x0  }
0x22: {  	[sflag:s22] =	ssyncadd.s32 $0xFFFFF000  }
0x23: {  	_ =	swait.ge [sflag:s22], $0x1000  }
0x24: {  	[sflag:s22] =	ssyncset.done $0x0  }
0x25: {  	s1 =	sadd.s32 $0x0, s14;
	[sflag:s22] =	ssyncadd.s32 $0xFFFFF000  }
0x26: {  	[hbm4b:s1+s2] =	stream.linear.scatter [tilespmem:s18], [sflag:$0x3], $0x1000, $0x38;
	[tilespmem:$0xA400] =	vst v63  }
0x27: {  	_ =	swait.ge [sflag:s15], $0x1000  }
0x28: {  	s29 =	sadd.s32 s6, s13;
	[sflag:s15] =	ssyncset.done $0x0  }
0x29: {  	s25 =	sadd.s32 $0x0, s29;
	[sflag:s15] =	ssyncadd.s32 $0xFFFFF000  }
0x2a: {  	[hbm4b:s25+s2] =	stream.linear.scatter [tilespmem:s19], [sflag:$0x3], $0x1000, $0x38;
	[tilespmem:$0xA400] =	vst v63  }
0x2b: {  	_ =	swait.ge [sflag:s15], $0x1000  }
0x2c: {  	[sflag:s15] =	ssyncset.done $0x0  }
0x2d: {  	s26 =	simm.s32 $0x100;
	[sflag:s15] =	ssyncadd.s32 $0xFFFFF000  }
0x2e: {  	[tilespmem:s18], [sflag:$0x1] =	stream.indirect.gather [hbm4b:s3+s17], $0x20, s26, s17, $0xb8;
	[tilespmem:$0xA400] =	vst v63  }
0x2f: {  	s1 =	simm.s32 $0x3300  }
0x30: {  	[tilespmem:s19], [sflag:$0x1] =	stream.indirect.gather [hbm4b:s3+s17], $0x20, s1, s17, $0xb8;
	[tilespmem:$0xA400] =	vst v63  }
0x31: {  	_ =	swait.ge [sflag:s23], $0x1000  }
0x32: {  	[sflag:s23] =	ssyncset.done $0x0  }
0x33: {  	[sflag:s23] =	ssyncadd.s32 $0xFFFFF000  }
0x34: {  	_ =	swait.ge [sflag:s23], $0x1000  }
0x35: {  	[sflag:s23] =	ssyncset.done $0x0  }
0x36: {  	s25 =	sadd.s32 $0x0, s12;
	[sflag:s23] =	ssyncadd.s32 $0xFFFFF000  }
0x37: {  	[hbm4b:s25+s2] =	stream.linear.scatter [tilespmem:s20], [sflag:$0x3], $0x1000, $0x38;
	[tilespmem:$0xA400] =	vst v63  }
0x38: {  	_ =	swait.ge [sflag:s15], $0x1000  }
0x39: {  	[sflag:s15] =	ssyncset.done $0x0  }
0x3a: {  	s26 =	sadd.s32 $0x0, s24;
	[sflag:s15] =	ssyncadd.s32 $0xFFFFF000  }
0x3b: {  	[hbm4b:s26+s2] =	stream.linear.scatter [tilespmem:s21], [sflag:$0x3], $0x1000, $0x38;
	[tilespmem:$0xA400] =	vst v63  }
0x3c: {  	s30 =	simm.s32 $0x400;
	_ =	swait.ge [sflag:s15], $0x1000  }
0x3d: {  	s31 =	simm.s32 $0x100;
	s0 =	simm.s32 $0x800;
	[sflag:s15] =	ssyncset.done $0x0  }
.LBB2_2:
0x3e: {  	s26 =	sadd.s32 $0x80, s31  }
0x3f: {  	[sflag:s15] =	ssyncadd.s32 $0xFFFFF000;
	s1 =	smov.u32 s0;
	s25 =	sadd.s32 $0x400, s0  }
0x40: {  	[tilespmem:s20], [sflag:$0x2] =	stream.indirect.gather [hbm4b:s3+s17], $0x20, s26, s17, $0xb8;
	[tilespmem:$0xA400] =	vst v63  }
0x41: {  	p0 =	sne.s32 s0, $0xC000;
	s0 =	sadd.s32 $0x3280, s31  }
0x42: {  	[tilespmem:s21], [sflag:$0x2] =	stream.indirect.gather [hbm4b:s3+s17], $0x20, s0, s17, $0xb8;
	[tilespmem:$0xA400] =	vst v63  }
0x43: {  	_ =	swait.ge [sflag:s22], $0x1000  }
0x44: {  	[sflag:s22] =	ssyncset.done $0x0  }
0x45: {  	[sflag:s22] =	ssyncadd.s32 $0xFFFFF000  }
0x46: {  	_ =	swait.ge [sflag:s22], $0x1000  }
0x47: {  	[sflag:s22] =	ssyncset.done $0x0  }
0x48: {  	s0 =	sadd.s32 s30, s14;
	[sflag:s22] =	ssyncadd.s32 $0xFFFFF000  }
0x49: {  	[hbm4b:s0+s2] =	stream.linear.scatter [tilespmem:s18], [sflag:$0x3], $0x1000, $0x38;
	[tilespmem:$0xA400] =	vst v63  }
0x4a: {  	_ =	swait.ge [sflag:s15], $0x1000  }
0x4b: {  	[sflag:s15] =	ssyncset.done $0x0  }
0x4c: {  	s0 =	sadd.s32 s30, s29;
	[sflag:s15] =	ssyncadd.s32 $0xFFFFF000  }
0x4d: {  	[hbm4b:s0+s2] =	stream.linear.scatter [tilespmem:s19], [sflag:$0x3], $0x1000, $0x38;
	[tilespmem:$0xA400] =	vst v63  }
0x4e: {  	_ =	swait.ge [sflag:s15], $0x1000  }
0x4f: {  	[sflag:s15] =	ssyncset.done $0x0  }
0x50: {  	s0 =	sadd.s32 $0x100, s31;
	[sflag:s15] =	ssyncadd.s32 $0xFFFFF000  }
0x51: {  	[tilespmem:s18], [sflag:$0x1] =	stream.indirect.gather [hbm4b:s3+s17], $0x20, s0, s17, $0xb8;
	[tilespmem:$0xA400] =	vst v63  }
0x52: {  	s0 =	sadd.s32 $0x3300, s31  }
0x53: {  	[tilespmem:s19], [sflag:$0x1] =	stream.indirect.gather [hbm4b:s3+s17], $0x20, s0, s17, $0xb8;
	[tilespmem:$0xA400] =	vst v63  }
0x54: {  	_ =	swait.ge [sflag:s23], $0x1000  }
0x55: {  	[sflag:s23] =	ssyncset.done $0x0  }
0x56: {  	[sflag:s23] =	ssyncadd.s32 $0xFFFFF000  }
0x57: {  	_ =	swait.ge [sflag:s23], $0x1000  }
0x58: {  	[sflag:s23] =	ssyncset.done $0x0  }
0x59: {  	s0 =	sadd.s32 s30, s12;
	[sflag:s23] =	ssyncadd.s32 $0xFFFFF000  }
0x5a: {  	[hbm4b:s0+s2] =	stream.linear.scatter [tilespmem:s20], [sflag:$0x3], $0x1000, $0x38;
	[tilespmem:$0xA400] =	vst v63  }
0x5b: {  	_ =	swait.ge [sflag:s15], $0x1000  }
.Ltmp0:
0x5c: {  	[sflag:s15] =	ssyncset.done $0x0;
	(pc) =	sbr.rel @p0 .LBB2_2-.Ltmp0, $4  }
0x5d: {  	s0 =	sadd.s32 s30, s24;
	s30 =	smov.u32 s1;
	[sflag:s15] =	ssyncadd.s32 $0xFFFFF000  }
0x5e: {  	[hbm4b:s0+s2] =	stream.linear.scatter [tilespmem:s21], [sflag:$0x3], $0x1000, $0x38;
	[tilespmem:$0xA400] =	vst v63  }
0x5f: {  	_ =	swait.ge [sflag:s15], $0x1000  }
0x60: {  	s31 =	sshra.s32 s30, $0x2;
	s0 =	smov.u32 s25;
	[sflag:s15] =	ssyncset.done $0x0  }
0x61: {  	s0 =	sadd.s32 $0x80, s31;
	[sflag:s15] =	ssyncadd.s32 $0xFFFFF000  }
0x62: {  	[tilespmem:s20], [sflag:$0x2] =	stream.indirect.gather [hbm4b:s3+s17], $0x20, s0, s17, $0xb8;
	[tilespmem:$0xA400] =	vst v63  }
0x63: {  	s1 =	sadd.s32 $0x3280, s31  }
0x64: {  	[tilespmem:s21], [sflag:$0x2] =	stream.indirect.gather [hbm4b:s3+s17], $0x20, s1, s17, $0xb8;
	[tilespmem:$0xA400] =	vst v63  }
0x65: {  	_ =	swait.ge [sflag:s22], $0x1000  }
0x66: {  	[sflag:s22] =	ssyncset.done $0x0  }
0x67: {  	[sflag:s22] =	ssyncadd.s32 $0xFFFFF000  }
0x68: {  	_ =	swait.ge [sflag:s22], $0x1000  }
0x69: {  	[sflag:s22] =	ssyncset.done $0x0  }
0x6a: {  	s25 =	sadd.s32 s30, s14;
	[sflag:s22] =	ssyncadd.s32 $0xFFFFF000  }
0x6b: {  	[hbm4b:s25+s2] =	stream.linear.scatter [tilespmem:s18], [sflag:$0x3], $0x1000, $0x38;
	[tilespmem:$0xA400] =	vst v63  }
0x6c: {  	_ =	swait.ge [sflag:s15], $0x1000  }
0x6d: {  	[sflag:s15] =	ssyncset.done $0x0  }
0x6e: {  	s26 =	sadd.s32 s30, s29;
	[sflag:s15] =	ssyncadd.s32 $0xFFFFF000  }
0x6f: {  	[hbm4b:s26+s2] =	stream.linear.scatter [tilespmem:s19], [sflag:$0x3], $0x1000, $0x38;
	[tilespmem:$0xA400] =	vst v63  }
0x70: {  	_ =	swait.ge [sflag:s15], $0x1000  }
0x71: {  	[sflag:s15] =	ssyncset.done $0x0  }
0x72: {  	s29 =	sadd.s32 $0x100, s31;
	[sflag:s15] =	ssyncadd.s32 $0xFFFFF000  }
0x73: {  	[tilespmem:s18], [sflag:$0x1] =	stream.indirect.gather [hbm4b:s3+s17], $0x20, s29, s17, $0xb8;
	[tilespmem:$0xA400] =	vst v63  }
0x74: {  	s31 =	sadd.s32 $0x3300, s31  }
0x75: {  	[tilespmem:s19], [sflag:$0x1] =	stream.indirect.gather [hbm4b:s3+s17], $0x20, s31, s17, $0xb8;
	[tilespmem:$0xA400] =	vst v63  }
0x76: {  	_ =	swait.ge [sflag:s23], $0x1000  }
0x77: {  	[sflag:s23] =	ssyncset.done $0x0  }
0x78: {  	[sflag:s23] =	ssyncadd.s32 $0xFFFFF000  }
0x79: {  	_ =	swait.ge [sflag:s23], $0x1000  }
0x7a: {  	[sflag:s23] =	ssyncset.done $0x0  }
0x7b: {  	s1 =	sadd.s32 s30, s12;
	[sflag:s23] =	ssyncadd.s32 $0xFFFFF000  }
0x7c: {  	[hbm4b:s1+s2] =	stream.linear.scatter [tilespmem:s20], [sflag:$0x3], $0x1000, $0x38;
	[tilespmem:$0xA400] =	vst v63  }
0x7d: {  	_ =	swait.ge [sflag:s15], $0x1000  }
0x7e: {  	[sflag:s15] =	ssyncset.done $0x0  }
0x7f: {  	s25 =	sadd.s32 s30, s24;
	[sflag:s15] =	ssyncadd.s32 $0xFFFFF000  }
0x80: {  	[hbm4b:s25+s2] =	stream.linear.scatter [tilespmem:s21], [sflag:$0x3], $0x1000, $0x38;
	[tilespmem:$0xA400] =	vst v63  }
0x81: {  	_ =	swait.ge [sflag:s15], $0x1000  }
0x82: {  	[sflag:s15] =	ssyncset.done $0x0  }
0x83: {  	s26 =	simm.s32 $0x3180;
	[sflag:s15] =	ssyncadd.s32 $0xFFFFF000  }
0x84: {  	[tilespmem:s20], [sflag:$0x2] =	stream.indirect.gather [hbm4b:s3+s17], $0x20, s26, s17, $0xb8;
	[tilespmem:$0xA400] =	vst v63  }
0x85: {  	s29 =	simm.s32 $0x6380  }
0x86: {  	[tilespmem:s21], [sflag:$0x2] =	stream.indirect.gather [hbm4b:s3+s17], $0x20, s29, s17, $0xb8;
	[tilespmem:$0xA400] =	vst v63  }
0x87: {  	_ =	swait.ge [sflag:s22], $0x1000  }
0x88: {  	[sflag:s22] =	ssyncset.done $0x0  }
0x89: {  	[sflag:s22] =	ssyncadd.s32 $0xFFFFF000  }
0x8a: {  	_ =	swait.ge [sflag:s22], $0x1000  }
0x8b: {  	[sflag:s22] =	ssyncset.done $0x0  }
0x8c: {  	[sflag:s22] =	ssyncadd.s32 $0xFFFFF000  }
0x8d: {  	[hbm4b:s9+s2] =	stream.linear.scatter [tilespmem:s18], [sflag:$0x3], $0x1000, $0x38;
	[tilespmem:$0xA400] =	vst v63  }
0x8e: {  	_ =	swait.ge [sflag:s15], $0x1000  }
0x8f: {  	[sflag:s15] =	ssyncset.done $0x0  }
0x90: {  	s30 =	sadd.s32 s8, s6;
	[sflag:s15] =	ssyncadd.s32 $0xFFFFF000  }
0x91: {  	[hbm4b:s30+s2] =	stream.linear.scatter [tilespmem:s19], [sflag:$0x3], $0x1000, $0x38;
	[tilespmem:$0xA400] =	vst v63  }
0x92: {  	_ =	swait.ge [sflag:s15], $0x1000  }
0x93: {  	[sflag:s15] =	ssyncset.done $0x0  }
0x94: {  	[sflag:s15] =	ssyncadd.s32 $0xFFFFF000  }
0x95: {  	_ =	swait.ge [sflag:s23], $0x1000  }
0x96: {  	[sflag:s23] =	ssyncset.done $0x0  }
0x97: {  	[sflag:s23] =	ssyncadd.s32 $0xFFFFF000  }
0x98: {  	_ =	swait.ge [sflag:s23], $0x1000  }
0x99: {  	[sflag:s23] =	ssyncset.done $0x0  }
0x9a: {  	[sflag:s23] =	ssyncadd.s32 $0xFFFFF000  }
0x9b: {  	[hbm4b:s11+s2] =	stream.linear.scatter [tilespmem:s20], [sflag:$0x3], $0x1000, $0x38;
	[tilespmem:$0xA400] =	vst v63  }
0x9c: {  	s28 =	sadd.s32 $0x1, s28;
	_ =	swait.ge [sflag:s15], $0x1000  }
0x9d: {  	p0 =	sne.s32 s28, s7;
	[sflag:s15] =	ssyncset.done $0x0  }
.Ltmp1:
0x9e: {  	s31 =	sadd.s32 s10, s6;
	[sflag:s15] =	ssyncadd.s32 $0xFFFFF000;
	(pc) =	sbr.rel @p0 .LBB2_1-.Ltmp1, $4  }
0x9f: {  	[hbm4b:s31+s2] =	stream.linear.scatter [tilespmem:s21], [sflag:$0x3], $0x1000, $0x38;
	[tilespmem:$0xA400] =	vst v63  }
0xa0: {  	_ =	swait.ge [sflag:s15], $0x1000  }
0xa1: {  	[sflag:s15] =	ssyncset.done $0x0  }
0xa2: {  	[sflag:s15] =	ssyncadd.s32 $0xFFFFF000  }
0xa3: {  	_ =	sfence.sel $0x180000  }
0xa4: {  	[bflag:$0x0] =	sbarrier.arrive $0xFFFF  }
0xa5: {  	_ =	strace $0x9000004A  }
0xa6: {  	s0 =	stileid.u32;
	[bflag:$0x2] =	sbarrier.arrive $0xFFFF  }
0xa7: {  	p0 =	sne.s32 s0, $0x0;
	s0 =	rddreg [dreg:$0x1]  }
0xa8: {  	s0 =	sadd.s32 @!p0 $0x100000, s0  }
0xa9: {  	[sflag:s0] =	ssyncadd.tile.s32 @!p0 $0x1;
	_ =	shalt  }
.Lfunc_end2:
_tile_overlayer_lowered:
.L_overlay_start_2:
0xaa: {  	(tag) =	ssettag $0x2  }
0xab: {  	s0 =	rddreg [dreg:$0x0];
	s2 =	stileid.u32  }
0xac: {  	s1 =	rddreg [dreg:$0x1];
	p0 =	sne.s32 s2, $0x0  }
0xad: {  	s3 =	rddreg [dreg:$0x2];
	[bflag:$0x3] =	sbarrier.arrive $0xFFFF;
	s2 =	simm.s32 @!p0 $0x1C03  }
0xae: {  	[timem:s3], [sflag:s2] =	dma.local @!p0 [hbm:s0], s1  }
0xaf: {  	s0 =	simm.s32 @!p0 $0x3  }
0xb0: {  	_ =	swait.ge @!p0 [sflag:s0], s1  }
0xb1: {  	s1 =	ssub.s32 @!p0 $0x0, s1;
	[sflag:s0] =	ssyncset.done @!p0 $0x0  }
0xb2: {  	[sflag:s0] =	ssyncadd.s32 @!p0 s1  }
0xb3: {  	[bflag:$0x3] =	sbarrier.arrive $0xFFFF  }
0xb4: {  	_ =	shalt  }

// kernel: kernel.8.cloned.1.call-start
scs
__scs_entry_jumppad:
0x0: {  	(pc) =	sbr.rel $0x88, $3  }
0x1: {  	(tag) =	ssettag $0x0;
	lr =	simm.s32 $0x1  }
0x2: {  	[smem:$0x3F91] =	sst lr;
	_ =	strace $0xD0000000  }
0x3: {  	_ = 	snop  }
0x4: {  	_ = 	snop  }
0x5: {  	_ = 	snop  }
0x6: {  	_ = 	snop  }
0x7: {  	_ = 	snop  }
__scs_overlays_trampoline_lowered:
0x8: {  	[smem:$0x3FA0] =	sst s0  }
0x9: {  	[smem:$0x3FA1] =	sst s1  }
0xa: {  	[smem:$0x3FA2] =	sst s2  }
0xb: {  	[smem:$0x3FA3] =	sst s3  }
0xc: {  	[smem:$0x3FA4] =	sst s4  }
0xd: {  	[smem:$0x3FA5] =	sst s5  }
0xe: {  	[smem:$0x3FA6] =	sst s6  }
0xf: {  	[smem:$0x3FA7] =	sst s7  }
0x10: {  	[smem:$0x3FA8] =	sst s8  }
0x11: {  	[smem:$0x3FA9] =	sst s9;
	s0 =	simm.s32 @!p0 $0x0  }
0x12: {  	s1 =	sld [smem:$0x3F8F];
	s0 =	simm.s32 @p0 $0x1  }
0x13: {  	[smem:$0x3FAA] =	sst s0;
	s0 =	simm.s32 @!p1 $0x0  }
0x14: {  	s2 =	sld [smem:$0x3F8E];
	s0 =	simm.s32 @p1 $0x1  }
0x15: {  	[smem:$0x3FAB] =	sst s0;
	s0 =	simm.s32 @!p2 $0x0  }
0x16: {  	s3 =	sld [smem:$0x3FDB];
	s0 =	simm.s32 @p2 $0x1  }
0x17: {  	s4 =	simm.s32 $0x1BF5;
	[smem:$0x3FAD] =	sst s0  }
0x18: {  	s0 =	sld [smem:$0x3F90];
	_ =	swait.ge [sflag:s4], $0x0  }
0x19: {  	s7 =	sld [smem:$0x3F91]  }
0x1a: {  	s8 =	sadd.s32 $0xFFFFE003, lr  }
0x1b: {  	s9 =	sadd.s32 $0xFFFFFEF7, lr;
	s5 =	simm.s32 $0xFFFFFFFF;
	p2 =	slt.u32 s8, $0xFFFFF086  }
0x1c: {  	p1 =	slt.u32 s9, $0xF7A;
	s5 =	simm.s32 @!p2 $0x0  }
0x1d: {  	s5 =	simm.s32 @p1 $0x1;
	p0 =	seq.s32 s7, s2  }
0x1e: {  	s7 =	smul.u32 @!p0 $0xF7A, s2;
	p2 =	seq.s32 @!p0 s5, $0x0  }
0x1f: {  	s9 =	smul.u32 $0xF7A, s1;
	s8 =	simm.s32 @!p0 $0x1BF5;
	p2 =	por !p2, p0  }
0x20: {  	[sflag:s8] =	ssyncset.s32 @!p0 $0xFFFFF086;
	s6 =	sadd.s32 @!p0 s3, s7;
	s7 =	simm.s32 @!p0 $0x108  }
0x21: {  	s3 =	sadd.s32 s3, s9;
	s6 =	sadd.s32 @!p0 $0x88, s6;
	s7 =	simm.s32 @p2 $0x1082  }
0x22: {  	[simem:s7], [sflag:s8] =	dma.local @!p0 [hbm:s6], $0xF7A  }
0x23: {  	s9 =	sor.u32 $0xD0000000, s2;
	s6 =	simm.s32 $0x108;
	_ =	swait.ge @!p0 [sflag:s8], $0x0  }
0x24: {  	s3 =	sadd.s32 $0x88, s3;
	s6 =	simm.s32 @!p1 $0x1082;
	[sflag:s4] =	ssyncset.s32 $0xFFFFF086  }
0x25: {  	[simem:s6], [sflag:s4] =	dma.local [hbm:s3], $0xF7A  }
0x26: {  	[smem:$0x3F91] =	sst s1;
	(tag) =	ssettag s2;
	_ =	strace s9  }
0x27: {  	s1 =	sld [smem:$0x3FA1]  }
0x28: {  	s2 =	sld [smem:$0x3FA2]  }
0x29: {  	s4 =	sld [smem:$0x3FA4]  }
0x2a: {  	p0 =	seq.s32 s5, $0x0;
	s5 =	sld [smem:$0x3FA5]  }
0x2b: {  	s6 =	sld [smem:$0x3FA6]  }
0x2c: {  	s7 =	sld [smem:$0x3FA7]  }
0x2d: {  	s3 =	simm.s32 $0x108;
	s8 =	sld [smem:$0x3FA8]  }
0x2e: {  	s3 =	simm.s32 @!p0 $0x1082;
	s9 =	sld [smem:$0x3FA9]  }
0x2f: {  	lr =	sadd.s32 s0, s3;
	s0 =	sld [smem:$0x3FA0]  }
0x30: {  	s3 =	sld [smem:$0x3FA3]  }
0x31: {  	[smem:$0x3FAC] =	sst s10  }
0x32: {  	s10 =	sld [smem:$0x3FAA];
	_ =	sdelay $0x3  }
0x33: {  	p0 =	seq.s32 s10, $0x1;
	s10 =	sld [smem:$0x3FAC];
	_ =	sdelay $0x3  }
0x34: {  	[smem:$0x3FAC] =	sst s10  }
0x35: {  	s10 =	sld [smem:$0x3FAB];
	_ =	sdelay $0x3  }
0x36: {  	p1 =	seq.s32 s10, $0x1;
	s10 =	sld [smem:$0x3FAC];
	_ =	sdelay $0x3  }
0x37: {  	[smem:$0x3FAC] =	sst s10  }
0x38: {  	s10 =	sld [smem:$0x3FAD]  }
0x39: {  	_ = 	snop;
	(pc) =	sbr.ind lr, $3  }
0x3a: {  	_ = 	snop  }
0x3b: {  	_ = 	snop  }
0x3c: {  	p2 =	seq.s32 s10, $0x1;
	s10 =	sld [smem:$0x3FAC]  }
0x3d: {  	_ =	shalt  }
0x3e: {  	_ =	shalt  }
0x3f: {  	_ =	shalt  }
0x40: {  	_ =	shalt  }
0x41: {  	_ =	shalt  }
0x42: {  	_ =	shalt  }
0x43: {  	_ =	shalt  }
0x44: {  	_ =	shalt  }
0x45: {  	_ =	shalt  }
0x46: {  	_ =	shalt  }
0x47: {  	_ =	shalt  }
0x48: {  	_ =	shalt  }
0x49: {  	_ =	shalt  }
0x4a: {  	_ =	shalt  }
0x4b: {  	_ =	shalt  }
0x4c: {  	_ =	shalt  }
0x4d: {  	_ =	shalt  }
0x4e: {  	_ =	shalt  }
0x4f: {  	_ =	shalt  }
0x50: {  	_ =	shalt  }
0x51: {  	_ =	shalt  }
0x52: {  	_ =	shalt  }
0x53: {  	_ =	shalt  }
0x54: {  	_ =	shalt  }
0x55: {  	_ =	shalt  }
0x56: {  	_ =	shalt  }
0x57: {  	_ =	shalt  }
0x58: {  	_ =	shalt  }
0x59: {  	_ =	shalt  }
0x5a: {  	_ =	shalt  }
0x5b: {  	_ =	shalt  }
0x5c: {  	_ =	shalt  }
0x5d: {  	_ =	shalt  }
0x5e: {  	_ =	shalt  }
0x5f: {  	_ =	shalt  }
0x60: {  	_ =	shalt  }
0x61: {  	_ =	shalt  }
0x62: {  	_ =	shalt  }
0x63: {  	_ =	shalt  }
0x64: {  	_ =	shalt  }
0x65: {  	_ =	shalt  }
0x66: {  	_ =	shalt  }
0x67: {  	_ =	shalt  }
0x68: {  	_ =	shalt  }
0x69: {  	_ =	shalt  }
0x6a: {  	_ =	shalt  }
0x6b: {  	_ =	shalt  }
0x6c: {  	_ =	shalt  }
0x6d: {  	_ =	shalt  }
0x6e: {  	_ =	shalt  }
0x6f: {  	_ =	shalt  }
0x70: {  	_ =	shalt  }
0x71: {  	_ =	shalt  }
0x72: {  	_ =	shalt  }
0x73: {  	_ =	shalt  }
0x74: {  	_ =	shalt  }
0x75: {  	_ =	shalt  }
0x76: {  	_ =	shalt  }
0x77: {  	_ =	shalt  }
0x78: {  	_ =	shalt  }
0x79: {  	_ =	shalt  }
0x7a: {  	_ =	shalt  }
0x7b: {  	_ =	shalt  }
0x7c: {  	_ =	shalt  }
0x7d: {  	_ =	shalt  }
0x7e: {  	_ =	shalt  }
0x7f: {  	_ =	shalt  }
0x80: {  	_ =	shalt  }
0x81: {  	_ =	shalt  }
0x82: {  	_ =	shalt  }
0x83: {  	_ =	shalt  }
0x84: {  	_ =	shalt  }
0x85: {  	_ =	shalt  }
0x86: {  	_ =	shalt  }
0x87: {  	_ =	shalt  }
.Lfunc_end0:
.L_simem_size_0:
called_computation_lowered:
.L_overlay_start_0:
0x88: {  	s2 =	sld [smem:$0x3FD9]  }
0x89: {  	s3 =	sld [smem:$0x3FFE];
	_ =	sdelay $0x1  }
0x8a: {  	s1 =	srdreg.scid  }
0x8b: {  	s0 =	sand.u32 $0x1, s1  }
0x8c: {  	s14 =	sshll.u32 s0, $0xA;
	s2 =	sadd.s32 s3, s2  }
0x8d: {  	s2 =	sadd.s32 s2, s14  }
0x8e: {  	[smem:$0x3FB8] =	sst s2  }
0x8f: {  	_ = 	snop  }
0x90: {  	s2 =	sld [smem:$0x3FD0];
	_ =	sdelay $0x2  }
0x91: {  	s15 =	simm.s32 $0xA;
	s4 =	simm.s32 $0x10  }
0x92: {  	[smem:s4], [sflag:s15] =	dma.local [hbm:s2], $0x1  }
0x93: {  	_ =	swait.eq [sflag:s15], $0x1  }
0x94: {  	[sflag:s15] =	ssyncset.done $0x0  }
0x95: {  	s16 =	sld [smem:$0x10];
	[sflag:s15] =	ssyncadd.s32 $0xFFFFFFFF  }
0x96: {  	s17 =	sld [smem:$0x11];
	(tm) =	ssettm $0x1  }
0x97: {  	s18 =	sld [smem:$0x3FFB];
	_ =	sdelay $0x3  }
0x98: {  	_ =	strace s18  }
0x99: {  	s4 =	sld [smem:$0x3FFC];
	_ =	sdelay $0x3  }
0x9a: {  	_ =	strace s4  }
0x9b: {  	s4 =	sld [smem:$0x3FFD];
	_ =	sdelay $0x3  }
0x9c: {  	_ =	strace s4  }
0x9d: {  	_ =	strace $0x8FFFFFFF  }
0x9e: {  	s19 =	sld [smem:$0x3FDB];
	_ =	sdelay $0x1  }
0x9f: {  	s5 =	simm.s32 $_scs_section_size  }
0xa0: {  	s6 =	simm.s32 $_size__tile_overlayer_lowered;
	s7 =	simm.s32 $_tile_overlayer_lowered  }
0xa1: {  	s22 =	simm.s32 $0x1BFF;
	s21 =	sshll.u32 s7, $0x1;
	s4 =	sadd.s32 s5, s19  }
0xa2: {  	s8 =	simm.s32 $0x0;
	s20 =	sshll.u32 s6, $0x1;
	s6 =	sadd.s32 s21, s4  }
0xa3: {  	[timem:s8], [sflag:s22] =	dma.local [hbm:s6], s20  }
0xa4: {  	_ =	swait.ge [sflag:s22], s20  }
0xa5: {  	s5 =	ssub.s32 $0x0, s20;
	[sflag:s22] =	ssyncset.done $0x0  }
0xa6: {  	[sflag:s22] =	ssyncadd.s32 s5;
	_ =	sdelay $0x1  }
0xa7: {  	s23 =	simm.s32 $0x1B8B  }
0xa8: {  	_ =	swait.ge [sflag:s23], $0x1  }
0xa9: {  	[sflag:s23] =	ssyncset.done $0x0  }
0xaa: {  	s25 =	simm.s32 $0x1B8E;
	s24 =	sld [smem:$0x3FFE];
	[sflag:s23] =	ssyncadd.s32 $0xFFFFFFFF  }
0xab: {  	s26 =	simm.s32 $execute0_lowered;
	[smem:$0x3FD2] =	sst s25  }
0xac: {  	s6 =	sshll.u32 s26, $0x1;
	_ =	strace $0x80000046;
	[dreg:$0x1] =	wrdreg $0xFFFFFFFF  }
0xad: {  	s28 =	simm.s32 $_size_execute0_lowered;
	s4 =	sadd.s32 s4, s6;
	[dreg:$0x0] =	wrdreg $0x0  }
0xae: {  	s6 =	sshll.u32 s28, $0x1;
	[dreg:$0x2] =	wrdreg s4  }
0xaf: {  	[dreg:$0x3] =	wrdreg s6  }
0xb0: {  	[dreg:$0x4] =	wrdreg $0xC0  }
0xb1: {  	_ =	task [dreg:s8], $0x5FFFF  }
0xb2: {  	[dreg:$0x1] =	wrdreg $0xFFFFFFFF  }
0xb3: {  	[dreg:$0x0] =	wrdreg $0x60  }
0xb4: {  	[dreg:$0x2] =	wrdreg s24  }
0xb5: {  	[dreg:$0x3] =	wrdreg s16  }
0xb6: {  	[dreg:$0x4] =	wrdreg s17  }
0xb7: {  	[dreg:$0x5] =	wrdreg $0x0  }
0xb8: {  	[dreg:$0x6] =	wrdreg $0x9  }
0xb9: {  	_ =	task.clear_ibuf [dreg:s8], $0x7FFFF;
	_ =	strace $0x90000046  }
0xba: {  	s29 =	simm.s32 $0x9;
	_ =	strace $0x80000048  }
0xbb: {  	_ =	swait.ge [sflag:s29], $0x1  }
0xbc: {  	[sflag:s29] =	ssyncadd.s32 $0xFFFFFFFF  }
0xbd: {  	_ =	strace $0x90000048  }
0xbe: {  	_ =	sfence  }
0xbf: {  	s30 =	sld [smem:$0x0];
	_ =	sdelay $0x2  }
0xc0: {  	s31 =	sshll.u32 s1, $0xD;
	s1 =	sshrl.u32 s1, $0x2  }
0xc1: {  	s3 =	sand.u32 $0x4000, s31;
	s1 =	sadd.s32 s1, s30  }
0xc2: {  	s0 =	sor.u32 s3, s0;
	s1 =	sshll.u32 s1, $0x11  }
0xc3: {  	s0 =	sor.u32 s1, s0  }
0xc4: {  	s0 =	sadd.s32 $0x8F2B, s0  }
0xc5: {  	[sflag:s0] =	ssyncadd.remote.s32 $0x1  }
0xc6: {  	_ =	sfence.sel $0xFFFF  }
0xc7: {  	[dreg:$0x0] =	wrdreg $0xFFFFFFFF;
	(pc) =	sbr.abs _section_cstart, $3  }
0xc8: {  	[dreg:$0x1] =	wrdreg $0xFFFFFFFF  }
0xc9: {  	_ =	task.clear_ibuf [dreg:s8], $0x2FFFF;
	_ =	strace $0x9FFFFFFF  }
0xca: {  	(tm) =	ssettm $0x7FFFFFFF  }
0xcb: {  	_ =	shalt  }
tec
execute0_lowered:
.L_overlay_start_1:
0x0: {  	(tag) =	ssettag $0x1  }
0x1: {  	s0 =	rddreg [dreg:$0x0]  }
0x2: {  	s1 =	rddreg [dreg:$0x1]  }
0x3: {  	s2 =	rddreg [dreg:$0x2]  }
0x4: {  	s3 =	rddreg [dreg:$0x3]  }
0x5: {  	s24 =	simm.s32 $0x0;
	s4 =	srdreg.scid;
	s13 =	stileid.u32  }
0x6: {  	s14 =	simm.s32 $0x2;
	s15 =	simm.s32 $0x18800;
	s16 =	simm.s32 $0x18A00  }
0x7: {  	s18 =	simm.s32 $0x80;
	s21 =	simm.s32 $0x19200;
	s22 =	simm.s32 $0x18A80  }
0x8: {  	s29 =	simm.s32 $0x1A200;
	s30 =	simm.s32 $0x18B00;
	s23 =	simm.s32 $0x18B80  }
0x9: {  	s17 =	simm.s32 $0x19180;
	s19 =	simm.s32 $0x1C200;
	s20 =	simm.s32 $0x1  }
0xa: {  	[smem:$0x7FF] =	sst s24;
	s5 =	sadd.s32 $0xC8200, s0;
	s6 =	sadd.s32 $0x2400, s0  }
0xb: {  	s8 =	sadd.s32 $0x96200, s0;
	s4 =	sand.u32 $0x1, s4;
	s9 =	sadd.s32 $0x65400, s0  }
0xc: {  	s11 =	smul.u32 $0x18800, s13;
	_ =	strace $0x80000047;
	s10 =	ssub.s32 $0x2, s4  }
0xd: {  	s7 =	smul.u32 $0x31000, s4;
	s4 =	sshll.u32 s4, $0x4;
	s12 =	sshrl.u32 s10, $0x1  }
0xe: {  	s4 =	sor.u32 s13, s4;
	s13 =	smul.u32 $0x62000, s13;
	s26 =	sshrl.u32 s11, $0x3  }
0xf: {  	s11 =	sadd.s32 s11, s3;
	s0 =	sadd.s32 s7, s0;
	s25 =	ssub.s32 s10, s12  }
0x10: {  	s10 =	smul.u32 $0xC800, s4;
	s31 =	sshrl.u32 s11, $0x3;
	s11 =	simm.s32 $0x1B200  }
0x11: {  	s4 =	simm.s32 $0x18980;
	s0 =	sadd.s32 $0xFA200, s0;
	s28 =	sshrl.u32 s13, $0x2  }
0x12: {  	s7 =	smax.u32 s25, $0x1;
	s13 =	simm.s32 $0x1D200;
	[dreg:$0x8] =	wrdreg s31  }
0x13: {  	[dreg:$0x6] =	wrdreg s7;
	s12 =	sadd.s32 s28, s3;
	s0 =	sadd.s32 s26, s0  }
0x14: {  	v0 =	vimm.f32 $0.0e+00;
	s26 =	simm.s32 $0x18880;
	[dreg:$0x7] =	wrdreg s0;
	s0 =	simm.s32 $0x18900  }
.LBB2_1:
0x15: {  	[dreg:$0x5] =	wrdreg s24;
	s7 =	simm.s32 $0x0  }
.LBB2_2:
0x16: {  	p0 =	sne.s32 s7, $0x1B80  }
.Ltmp0:
0x17: {  	_ = 	snop;
	(pc) =	sbr.rel @p0 .LBB2_2-.Ltmp0, $4  }
0x18: {  	_ = 	snop  }
0x19: {  	s24 =	sshra.s32 s7, $0x2  }
0x1a: {  	[tilespmem:s24+$0x1D200] =	vst v0  }
0x1b: {  	s7 =	sadd.s32 $0x80, s7;
	[tilespmem:s24+$0x1D210] =	vst v0  }
0x1c: {  	s7 =	sadd.s32 $0x0, s12  }
0x1d: {  	[spmem:s7] =	stream.linear.scatter [tilespmem:s13], [sflag:$0x2], $0x700, $0x38;
	[tilespmem:$0x1D900] =	vst v63  }
0x1e: {  	s7 =	simm.s32 $0x1C00;
	_ =	swait.ge [sflag:s14], $0x700  }
.LBB2_4:
0x1f: {  	s24 =	sshra.s32 s7, $0x2;
	[sflag:s14] =	ssyncset.done $0x0;
	p0 =	sne.s32 s7, $0x60400  }
.Ltmp1:
0x20: {  	s24 =	sadd.s32 s24, s12;
	[sflag:s14] =	ssyncadd.s32 $0xFFFFF900;
	(pc) =	sbr.rel @p0 .LBB2_4-.Ltmp1, $3  }
0x21: {  	[spmem:s24] =	stream.linear.scatter [tilespmem:s13], [sflag:$0x2], $0x700, $0x38;
	[tilespmem:$0x1D900] =	vst v63  }
0x22: {  	s7 =	sadd.s32 $0x1C00, s7;
	_ =	sdelay $0x1  }
0x23: {  	_ =	swait.ge [sflag:s14], $0x700  }
0x24: {  	[sflag:s14] =	ssyncset.done $0x0  }
0x25: {  	[sflag:s14] =	ssyncadd.s32 $0xFFFFF900  }
0x26: {  	s24 =	simm.s32 $0x0;
	s28 =	simm.s32 $0x0;
	[bflag:$0x0] =	sbarrier.arrive $0xFFFF  }
.LBB2_6:
0x27: {  	s7 =	sshll.u32 s28, $0x9  }
0x28: {  	s7 =	sadd.s32 s10, s7  }
0x29: {  	s7 =	sshrl.u32 s7, $0x3  }
0x2a: {  	s25 =	sadd.s32 s5, s7  }
0x2b: {  	[tilespmem:s15], [sflag:$0x2] =	stream.linear.gather [hbm4b:s25+s24], $0x200, $0x38;
	[tilespmem:$0x1D900] =	vst v63  }
0x2c: {  	_ =	swait.ge [sflag:s14], $0x200  }
0x2d: {  	[sflag:s14] =	ssyncset.done $0x0  }
0x2e: {  	s25 =	sadd.s32 s6, s7;
	[sflag:s14] =	ssyncadd.s32 $0xFFFFFE00  }
0x2f: {  	[tilespmem:s16], [sflag:$0x2] =	stream.linear.gather [hbm4b:s25+s24], $0x200, $0x38;
	[tilespmem:$0x1D900] =	vst v63  }
0x30: {  	_ =	swait.ge [sflag:s14], $0x200  }
0x31: {  	[sflag:s14] =	ssyncset.done $0x0  }
0x32: {  	s7 =	sadd.s32 s8, s7;
	s25 =	simm.s32 $0x18C00;
	[sflag:s14] =	ssyncadd.s32 $0xFFFFFE00  }
0x33: {  	[tilespmem:s25], [sflag:$0x2] =	stream.linear.gather [hbm4b:s7+s24], $0x200, $0x38;
	[tilespmem:$0x1D900] =	vst v63  }
0x34: {  	_ =	swait.ge [sflag:s14], $0x200  }
0x35: {  	[sflag:s14] =	ssyncset.done $0x0  }
0x36: {  	s25 =	simm.s32 $0x18E00;
	[sflag:s14] =	ssyncadd.s32 $0xFFFFFE00  }
0x37: {  	[tilespmem:s25], [sflag:$0x1] =	stream.indirect.gather [hbm4b:s1+s18], $0x1, s16, s18, $0xb8;
	[tilespmem:$0x1D900] =	vst v63  }
0x38: {  	s25 =	simm.s32 $0x19000  }
0x39: {  	[tilespmem:s25], [sflag:$0x1] =	stream.indirect.gather [hbm4b:s2+s18], $0x1, s15, s18, $0xb8;
	[tilespmem:$0x1D900] =	vst v63  }
0x3a: {  	_ = 	snop  }
0x3b: {  	[tilespmem:s21], [sflag:$0x1] =	stream.indirect.gather [hbm4b:s9+s18], $0x20, s15, s18, $0xb8;
	[tilespmem:$0x1D900] =	vst v63  }
0x3c: {  	s25 =	simm.s32 $0x18E80  }
0x3d: {  	[tilespmem:s25], [sflag:$0x1] =	stream.indirect.gather [hbm4b:s1+s18], $0x1, s22, s18, $0xb8;
	[tilespmem:$0x1D900] =	vst v63  }
0x3e: {  	s25 =	simm.s32 $0x19080  }
0x3f: {  	[tilespmem:s25], [sflag:$0x1] =	stream.indirect.gather [hbm4b:s2+s18], $0x1, s26, s18, $0xb8;
	[tilespmem:$0x1D900] =	vst v63  }
0x40: {  	_ = 	snop  }
0x41: {  	[tilespmem:s29], [sflag:$0x1] =	stream.indirect.gather [hbm4b:s9+s18], $0x20, s26, s18, $0xb8;
	[tilespmem:$0x1D900] =	vst v63  }
0x42: {  	s25 =	simm.s32 $0x18F00  }
0x43: {  	[tilespmem:s25], [sflag:$0x1] =	stream.indirect.gather [hbm4b:s1+s18], $0x1, s30, s18, $0xb8;
	[tilespmem:$0x1D900] =	vst v63  }
0x44: {  	s25 =	simm.s32 $0x19100  }
0x45: {  	[tilespmem:s25], [sflag:$0x1] =	stream.indirect.gather [hbm4b:s2+s18], $0x1, s0, s18, $0xb8;
	[tilespmem:$0x1D900] =	vst v63  }
0x46: {  	_ = 	snop  }
0x47: {  	[tilespmem:s11], [sflag:$0x1] =	stream.indirect.gather [hbm4b:s9+s18], $0x20, s0, s18, $0xb8;
	[tilespmem:$0x1D900] =	vst v63  }
0x48: {  	s25 =	simm.s32 $0x18F80  }
0x49: {  	[tilespmem:s25], [sflag:$0x1] =	stream.indirect.gather [hbm4b:s1+s18], $0x1, s23, s18, $0xb8;
	[tilespmem:$0x1D900] =	vst v63  }
0x4a: {  	_ = 	snop  }
0x4b: {  	[tilespmem:s17], [sflag:$0x1] =	stream.indirect.gather [hbm4b:s2+s18], $0x1, s4, s18, $0xb8;
	[tilespmem:$0x1D900] =	vst v63  }
0x4c: {  	_ = 	snop  }
0x4d: {  	[tilespmem:s19], [sflag:$0x1] =	stream.indirect.gather [hbm4b:s9+s18], $0x20, s4, s18, $0xb8;
	[tilespmem:$0x1D900] =	vst v63  }
0x4e: {  	_ =	swait.ge [sflag:s20], $0x80  }
0x4f: {  	[sflag:s20] =	ssyncset.done $0x0  }
0x50: {  	[sflag:s20] =	ssyncadd.s32 $0xFFFFFF80  }
0x51: {  	_ =	swait.ge [sflag:s20], $0x80  }
0x52: {  	[sflag:s20] =	ssyncset.done $0x0  }
0x53: {  	[sflag:s20] =	ssyncadd.s32 $0xFFFFFF80  }
0x54: {  	_ =	swait.ge [sflag:s20], $0x1000  }
0x55: {  	[sflag:s20] =	ssyncset.done $0x0  }
0x56: {  	[sflag:s20] =	ssyncadd.s32 $0xFFFFF000  }
0x57: {  	_ =	swait.ge [sflag:s20], $0x80  }
0x58: {  	[sflag:s20] =	ssyncset.done $0x0  }
0x59: {  	[sflag:s20] =	ssyncadd.s32 $0xFFFFFF80  }
0x5a: {  	_ =	swait.ge [sflag:s20], $0x80  }
0x5b: {  	[sflag:s20] =	ssyncset.done $0x0  }
0x5c: {  	[sflag:s20] =	ssyncadd.s32 $0xFFFFFF80  }
0x5d: {  	_ =	swait.ge [sflag:s20], $0x1000  }
0x5e: {  	[sflag:s20] =	ssyncset.done $0x0  }
0x5f: {  	[sflag:s20] =	ssyncadd.s32 $0xFFFFF000  }
0x60: {  	_ =	swait.ge [sflag:s20], $0x80  }
0x61: {  	[sflag:s20] =	ssyncset.done $0x0  }
0x62: {  	[sflag:s20] =	ssyncadd.s32 $0xFFFFFF80  }
0x63: {  	_ =	swait.ge [sflag:s20], $0x80  }
0x64: {  	[sflag:s20] =	ssyncset.done $0x0  }
0x65: {  	[sflag:s20] =	ssyncadd.s32 $0xFFFFFF80  }
0x66: {  	_ =	swait.ge [sflag:s20], $0x1000  }
0x67: {  	[sflag:s20] =	ssyncset.done $0x0  }
0x68: {  	[sflag:s20] =	ssyncadd.s32 $0xFFFFF000  }
0x69: {  	_ =	swait.ge [sflag:s20], $0x80  }
0x6a: {  	[sflag:s20] =	ssyncset.done $0x0  }
0x6b: {  	[sflag:s20] =	ssyncadd.s32 $0xFFFFFF80  }
0x6c: {  	_ =	swait.ge [sflag:s20], $0x80  }
0x6d: {  	[sflag:s20] =	ssyncset.done $0x0  }
0x6e: {  	[sflag:s20] =	ssyncadd.s32 $0xFFFFFF80  }
0x6f: {  	_ =	swait.ge [sflag:s20], $0x1000  }
0x70: {  	[sflag:s20] =	ssyncset.done $0x0  }
0x71: {  	s25 =	simm.s32 $0x0;
	[sflag:s20] =	ssyncadd.s32 $0xFFFFF000  }
0x72: {  	v1 =	vld [tilespmem:s25+$0x18E00]  }
0x73: {  	v2 =	vld [tilespmem:s25+$0x18C00];
	_ =	sdelay $0x1  }
0x74: {  	v3 =	vld [tilespmem:s25+$0x19000];
	_ =	sdelay $0x2  }
0x75: {  	v1 =	vadd.f32 v1, v2;
	_ =	sdelay $0x1  }
0x76: {  	v1 =	vadd.f32 v3, v1;
	_ =	sdelay $0x1  }
0x77: {  	v2 =	vmul.f32 $2.000000030e-01, v1;
	_ =	sdelay $0x1  }
0x78: {  	v1 =	vmax.f32 v1, v2  }
0x79: {  	v1 =	vmul.f32 $1.442695020e+00, v1;
	_ =	sdelay $0x1  }
0x7a: {  	(erf) = vpow2.f32 v1;
	_ =	sdelay $0x5  }
0x7b: {  	s31 =	simm.s32 $0x19300  }
0x7c: {  	v1 =	vld [tilespmem:s31+$0xF0]  }
0x7d: {  	v2 =	vld [tilespmem:s31+$0xE0]  }
0x7e: {  	v3 =	vld [tilespmem:s31+$0xD0];
	v4 =	vpop (erf)  }
0x7f: {  	v5 =	vld [tilespmem:s31+$0xC0];
	v6 =	vbroadcast v4, $0xF  }
0x80: {  	v7 =	vld [tilespmem:s31+$0xB0]  }
0x81: {  	v8 =	vld [tilespmem:s31+$0xA0];
	v9 =	vbroadcast v4, $0xE;
	v1 =	vmul.f32 v1, v6  }
0x82: {  	v10 =	vld [tilespmem:s31+$0x90];
	v2 =	vmul.f32 v2, v6  }
0x83: {  	v35 =	vld [tilespmem:s31+$0x80];
	v11 =	vbroadcast v4, $0xD;
	v3 =	vmul.f32 v3, v9;
	[tilespmem:s31+$0xF0] =	vst v1  }
0x84: {  	v57 =	vld [tilespmem:s31+$0xFFFFFF30];
	v5 =	vmul.f32 v5, v9;
	[tilespmem:s31+$0xE0] =	vst v2  }
0x85: {  	v37 =	vld [tilespmem:s31+$0x40];
	v36 =	vbroadcast v4, $0xC;
	v7 =	vmul.f32 v7, v11;
	[tilespmem:s31+$0xD0] =	vst v3  }
0x86: {  	v39 =	vld [tilespmem:s31+$0x30];
	v8 =	vmul.f32 v8, v11;
	[tilespmem:s31+$0xC0] =	vst v5  }
0x87: {  	v62 =	vbroadcast v4, $0x1;
	v10 =	vmul.f32 v10, v36;
	v1 =	vld [tilespmem:s31+$0x70];
	[tilespmem:s31+$0xB0] =	vst v7  }
0x88: {  	v41 =	vbroadcast v4, $0xA;
	v6 =	vmul.f32 v35, v36;
	v2 =	vld [tilespmem:s31+$0x60];
	[tilespmem:s31+$0xA0] =	vst v8  }
0x89: {  	v44 =	vbroadcast v4, $0x9;
	v63 =	vmul.f32 v57, v62;
	v3 =	vld [tilespmem:s31+$0x50];
	[tilespmem:s31+$0x90] =	vst v10  }
0x8a: {  	v40 =	vld [tilespmem:s31+$0x20];
	v38 =	vbroadcast v4, $0xB;
	[tilespmem:s31+$0x80] =	vst v6;
	v5 =	vmul.f32 v37, v41  }
0x8b: {  	v42 =	vld [tilespmem:s31+$0x10];
	v7 =	vmul.f32 v39, v44;
	[tilespmem:s31+$0xFFFFFF30] =	vst v63  }
0x8c: {  	v43 =	vld [tilespmem:s31+$0x0];
	[tilespmem:s31+$0x40] =	vst v5;
	v1 =	vmul.f32 v1, v38  }
0x8d: {  	v46 =	vld [tilespmem:s31+$0xFFFFFFC0];
	[tilespmem:s31+$0x30] =	vst v7;
	v2 =	vmul.f32 v2, v38  }
0x8e: {  	v45 =	vbroadcast v4, $0x8;
	v3 =	vmul.f32 v3, v41;
	[tilespmem:s31+$0x70] =	vst v1;
	v1 =	vld [tilespmem:s31+$0xFFFFFFF0]  }
0x8f: {  	v8 =	vmul.f32 v40, v44;
	[tilespmem:s31+$0x60] =	vst v2;
	v2 =	vld [tilespmem:s31+$0xFFFFFFE0]  }
0x90: {  	v50 =	vbroadcast v4, $0x6;
	v10 =	vmul.f32 v42, v45;
	[tilespmem:s31+$0x50] =	vst v3;
	v3 =	vld [tilespmem:s31+$0xFFFFFFD0]  }
0x91: {  	v48 =	vld [tilespmem:s31+$0xFFFFFFB0];
	v47 =	vbroadcast v4, $0x7;
	v6 =	vmul.f32 v43, v45;
	[tilespmem:s31+$0x20] =	vst v8  }
0x92: {  	v49 =	vld [tilespmem:s31+$0xFFFFFFA0];
	[tilespmem:s31+$0x10] =	vst v10;
	v5 =	vmul.f32 v46, v50  }
0x93: {  	v51 =	vld [tilespmem:s31+$0xFFFFFF90];
	[tilespmem:s31+$0x0] =	vst v6;
	v1 =	vmul.f32 v1, v47  }
0x94: {  	v52 =	vld [tilespmem:s31+$0xFFFFFF80];
	v53 =	vbroadcast v4, $0x5;
	[tilespmem:s31+$0xFFFFFFC0] =	vst v5;
	v2 =	vmul.f32 v2, v47  }
0x95: {  	v3 =	vmul.f32 v3, v50;
	[tilespmem:s31+$0xFFFFFFF0] =	vst v1;
	v1 =	vld [tilespmem:s31+$0xFFFFFF70]  }
0x96: {  	v54 =	vbroadcast v4, $0x4;
	v7 =	vmul.f32 v48, v53;
	[tilespmem:s31+$0xFFFFFFE0] =	vst v2;
	v2 =	vld [tilespmem:s31+$0xFFFFFF60]  }
0x97: {  	v8 =	vmul.f32 v49, v53;
	[tilespmem:s31+$0xFFFFFFD0] =	vst v3;
	v3 =	vld [tilespmem:s31+$0xFFFFFF50]  }
0x98: {  	v55 =	vld [tilespmem:s31+$0xFFFFFF40];
	v56 =	vbroadcast v4, $0x3;
	v10 =	vmul.f32 v51, v54;
	[tilespmem:s31+$0xFFFFFFB0] =	vst v7  }
0x99: {  	v58 =	vld [tilespmem:s31+$0xFFFFFF20];
	v6 =	vmul.f32 v52, v54;
	[tilespmem:s31+$0xFFFFFFA0] =	vst v8  }
0x9a: {  	v60 =	vld [tilespmem:s31+$0xFFFFFF10];
	v59 =	vbroadcast v4, $0x2;
	[tilespmem:s31+$0xFFFFFF90] =	vst v10;
	v1 =	vmul.f32 v1, v56  }
0x9b: {  	v61 =	vld [tilespmem:s31+$0xFFFFFF00];
	[tilespmem:s31+$0xFFFFFF80] =	vst v6;
	v2 =	vmul.f32 v2, v56  }
0x9c: {  	v3 =	vmul.f32 v3, v59;
	[tilespmem:s31+$0xFFFFFF70] =	vst v1  }
0x9d: {  	v1 =	vmul.f32 v55, v59;
	[tilespmem:s31+$0xFFFFFF60] =	vst v2;
	v2 =	vbroadcast v4, $0x0  }
0x9e: {  	[tilespmem:s31+$0xFFFFFF50] =	vst v3;
	v3 =	vmul.f32 v62, v58  }
0x9f: {  	[tilespmem:s31+$0xFFFFFF40] =	vst v1;
	v1 =	vmul.f32 v2, v60  }
0xa0: {  	v2 =	vmul.f32 v2, v61;
	[tilespmem:s31+$0xFFFFFF20] =	vst v3  }
0xa1: {  	[tilespmem:s31+$0xFFFFFF10] =	vst v1  }
0xa2: {  	s25 =	simm.s32 $0x10;
	[tilespmem:s31+$0xFFFFFF00] =	vst v2  }
0xa3: {  	s7 =	simm.s32 $0x80;
	v1 =	vld [tilespmem:s25+$0x18E00]  }
.LBB2_7:
0xa4: {  	p0 =	sne.s32 s7, $0x7C0;
	v2 =	vld [tilespmem:s25+$0x18C00]  }
0xa5: {  	v3 =	vld [tilespmem:s25+$0x19000];
	_ =	sdelay $0x3  }
0xa6: {  	v1 =	vadd.f32 v1, v2;
	_ =	sdelay $0x1  }
0xa7: {  	v1 =	vadd.f32 v3, v1;
	_ =	sdelay $0x1  }
0xa8: {  	v2 =	vmul.f32 $2.000000030e-01, v1  }
0xa9: {  	s31 =	sadd.s32 $0x200, s31  }
0xaa: {  	v1 =	vmax.f32 v1, v2;
	v2 =	vld [tilespmem:s31+$0xFFFFFFF0]  }
0xab: {  	v1 =	vmul.f32 $1.442695020e+00, v1;
	v3 =	vld [tilespmem:s31+$0xF0]  }
0xac: {  	v4 =	vld [tilespmem:s31+$0xE0]  }
0xad: {  	v5 =	vld [tilespmem:s31+$0xD0];
	(erf) = vpow2.f32 v1  }
0xae: {  	v1 =	vld [tilespmem:s31+$0xC0]  }
0xaf: {  	v6 =	vld [tilespmem:s31+$0xB0]  }
0xb0: {  	v7 =	vld [tilespmem:s31+$0xA0]  }
0xb1: {  	v8 =	vld [tilespmem:s31+$0x90]  }
0xb2: {  	v9 =	vld [tilespmem:s31+$0x80]  }
0xb3: {  	v10 =	vld [tilespmem:s31+$0x70]  }
0xb4: {  	v11 =	vld [tilespmem:s31+$0x60]  }
0xb5: {  	v12 =	vld [tilespmem:s31+$0x50]  }
0xb6: {  	v13 =	vld [tilespmem:s31+$0x40];
	v14 =	vpop (erf)  }
0xb7: {  	v15 =	vld [tilespmem:s31+$0x30];
	v16 =	vbroadcast v14, $0xE;
	v17 =	vbroadcast v14, $0xF  }
0xb8: {  	v19 =	vbroadcast v14, $0xC;
	v20 =	vbroadcast v14, $0xD;
	v18 =	vld [tilespmem:s31+$0x20]  }
0xb9: {  	v21 =	vld [tilespmem:s31+$0x10];
	v4 =	vmul.f32 v4, v17;
	v3 =	vmul.f32 v3, v17  }
0xba: {  	v1 =	vmul.f32 v1, v16;
	v5 =	vmul.f32 v5, v16;
	v17 =	vld [tilespmem:s31+$0x0]  }
0xbb: {  	v7 =	vmul.f32 v7, v20;
	v6 =	vmul.f32 v6, v20;
	v16 =	vld [tilespmem:s31+$0xFFFFFFE0];
	[tilespmem:s31+$0xF0] =	vst v3  }
0xbc: {  	v9 =	vmul.f32 v9, v19;
	v8 =	vmul.f32 v8, v19;
	v3 =	vld [tilespmem:s31+$0xFFFFFFD0];
	[tilespmem:s31+$0xE0] =	vst v4  }
0xbd: {  	v19 =	vbroadcast v14, $0xA;
	v20 =	vbroadcast v14, $0xB;
	v4 =	vld [tilespmem:s31+$0xFFFFFFC0];
	[tilespmem:s31+$0xD0] =	vst v5  }
0xbe: {  	v22 =	vbroadcast v14, $0x8;
	v23 =	vbroadcast v14, $0x9;
	v5 =	vld [tilespmem:s31+$0xFFFFFFB0];
	[tilespmem:s31+$0xC0] =	vst v1  }
0xbf: {  	v11 =	vmul.f32 v11, v20;
	v10 =	vmul.f32 v10, v20;
	v1 =	vld [tilespmem:s31+$0xFFFFFFA0];
	[tilespmem:s31+$0xB0] =	vst v6  }
0xc0: {  	v13 =	vmul.f32 v13, v19;
	v12 =	vmul.f32 v12, v19;
	v6 =	vld [tilespmem:s31+$0xFFFFFF90];
	[tilespmem:s31+$0xA0] =	vst v7  }
0xc1: {  	v15 =	vmul.f32 v15, v23;
	v18 =	vmul.f32 v18, v23;
	v7 =	vld [tilespmem:s31+$0xFFFFFF80];
	[tilespmem:s31+$0x90] =	vst v8  }
0xc2: {  	v19 =	vmul.f32 v21, v22;
	v17 =	vmul.f32 v17, v22;
	v8 =	vld [tilespmem:s31+$0xFFFFFF70];
	[tilespmem:s31+$0x80] =	vst v9  }
0xc3: {  	v20 =	vbroadcast v14, $0x6;
	v21 =	vbroadcast v14, $0x7;
	v9 =	vld [tilespmem:s31+$0xFFFFFF60];
	[tilespmem:s31+$0x70] =	vst v10  }
0xc4: {  	v23 =	vbroadcast v14, $0x5;
	v22 =	vbroadcast v14, $0x4;
	v10 =	vld [tilespmem:s31+$0xFFFFFF50];
	[tilespmem:s31+$0x60] =	vst v11  }
0xc5: {  	v16 =	vmul.f32 v16, v21;
	v2 =	vmul.f32 v2, v21;
	v11 =	vld [tilespmem:s31+$0xFFFFFF40];
	[tilespmem:s31+$0x50] =	vst v12  }
0xc6: {  	v3 =	vmul.f32 v3, v20;
	v4 =	vmul.f32 v4, v20;
	v12 =	vld [tilespmem:s31+$0xFFFFFF30];
	[tilespmem:s31+$0x40] =	vst v13  }
0xc7: {  	v5 =	vmul.f32 v5, v23;
	v1 =	vmul.f32 v1, v23;
	v13 =	vld [tilespmem:s31+$0xFFFFFF20];
	[tilespmem:s31+$0x30] =	vst v15  }
0xc8: {  	v6 =	vmul.f32 v6, v22;
	v7 =	vmul.f32 v7, v22;
	v15 =	vld [tilespmem:s31+$0xFFFFFF10];
	[tilespmem:s31+$0x20] =	vst v18  }
0xc9: {  	v21 =	vbroadcast v14, $0x3;
	v20 =	vbroadcast v14, $0x2;
	v18 =	vld [tilespmem:s31+$0xFFFFFF00];
	[tilespmem:s31+$0x10] =	vst v19  }
0xca: {  	v19 =	vbroadcast v14, $0x0;
	v14 =	vbroadcast v14, $0x1;
	[tilespmem:s31+$0x0] =	vst v17  }
0xcb: {  	v8 =	vmul.f32 v8, v21;
	v9 =	vmul.f32 v9, v21;
	[tilespmem:s31+$0xFFFFFFF0] =	vst v2  }
0xcc: {  	v10 =	vmul.f32 v10, v20;
	v2 =	vmul.f32 v11, v20;
	[tilespmem:s31+$0xFFFFFFE0] =	vst v16  }
0xcd: {  	v12 =	vmul.f32 v12, v14;
	v11 =	vmul.f32 v14, v13;
	[tilespmem:s31+$0xFFFFFFD0] =	vst v3  }
0xce: {  	v13 =	vmul.f32 v19, v15;
	v3 =	vmul.f32 v19, v18;
	[tilespmem:s31+$0xFFFFFFC0] =	vst v4  }
0xcf: {  	[tilespmem:s31+$0xFFFFFFB0] =	vst v5  }
0xd0: {  	[tilespmem:s31+$0xFFFFFFA0] =	vst v1  }
0xd1: {  	[tilespmem:s31+$0xFFFFFF90] =	vst v6  }
0xd2: {  	[tilespmem:s31+$0xFFFFFF80] =	vst v7  }
0xd3: {  	[tilespmem:s31+$0xFFFFFF70] =	vst v8  }
0xd4: {  	[tilespmem:s31+$0xFFFFFF60] =	vst v9  }
0xd5: {  	[tilespmem:s31+$0xFFFFFF50] =	vst v10  }
0xd6: {  	[tilespmem:s31+$0xFFFFFF40] =	vst v2  }
.Ltmp2:
0xd7: {  	[tilespmem:s31+$0xFFFFFF30] =	vst v12;
	(pc) =	sbr.rel @p0 .LBB2_7-.Ltmp2, $4  }
0xd8: {  	[tilespmem:s31+$0xFFFFFF20] =	vst v11  }
0xd9: {  	[tilespmem:s31+$0xFFFFFF10] =	vst v13  }
0xda: {  	s25 =	sshra.s32 s7, $0x2;
	[tilespmem:s31+$0xFFFFFF00] =	vst v3  }
0xdb: {  	s7 =	sadd.s32 $0x40, s7;
	v1 =	vld [tilespmem:s25+$0x18E00]  }
0xdc: {  	v2 =	vld [tilespmem:s25+$0x18C00];
	_ =	sdelay $0x1  }
0xdd: {  	v3 =	vld [tilespmem:s25+$0x19000];
	_ =	sdelay $0x2  }
0xde: {  	v1 =	vadd.f32 v1, v2;
	_ =	sdelay $0x1  }
0xdf: {  	v1 =	vadd.f32 v3, v1;
	_ =	sdelay $0x1  }
0xe0: {  	v2 =	vmul.f32 $2.000000030e-01, v1;
	_ =	sdelay $0x1  }
0xe1: {  	v1 =	vmax.f32 v1, v2  }
0xe2: {  	v1 =	vmul.f32 $1.442695020e+00, v1;
	_ =	sdelay $0x1  }
0xe3: {  	(erf) = vpow2.f32 v1;
	_ =	sdelay $0x5  }
0xe4: {  	s7 =	sadd.s32 $0x200, s31  }
0xe5: {  	v1 =	vld [tilespmem:s7+$0xF0]  }
0xe6: {  	v2 =	vld [tilespmem:s7+$0xE0]  }
0xe7: {  	v3 =	vld [tilespmem:s7+$0xD0];
	v4 =	vpop (erf)  }
0xe8: {  	v5 =	vld [tilespmem:s7+$0xC0];
	v6 =	vbroadcast v4, $0xF  }
0xe9: {  	v7 =	vld [tilespmem:s7+$0xB0]  }
0xea: {  	v8 =	vld [tilespmem:s7+$0xA0];
	v9 =	vbroadcast v4, $0xE;
	v1 =	vmul.f32 v1, v6  }
0xeb: {  	v10 =	vld [tilespmem:s7+$0x90];
	v2 =	vmul.f32 v2, v6  }
0xec: {  	v35 =	vld [tilespmem:s7+$0x80];
	v11 =	vbroadcast v4, $0xD;
	v3 =	vmul.f32 v3, v9;
	[tilespmem:s7+$0xF0] =	vst v1  }
0xed: {  	v57 =	vld [tilespmem:s7+$0xFFFFFF30];
	v5 =	vmul.f32 v5, v9;
	[tilespmem:s7+$0xE0] =	vst v2  }
0xee: {  	v37 =	vld [tilespmem:s7+$0x40];
	v36 =	vbroadcast v4, $0xC;
	v7 =	vmul.f32 v7, v11;
	[tilespmem:s7+$0xD0] =	vst v3  }
0xef: {  	v39 =	vld [tilespmem:s7+$0x30];
	v8 =	vmul.f32 v8, v11;
	[tilespmem:s7+$0xC0] =	vst v5  }
0xf0: {  	v62 =	vbroadcast v4, $0x1;
	v10 =	vmul.f32 v10, v36;
	v1 =	vld [tilespmem:s7+$0x70];
	[tilespmem:s7+$0xB0] =	vst v7  }
0xf1: {  	v41 =	vbroadcast v4, $0xA;
	v6 =	vmul.f32 v35, v36;
	v2 =	vld [tilespmem:s7+$0x60];
	[tilespmem:s7+$0xA0] =	vst v8  }
0xf2: {  	v44 =	vbroadcast v4, $0x9;
	v63 =	vmul.f32 v57, v62;
	v3 =	vld [tilespmem:s7+$0x50];
	[tilespmem:s7+$0x90] =	vst v10  }
0xf3: {  	v40 =	vld [tilespmem:s7+$0x20];
	v38 =	vbroadcast v4, $0xB;
	[tilespmem:s7+$0x80] =	vst v6;
	v5 =	vmul.f32 v37, v41  }
0xf4: {  	v42 =	vld [tilespmem:s7+$0x10];
	v7 =	vmul.f32 v39, v44;
	[tilespmem:s7+$0xFFFFFF30] =	vst v63  }
0xf5: {  	v43 =	vld [tilespmem:s7+$0x0];
	[tilespmem:s7+$0x40] =	vst v5;
	v1 =	vmul.f32 v1, v38  }
0xf6: {  	v46 =	vld [tilespmem:s7+$0xFFFFFFC0];
	[tilespmem:s7+$0x30] =	vst v7;
	v2 =	vmul.f32 v2, v38  }
0xf7: {  	v45 =	vbroadcast v4, $0x8;
	v3 =	vmul.f32 v3, v41;
	[tilespmem:s7+$0x70] =	vst v1;
	v1 =	vld [tilespmem:s7+$0xFFFFFFF0]  }
0xf8: {  	v8 =	vmul.f32 v40, v44;
	[tilespmem:s7+$0x60] =	vst v2;
	v2 =	vld [tilespmem:s7+$0xFFFFFFE0]  }
0xf9: {  	v50 =	vbroadcast v4, $0x6;
	v10 =	vmul.f32 v42, v45;
	[tilespmem:s7+$0x50] =	vst v3;
	v3 =	vld [tilespmem:s7+$0xFFFFFFD0]  }
0xfa: {  	v48 =	vld [tilespmem:s7+$0xFFFFFFB0];
	v47 =	vbroadcast v4, $0x7;
	v6 =	vmul.f32 v43, v45;
	[tilespmem:s7+$0x20] =	vst v8  }
0xfb: {  	v49 =	vld [tilespmem:s7+$0xFFFFFFA0];
	[tilespmem:s7+$0x10] =	vst v10;
	v5 =	vmul.f32 v46, v50  }
0xfc: {  	v51 =	vld [tilespmem:s7+$0xFFFFFF90];
	[tilespmem:s7+$0x0] =	vst v6;
	v1 =	vmul.f32 v1, v47  }
0xfd: {  	v52 =	vld [tilespmem:s7+$0xFFFFFF80];
	v53 =	vbroadcast v4, $0x5;
	[tilespmem:s7+$0xFFFFFFC0] =	vst v5;
	v2 =	vmul.f32 v2, v47  }
0xfe: {  	v3 =	vmul.f32 v3, v50;
	[tilespmem:s7+$0xFFFFFFF0] =	vst v1;
	v1 =	vld [tilespmem:s7+$0xFFFFFF70]  }
0xff: {  	v54 =	vbroadcast v4, $0x4;
	v7 =	vmul.f32 v48, v53;
	[tilespmem:s7+$0xFFFFFFE0] =	vst v2;
	v2 =	vld [tilespmem:s7+$0xFFFFFF60]  }
0x100: {  	v8 =	vmul.f32 v49, v53;
	[tilespmem:s7+$0xFFFFFFD0] =	vst v3;
	v3 =	vld [tilespmem:s7+$0xFFFFFF50]  }
0x101: {  	v55 =	vld [tilespmem:s7+$0xFFFFFF40];
	v56 =	vbroadcast v4, $0x3;
	v10 =	vmul.f32 v51, v54;
	[tilespmem:s7+$0xFFFFFFB0] =	vst v7  }
0x102: {  	v58 =	vld [tilespmem:s7+$0xFFFFFF20];
	v6 =	vmul.f32 v52, v54;
	[tilespmem:s7+$0xFFFFFFA0] =	vst v8  }
0x103: {  	v60 =	vld [tilespmem:s7+$0xFFFFFF10];
	v59 =	vbroadcast v4, $0x2;
	[tilespmem:s7+$0xFFFFFF90] =	vst v10;
	v1 =	vmul.f32 v1, v56  }
0x104: {  	v61 =	vld [tilespmem:s7+$0xFFFFFF00];
	[tilespmem:s7+$0xFFFFFF80] =	vst v6;
	v2 =	vmul.f32 v2, v56  }
0x105: {  	v3 =	vmul.f32 v3, v59;
	[tilespmem:s7+$0xFFFFFF70] =	vst v1  }
0x106: {  	v1 =	vmul.f32 v55, v59;
	[tilespmem:s7+$0xFFFFFF60] =	vst v2;
	v2 =	vbroadcast v4, $0x0  }
0x107: {  	[tilespmem:s7+$0xFFFFFF50] =	vst v3;
	v3 =	vmul.f32 v62, v58  }
0x108: {  	[tilespmem:s7+$0xFFFFFF40] =	vst v1;
	v1 =	vmul.f32 v2, v60  }
0x109: {  	v2 =	vmul.f32 v2, v61;
	[tilespmem:s7+$0xFFFFFF20] =	vst v3  }
0x10a: {  	[tilespmem:s7+$0xFFFFFF10] =	vst v1  }
0x10b: {  	[tilespmem:s7+$0xFFFFFF00] =	vst v2  }
0x10c: {  	[spmem:s3] =	stream.indirect.scatter.add.f32 [tilespmem:s21], [sflag:$0x2], $0x20, s16, s18, $0xb8;
	[tilespmem:$0x1D900] =	vst v63  }
0x10d: {  	_ =	swait.ge [sflag:s14], $0x1000  }
0x10e: {  	[sflag:s14] =	ssyncset.done $0x0  }
0x10f: {  	[sflag:s14] =	ssyncadd.s32 $0xFFFFF000  }
0x110: {  	[spmem:s3] =	stream.indirect.scatter.add.f32 [tilespmem:s29], [sflag:$0x2], $0x20, s22, s18, $0xb8;
	[tilespmem:$0x1D900] =	vst v63  }
0x111: {  	_ =	swait.ge [sflag:s14], $0x1000  }
0x112: {  	[sflag:s14] =	ssyncset.done $0x0  }
0x113: {  	[sflag:s14] =	ssyncadd.s32 $0xFFFFF000  }
0x114: {  	[spmem:s3] =	stream.indirect.scatter.add.f32 [tilespmem:s11], [sflag:$0x2], $0x20, s30, s18, $0xb8;
	[tilespmem:$0x1D900] =	vst v63  }
0x115: {  	s28 =	sadd.s32 $0x1, s28;
	_ =	swait.ge [sflag:s14], $0x1000  }
0x116: {  	p0 =	sne.s32 s28, $0x64;
	[sflag:s14] =	ssyncset.done $0x0  }
.Ltmp3:
0x117: {  	[sflag:s14] =	ssyncadd.s32 $0xFFFFF000;
	(pc) =	sbr.rel @p0 .LBB2_6-.Ltmp3, $4  }
0x118: {  	[spmem:s3] =	stream.indirect.scatter.add.f32 [tilespmem:s19], [sflag:$0x2], $0x20, s23, s18, $0xb8;
	[tilespmem:$0x1D900] =	vst v63  }
0x119: {  	_ =	swait.ge [sflag:s14], $0x1000  }
0x11a: {  	[sflag:s14] =	ssyncset.done $0x0  }
0x11b: {  	[sflag:s14] =	ssyncadd.s32 $0xFFFFF000  }
0x11c: {  	s7 =	stileid.u32;
	[bflag:$0x0] =	sbarrier.arrive $0xFFFF  }
0x11d: {  	s7 =	sshll.u32 s7, $0x6;
	s24 =	rddreg [dreg:$0x7]  }
0x11e: {  	s25 =	rddreg [dreg:$0x8];
	s7 =	sor.u32 $0x1C02, s7  }
0x11f: {  	[hbm:s24], [sflag:s7] =	dma.local [spmem:s25], $0x3100  }
0x120: {  	_ =	swait.ge [sflag:s14], $0x3100  }
0x121: {  	s28 =	rddreg [dreg:$0x5]  }
0x122: {  	s31 =	rddreg [dreg:$0x6];
	s24 =	sadd.s32 $0x1, s28  }
0x123: {  	p0 =	sne.s32 s24, s31  }
.Ltmp4:
0x124: {  	_ = 	snop;
	(pc) =	sbr.rel @p0 .LBB2_1-.Ltmp4, $3  }
0x125: {  	_ =	sdelay $0x1  }
0x126: {  	[sflag:s14] =	ssyncset.done $0x0  }
0x127: {  	[sflag:s14] =	ssyncadd.s32 $0xFFFFCF00  }
0x128: {  	_ =	sfence.sel $0x180000  }
0x129: {  	[bflag:$0x0] =	sbarrier.arrive $0xFFFF  }
0x12a: {  	_ =	strace $0x90000047  }
0x12b: {  	s0 =	stileid.u32;
	[bflag:$0x2] =	sbarrier.arrive $0xFFFF  }
0x12c: {  	p0 =	sne.s32 s0, $0x0;
	s0 =	rddreg [dreg:$0x4]  }
0x12d: {  	s0 =	sadd.s32 @!p0 $0x100000, s0  }
0x12e: {  	[sflag:s0] =	ssyncadd.tile.s32 @!p0 $0x1;
	_ =	shalt  }
.Lfunc_end2:
_tile_overlayer_lowered:
.L_overlay_start_2:
0x12f: {  	(tag) =	ssettag $0x2  }
0x130: {  	s0 =	rddreg [dreg:$0x0];
	s2 =	stileid.u32  }
0x131: {  	s1 =	rddreg [dreg:$0x1];
	p0 =	sne.s32 s2, $0x0  }
0x132: {  	s3 =	rddreg [dreg:$0x2];
	[bflag:$0x3] =	sbarrier.arrive $0xFFFF;
	s2 =	simm.s32 @!p0 $0x1C02  }
0x133: {  	[timem:s3], [sflag:s2] =	dma.local @!p0 [hbm:s0], s1  }
0x134: {  	s0 =	simm.s32 @!p0 $0x2  }
0x135: {  	_ =	swait.ge @!p0 [sflag:s0], s1  }
0x136: {  	s1 =	ssub.s32 @!p0 $0x0, s1;
	[sflag:s0] =	ssyncset.done @!p0 $0x0  }
0x137: {  	[sflag:s0] =	ssyncadd.s32 @!p0 s1  }
0x138: {  	[bflag:$0x3] =	sbarrier.arrive $0xFFFF  }
0x139: {  	_ =	shalt  }

</sc_bundles>
